<compile_context>
chip_gen: v7x
topology: tpu7x:2x2x1
jax: 0.10.2.dev20260603
libtpu: 0.0.44.dev20260713+nightly
codegen_flags: <defaults>
</compile_context>

<pallas_src>
import functools

import jax
import jax.numpy as jnp
from jax import lax
from jax.experimental import pallas as pl
from jax.experimental.pallas import tpu as pltpu
from jax.experimental.pallas import tpu_sc as plsc

F = 128
NE = 64
MSG = 64
HEADS = 2
TAU = 0.1
N_REAL = 10000
E_REAL = 320000

NP = 10240
CE = 4096
NCHUNK = 80
EP = NCHUNK * CE
NT = 32
ET = EP // NT
KT = ET // 128
ZR = NP // 16

_f32 = jnp.float32
_HI = lax.Precision.HIGHEST


def _leaky(v):
    return jnp.where(v >= 0, v, 0.01 * v)


def _onehot(dst, n_rows):
    return (dst == lax.broadcasted_iota(jnp.int32, (n_rows, F), 1)).astype(_f32)


def _dot(a, b):
    return jnp.dot(a, b, preferred_element_type=_f32)


def _doth(a, b):
    return jnp.dot(a, b, preferred_element_type=_f32, precision=_HI)



def _blk0_body(dst_ref, ev_ref, wm1f_ref, wef_ref, rows_ref, m1_ref, e1_ref,
               aggf_ref):
    i = pl.program_id(0)
    dst = dst_ref[...]
    ev = ev_ref[...]
    oh = _onehot(dst, CE)
    rows = rows_ref[...]
    w1, w2, we, c_m2, c_e = (rows[0:1], rows[1:2], rows[2:3], rows[3:4],
                             rows[4:5])
    m1 = jnp.maximum(_dot(oh, wm1f_ref[...]) + ev * w1, 0.0)
    m1_ref[...] = m1
    e1 = c_e + _dot(oh, wef_ref[...]) + ev * we
    e1_ref[...] = _leaky(e1)
    m2 = jnp.maximum(c_m2 + ev * w2, 0.0)
    gidx = i * CE + lax.broadcasted_iota(jnp.int32, (CE, 1), 0)
    m2 = jnp.where(gidx < E_REAL, m2, 0.0)
    part = _split_segsum(oh, m2)

    @pl.when(i == 0)
    def _():
        aggf_ref[...] = jnp.zeros_like(aggf_ref)

    aggf_ref[...] += part


def _split_gather(oh, tbl):
    hi = tbl.astype(jnp.bfloat16).astype(_f32)
    lo = tbl - hi
    return _dot(oh, hi) + _dot(oh, lo)


def _split_segsum(oh, vals):
    hi = vals.astype(jnp.bfloat16).astype(_f32)
    lo = vals - hi
    dn = (((0,), (0,)), ((), ()))
    return (lax.dot_general(oh, hi, dn, preferred_element_type=_f32)
            + lax.dot_general(oh, lo, dn, preferred_element_type=_f32))


def _blk1_body(dst_ref, e1_ref, g_ref, feat_ref, wm1t_ref, wm1b_ref, wm2t_ref,
               wm2b_ref, wet_ref, wef_ref, web_ref, m1_ref, e2_ref, aggf_ref):
    i = pl.program_id(0)
    dst = dst_ref[...]
    e1 = e1_ref[...]
    g = g_ref[...]
    oh = _onehot(dst, CE)
    featd = _split_gather(oh, feat_ref[...])
    m1 = jnp.maximum(_dot(featd, wm1t_ref[...]) + _dot(e1, wm1b_ref[...]), 0.0)
    m1_ref[...] = m1
    m2 = jnp.maximum(_dot(g, wm2t_ref[...]) + _dot(e1, wm2b_ref[...]), 0.0)
    e2 = _dot(g, wet_ref[...]) + _dot(featd, wef_ref[...]) \
        + _dot(e1, web_ref[...])
    e2_ref[...] = _leaky(e2)
    gidx = i * CE + lax.broadcasted_iota(jnp.int32, (CE, 1), 0)
    m2 = jnp.where(gidx < E_REAL, m2, 0.0)
    part = _split_segsum(oh, m2)

    @pl.when(i == 0)
    def _():
        aggf_ref[...] = jnp.zeros_like(aggf_ref)

    aggf_ref[...] += part


def _blk2_body(dst_ref, e2_ref, g2_ref, feat_ref, wm1t_ref, wm1b_ref,
               wm2t_ref, wm2b_ref, m1_ref, aggf_ref):
    i = pl.program_id(0)
    dst = dst_ref[...]
    e2 = e2_ref[...]
    oh = _onehot(dst, CE)
    featd = _split_gather(oh, feat_ref[...])
    m1 = jnp.maximum(_dot(featd, wm1t_ref[...]) + _dot(e2, wm1b_ref[...]), 0.0)
    m1_ref[...] = m1
    m2 = jnp.maximum(_dot(g2_ref[...], wm2t_ref[...])
                     + _dot(e2, wm2b_ref[...]), 0.0)
    gidx = i * CE + lax.broadcasted_iota(jnp.int32, (CE, 1), 0)
    m2 = jnp.where(gidx < E_REAL, m2, 0.0)
    part = _split_segsum(oh, m2)

    @pl.when(i == 0)
    def _():
        aggf_ref[...] = jnp.zeros_like(aggf_ref)

    aggf_ref[...] += part


def _edge_chunk_call(body, chunk_shapes, const_shapes, out_shapes,
                     out_chunked):
    in_specs = []
    for shp in chunk_shapes:
        in_specs.append(pl.BlockSpec((CE, shp), lambda i: (i, 0)))
    for shp in const_shapes:
        in_specs.append(
            pl.BlockSpec(shp, lambda i, _z=tuple(0 for _ in shp): _z))
    out_specs = []
    for shp, chunked in zip(out_shapes, out_chunked):
        if chunked:
            out_specs.append(pl.BlockSpec((CE, shp[1]), lambda i: (i, 0)))
        else:
            out_specs.append(pl.BlockSpec(shp, lambda i: (0, 0)))
    out_shape = [
        jax.ShapeDtypeStruct((EP, shp[1]) if chunked else shp, _f32)
        for shp, chunked in zip(out_shapes, out_chunked)
    ]
    return pl.pallas_call(
        body,
        grid=(NCHUNK,),
        in_specs=in_specs,
        out_specs=out_specs,
        out_shape=out_shape,
    )



def _sc_mesh():
    return plsc.VectorSubcoreMesh(core_axis_name="c", subcore_axis_name="s")


def _make_sc_gather(width):
    @functools.partial(
        pl.kernel,
        out_type=jax.ShapeDtypeStruct((EP, width), _f32),
        mesh=_sc_mesh(),
        compiler_params=pltpu.CompilerParams(use_tc_tiling_on_sc=False),
        scratch_types=[
            pltpu.VMEM((KT, 128), jnp.int32),
            pltpu.VMEM((128, width), _f32),
            pltpu.VMEM((128, width), _f32),
            pltpu.SemaphoreType.DMA,
            pltpu.SemaphoreType.DMA,
        ],
    )
    def gather(table_hbm, idx_hbm, out_hbm, idx_v, b0, b1, s0, s1):
        c = lax.axis_index("c")
        s = lax.axis_index("s")
        t = c * 16 + s
        base = t * KT
        pltpu.sync_copy(idx_hbm.at[pl.ds(base, KT)], idx_v)
        pltpu.async_copy(table_hbm.at[idx_v.at[0]], b0, s0)

        def body(h, carry):
            j0 = 2 * h
            d1 = pltpu.async_copy(table_hbm.at[idx_v.at[j0 + 1]], b1, s1)
            pltpu.make_async_copy(table_hbm.at[idx_v.at[j0]], b0, s0).wait()
            pltpu.sync_copy(b0, out_hbm.at[pl.ds((base + j0) * 128, 128)])

            @pl.when(h + 1 < KT // 2)
            def _():
                pltpu.async_copy(table_hbm.at[idx_v.at[j0 + 2]], b0, s0)

            d1.wait()
            pltpu.sync_copy(b1, out_hbm.at[pl.ds((base + j0 + 1) * 128, 128)])
            return carry

        lax.fori_loop(0, KT // 2, body, 0)

    return gather


def _make_sc_scatter():
    @functools.partial(
        pl.kernel,
        out_type=jax.ShapeDtypeStruct((2 * NP, MSG), _f32),
        mesh=_sc_mesh(),
        compiler_params=pltpu.CompilerParams(use_tc_tiling_on_sc=False),
        scratch_types=[
            pltpu.VMEM((KT, 128), jnp.int32),
            pltpu.VMEM((128, MSG), _f32),
            pltpu.VMEM((128, MSG), _f32),
            pltpu.VMEM_SHARED((NP, MSG), _f32),
            pltpu.SemaphoreType.DMA,
            pltpu.SemaphoreType.DMA,
        ],
    )
    def scatter(idx_hbm, vals_hbm, zeros_hbm, out_hbm, idx_v, v0, v1, acc,
                s0, s1):
        c = lax.axis_index("c")
        s = lax.axis_index("s")
        t = c * 16 + s
        pltpu.sync_copy(zeros_hbm.at[pl.ds(s * ZR, ZR)], acc.at[pl.ds(s * ZR, ZR)])
        plsc.subcore_barrier()
        base = t * KT
        pltpu.sync_copy(idx_hbm.at[pl.ds(base, KT)], idx_v)
        pltpu.async_copy(vals_hbm.at[pl.ds(base * 128, 128)], v0, s0)

        def body(h, carry):
            j0 = 2 * h
            d1 = pltpu.async_copy(vals_hbm.at[pl.ds((base + j0 + 1) * 128, 128)],
                                  v1, s1)
            pltpu.make_async_copy(vals_hbm.at[pl.ds(base * 128, 128)], v0,
                                  s0).wait()
            pltpu.sync_copy(v0, acc.at[idx_v.at[j0]], add=True)

            @pl.when(h + 1 < KT // 2)
            def _():
                pltpu.async_copy(vals_hbm.at[pl.ds((base + j0 + 2) * 128, 128)],
                                 v0, s0)

            d1.wait()
            pltpu.sync_copy(v1, acc.at[idx_v.at[j0 + 1]], add=True)
            return carry

        lax.fori_loop(0, KT // 2, body, 0)
        plsc.subcore_barrier()
        pltpu.sync_copy(acc.at[pl.ds(s * ZR, ZR)],
                        out_hbm.at[pl.ds(c * NP + s * ZR, ZR)])

    return scatter



def _upd0_body(aggn_ref, aggf_ref, cn_ref, wnb_ref, wftop_ref, wfb_ref,
               node1_ref, feat1_ref):
    aggn = aggn_ref[0:NP, :] + aggn_ref[NP:2 * NP, :]
    node1_ref[...] = _leaky(cn_ref[...] + _dot(aggn, wnb_ref[...]))
    feat1_ref[...] = _leaky(wftop_ref[...] + _dot(aggf_ref[...], wfb_ref[...]))


def _upd1_body(aggn_ref, aggf_ref, node1_ref, feat1_ref, wnt_ref, wnb_ref,
               wft_ref, wfb_ref, node2_ref, feat2_ref):
    aggn = aggn_ref[0:NP, :] + aggn_ref[NP:2 * NP, :]
    node2_ref[...] = _leaky(_dot(node1_ref[...], wnt_ref[...])
                            + _dot(aggn, wnb_ref[...]))
    feat2_ref[...] = _leaky(_dot(feat1_ref[...], wft_ref[...])
                            + _dot(aggf_ref[...], wfb_ref[...]))


def _upd2_body(aggn_ref, aggf_ref, node2_ref, feat2_ref, wnt_ref, wnb_ref,
               wft_ref, wfb_ref, logits_ref, wk_ref, node3n_ref, bmat_ref,
               probs_ref, kl_ref):
    aggn = aggn_ref[0:NP, :] + aggn_ref[NP:2 * NP, :]
    node3 = _leaky(_dot(node2_ref[...], wnt_ref[...]) + _dot(aggn, wnb_ref[...]))
    nrm = jnp.sqrt(jnp.sum(node3 * node3, axis=1, keepdims=True))
    node3n_ref[...] = node3 / (nrm + 1e-12)
    feat3 = _leaky(_dot(feat2_ref[...], wft_ref[...])
                   + _dot(aggf_ref[...], wfb_ref[...]))
    fnrm = jnp.sqrt(jnp.sum(feat3 * feat3, axis=1, keepdims=True))
    feat3n = feat3 / (fnrm + 1e-12)
    probs = jax.nn.sigmoid(logits_ref[...] / TAU)
    probs_ref[...] = probs
    kl = probs * jnp.log(probs / 0.5 + 1e-12) \
        + (1.0 - probs) * jnp.log((1.0 - probs) / 0.5 + 1e-12)
    kl_ref[...] = jnp.sum(kl, keepdims=True).reshape(1, 1) / (F * F)
    ctx = _dot(probs, feat3n)
    bmat_ref[...] = _dot(ctx, wk_ref[...])


NROW = 2000


def _head_body(node3n_ref, x_ref, xc_ref, mask_ref, wq_ref, bmat_ref, rb_ref,
               nw_ref, nb_ref, dhat_ref, adj_ref, y_ref):
    q = _dot(node3n_ref[...], wq_ref[...])
    scale = 1.0 / (HEADS * jnp.sqrt(jnp.float32(NE // HEADS)))
    d = lax.dot_general(q, bmat_ref[...], (((1,), (1,)), ((), ())),
                        preferred_element_type=_f32) * scale + rb_ref[...]
    dhat_ref[...] = d
    adj_ref[...] = jnp.where(mask_ref[...] == 1, x_ref[...], d)
    y_ref[...] = _dot(xc_ref[...], nw_ref[...]) + nb_ref[...]



def _bf16r(a):
    return a.astype(jnp.bfloat16).astype(_f32)


def kernel(x, x_complete, mask, edge_src, edge_dst, edge_value, params):
    p = params

    pad = EP - E_REAL
    src_pad = jnp.concatenate(
        [edge_src, jnp.full((pad,), N_REAL, jnp.int32)]).astype(jnp.int32)
    dst_pad = jnp.concatenate([edge_dst, jnp.zeros((pad,), jnp.int32)])
    ev_pad = jnp.concatenate([edge_value, jnp.zeros((pad,), _f32)])
    src2d = src_pad.reshape(EP // 128, 128)
    dst_col = dst_pad.reshape(EP, 1)
    ev_col = _bf16r(ev_pad.reshape(EP, 1))
    zeros_np = jnp.zeros((NP, MSG), _f32)

    wm1_0, wm2_0, wn_0, wf_0, we_0 = (p["b0_Wm1"], p["b0_Wm2"], p["b0_Wn"],
                                      p["b0_Wf"], p["b0_We"])
    rows0 = jnp.zeros((8, MSG), _f32)
    rows0 = rows0.at[0].set(_bf16r(wm1_0[F]))
    rows0 = rows0.at[1].set(_bf16r(wm2_0[F]))
    rows0 = rows0.at[2].set(_bf16r(we_0[2 * F]))
    rows0 = rows0.at[3].set(_bf16r(wm2_0[:F]).sum(0))
    rows0 = rows0.at[4].set(_bf16r(we_0[:F]).sum(0))
    cn0 = _bf16r(wn_0[:F]).sum(0).reshape(1, NE)

    wm1_1, wm2_1, wn_1, wf_1, we_1 = (p["b1_Wm1"], p["b1_Wm2"], p["b1_Wn"],
                                      p["b1_Wf"], p["b1_We"])
    wm1_2, wm2_2, wn_2, wf_2 = (p["b2_Wm1"], p["b2_Wm2"], p["b2_Wn"],
                                p["b2_Wf"])

    sc_gather = _make_sc_gather(NE)
    sc_scatter = _make_sc_scatter()

    blk0 = _edge_chunk_call(
        _blk0_body, [1, 1], [(F, MSG), (F, MSG), (8, MSG)],
        [(EP, MSG), (EP, MSG), (F, MSG)], [True, True, False])
    m1_0, e1, aggf0 = blk0(dst_col, ev_col, _bf16r(wm1_0[:F]),
                           _bf16r(we_0[F:2 * F]), rows0)

    aggn0 = sc_scatter(src2d, m1_0, zeros_np)

    upd0 = pl.pallas_call(
        _upd0_body,
        out_shape=[
            jax.ShapeDtypeStruct((NP, NE), _f32),
            jax.ShapeDtypeStruct((F, NE), _f32),
        ],
    )
    node1, feat1 = upd0(aggn0, aggf0, cn0, wn_0[F:], _bf16r(wf_0[:F]),
                        wf_0[F:])

    g1 = sc_gather(node1, src2d)

    blk1 = _edge_chunk_call(
        _blk1_body, [1, NE, NE],
        [(F, NE), (NE, MSG), (NE, MSG), (NE, MSG), (NE, MSG), (NE, NE),
         (NE, NE), (NE, NE)],
        [(EP, MSG), (EP, NE), (F, MSG)], [True, True, False])
    m1_1, e2, aggf1 = blk1(dst_col, e1, g1, feat1, wm1_1[:NE], wm1_1[NE:],
                           wm2_1[:NE], wm2_1[NE:], we_1[:NE],
                           we_1[NE:2 * NE], we_1[2 * NE:])

    aggn1 = sc_scatter(src2d, m1_1, zeros_np)

    upd1 = pl.pallas_call(
        _upd1_body,
        out_shape=[
            jax.ShapeDtypeStruct((NP, NE), _f32),
            jax.ShapeDtypeStruct((F, NE), _f32),
        ],
    )
    node2, feat2 = upd1(aggn1, aggf1, node1, feat1, wn_1[:NE], wn_1[NE:],
                        wf_1[:NE], wf_1[NE:])

    g2 = sc_gather(node2, src2d)

    blk2 = _edge_chunk_call(
        _blk2_body, [1, NE, NE],
        [(F, NE), (NE, MSG), (NE, MSG), (NE, MSG), (NE, MSG)],
        [(EP, MSG), (F, MSG)], [True, False])
    m1_2, aggf2 = blk2(dst_col, e2, g2, feat2, wm1_2[:NE], wm1_2[NE:],
                       wm2_2[:NE], wm2_2[NE:])

    aggn2 = sc_scatter(src2d, m1_2, zeros_np)

    upd2 = pl.pallas_call(
        _upd2_body,
        out_shape=[
            jax.ShapeDtypeStruct((NP, NE), _f32),
            jax.ShapeDtypeStruct((F, NE), _f32),
            jax.ShapeDtypeStruct((F, F), _f32),
            jax.ShapeDtypeStruct((1, 1), _f32),
        ],
    )
    node3n, bmat, probs, kl = upd2(
        aggn2, aggf2, node2, feat2, wn_2[:NE], wn_2[NE:], wf_2[:NE],
        wf_2[NE:], p["gll_logits"], p["reph_Wk"])

    head = pl.pallas_call(
        _head_body,
        grid=(N_REAL // NROW,),
        in_specs=[
            pl.BlockSpec((NROW, NE), lambda i: (i, 0)),
            pl.BlockSpec((NROW, F), lambda i: (i, 0)),
            pl.BlockSpec((NROW, F), lambda i: (i, 0)),
            pl.BlockSpec((NROW, F), lambda i: (i, 0)),
            pl.BlockSpec((NE, NE), lambda i: (0, 0)),
            pl.BlockSpec((F, NE), lambda i: (0, 0)),
            pl.BlockSpec((1, F), lambda i: (0, 0)),
            pl.BlockSpec((F, 10), lambda i: (0, 0)),
            pl.BlockSpec((1, 10), lambda i: (0, 0)),
        ],
        out_specs=[
            pl.BlockSpec((NROW, F), lambda i: (i, 0)),
            pl.BlockSpec((NROW, F), lambda i: (i, 0)),
            pl.BlockSpec((NROW, 10), lambda i: (i, 0)),
        ],
        out_shape=[
            jax.ShapeDtypeStruct((N_REAL, F), _f32),
            jax.ShapeDtypeStruct((N_REAL, F), _f32),
            jax.ShapeDtypeStruct((N_REAL, 10), _f32),
        ],
    )
    d_hat, d_hat_adj, y_hat = head(
        node3n[:N_REAL], x, x_complete, mask, p["reph_Wq"], bmat,
        p["reph_b"].reshape(1, F), p["nph_W"], p["nph_b"].reshape(1, 10))

    return d_hat, d_hat_adj, y_hat, kl.reshape(()), probs

# --- scband reference (transcript-rebuilt; emitter-appended) ---
"""Pipeline reference for scband-proposed-35613868818905 (READ-ONLY COPY).

The authoritative reference and input builder live on the scoring server;
editing this copy changes nothing except your own understanding.
"""

import jax, jax.numpy as jnp
import numpy as np

N, F, E = 10000, 128, 320000
NE = 64
EE = 64
MSG = 64
HEADS = 2
LABELS = 10
TAU = 0.1


def _init_params(key):
    params = {}
    dims = [(F, F, 1), (NE, NE, EE), (NE, NE, EE)]
    for li, (ni, fi, ei) in enumerate(dims):
        for name, shape in [("Wm1", (fi + ei, MSG)), ("Wn", (ni + MSG, NE)), ("Wm2", (ni + ei, MSG)), ("Wf", (fi + MSG, NE)), ("We", (ni + fi + ei, EE))]:
            key, sub = jax.random.split(key)
            params["b%d_%s" % (li, name)] = jax.random.normal(sub, shape, dtype=jnp.float32) * 0.05
    for name, shape in [("gll_logits", (F, F)), ("reph_Wq", (NE, NE)), ("reph_Wk", (NE, NE)), ("reph_b", (F,)), ("nph_W", (F, LABELS)), ("nph_b", (LABELS,))]:
        key, sub = jax.random.split(key)
        params[name] = jax.random.normal(sub, shape, dtype=jnp.float32) * 0.05
    return params


def setup_inputs(seed: int = 0):
    key = jax.random.key(seed)
    ks = jax.random.split(key, 8)
    return {
        "x": jax.random.normal(ks[0], (N, F), dtype=jnp.float32),
        "x_complete": jax.random.normal(ks[1], (N, F), dtype=jnp.float32),
        "mask": jax.random.randint(ks[2], (N, F), 0, 2, dtype=jnp.int32),
        "edge_src": jax.random.randint(ks[3], (E,), 0, N, dtype=jnp.int32),
        "edge_dst": jax.random.randint(ks[4], (E,), 0, F, dtype=jnp.int32),
        "edge_value": jax.random.normal(ks[5], (E,), dtype=jnp.float32),
        "params": _init_params(ks[6]),
    }


def _block(node, feat, edge, src, dst, p, li):
    # feature -> node messages (gather feat[dst], scatter-add to src)
    m1 = jax.nn.relu(jnp.concatenate([feat[dst], edge], axis=1) @ p["b%d_Wm1" % li])
    agg_n = jax.ops.segment_sum(m1, src, num_segments=node.shape[0])
    # node -> feature messages (gather node[src], scatter-add to dst)
    m2 = jax.nn.relu(jnp.concatenate([node[src], edge], axis=1) @ p["b%d_Wm2" % li])
    agg_f = jax.ops.segment_sum(m2, dst, num_segments=feat.shape[0])
    node_new = jnp.concatenate([node, agg_n], axis=1) @ p["b%d_Wn" % li]
    feat_new = jnp.concatenate([feat, agg_f], axis=1) @ p["b%d_Wf" % li]
    edge_new = jnp.concatenate([node[src], feat[dst], edge], axis=1) @ p["b%d_We" % li]
    return node_new, feat_new, edge_new


def _norm(t):
    return t / (jnp.linalg.norm(t, axis=1, keepdims=True) + 1e-12)


def _forward(x, x_complete, mask, edge_src, edge_dst, edge_value, params):
    # Init: constant node embeddings, one-hot feature embeddings (GRAPE-style)
    node = jnp.ones((x.shape[0], F), dtype=jnp.float32)
    feat = jnp.eye(F, dtype=jnp.float32)
    edge = edge_value[:, None]
    for li in range(3):
        node, feat, edge = _block(node, feat, edge, edge_src, edge_dst, params, li)
        node = jax.nn.leaky_relu(node)
        feat = jax.nn.leaky_relu(feat)
        edge = jax.nn.leaky_relu(edge)
    node = _norm(node)
    feat = _norm(feat)
    edge = _norm(edge)
    # AdaptiveGraphLearningLayer: learned soft feature-feature relation + KL to Bernoulli(0.5) prior
    probs = jax.nn.sigmoid(params["gll_logits"] / TAU)
    kl = jnp.mean(probs * jnp.log(probs / 0.5 + 1e-12) + (1.0 - probs) * jnp.log((1.0 - probs) / 0.5 + 1e-12))
    # AttentionEdgePredictionHead: multi-head attention between node embs and relation-mixed feature embs
    ctx = probs @ feat
    dh = NE // HEADS
    q = (node @ params["reph_Wq"]).reshape(node.shape[0], HEADS, dh)
    k = (ctx @ params["reph_Wk"]).reshape(F, HEADS, dh)
    scores = jnp.einsum("nhd,fhd->nhf", q, k) / jnp.sqrt(jnp.float32(dh))
    d_hat = jnp.mean(scores, axis=1) + params["reph_b"]
    # d_hat_adj: detached copy with observed entries overwritten (eval mode; cat/numeric pos empty)
    d_hat_adj = jax.lax.stop_gradient(d_hat)
    d_hat_adj = jnp.where(mask == 1, x, d_hat_adj)
    # NodePredictionHead on x_complete (eval-mode branch)
    y_hat = x_complete @ params["nph_W"] + params["nph_b"]
    return d_hat, d_hat_adj, y_hat, kl, probs


def reference(x, x_complete, mask, edge_src, edge_dst, edge_value, params):
    return _forward(x, x_complete, mask, edge_src, edge_dst, edge_value, params)

if __name__ == "__main__":
    import jax
    _d = setup_inputs()
    print(jax.jit(kernel)(*tuple(_d.values())))

</pallas_src>

<mosaic_0001>
#map = affine_map<(d0, d1) -> (0, 0)>
module attributes {stable_mosaic.version = 14 : i64} {
  func.func @scatter(%arg0: i32, %arg1: i32, %arg2: memref<2560x128xi32, #tpu.memory_space<hbm>>, %arg3: memref<327680x64xf32, #tpu.memory_space<hbm>>, %arg4: memref<10240x64xf32, #tpu.memory_space<hbm>>, %arg5: memref<20480x64xf32, #tpu.memory_space<hbm>>, %arg6: memref<80x128xi32, #tpu.memory_space<vmem>>, %arg7: memref<128x64xf32, #tpu.memory_space<vmem>>, %arg8: memref<128x64xf32, #tpu.memory_space<vmem>>, %arg9: memref<10240x64xf32, #tpu.memory_space<vmem_shared>>, %arg10: memref<!tpu.dma_semaphore, #tpu.memory_space<semaphore_mem>>, %arg11: memref<!tpu.dma_semaphore, #tpu.memory_space<semaphore_mem>>) attributes {dimension_semantics = [#tpu.dimension_semantics<core_parallel>, #tpu.dimension_semantics<subcore_parallel>], iteration_bounds = array<i64: 2, 16>, scalar_prefetch = 0 : i64, scratch_operands = 6 : i64, tpu.core_type = #tpu.core_type<sc_vector_subcore>, window_params = [{transform_indices = #map}, {transform_indices = #map}, {transform_indices = #map}, {transform_indices = #map}]} {
    %mul3A = arith.constant 16 : i32
    %mul3A_0 = arith.muli %arg0, %mul3A : i32
    %add3A = arith.addi %mul3A_0, %arg1 : i32
    %mul3A_1 = arith.constant 640 : i32
    %mul3A_2 = arith.muli %arg1, %mul3A_1 : i32
    %mul3A_3 = arith.constant 640 : i32
    %mul3A_4 = arith.muli %arg1, %mul3A_3 : i32
    "tpu.region"() ({
      %run_scoped3A = tpu.sem_alloc : memref<!tpu.dma_semaphore, #tpu.memory_space<semaphore_mem>>
      %dma_start3A_25 = arith.constant 0 : i32
      %dma_start3A_26 = tpu.memref_slice %arg9[%mul3A_4, %dma_start3A_25] : memref<10240x64xf32, #tpu.memory_space<vmem_shared>> -> memref<640x64xf32, #tpu.memory_space<vmem_shared>>
      %dma_start3A_27 = arith.constant 0 : i32
      %dma_start3A_28 = tpu.memref_slice %arg4[%mul3A_2, %dma_start3A_27] : memref<10240x64xf32, #tpu.memory_space<hbm>> -> memref<640x64xf32, #tpu.memory_space<hbm>>
      tpu.enqueue_dma source(%dma_start3A_28 : memref<640x64xf32, #tpu.memory_space<hbm>>) target(%dma_start3A_26 : memref<640x64xf32, #tpu.memory_space<vmem_shared>>) target_semaphore(%run_scoped3A : memref<!tpu.dma_semaphore, #tpu.memory_space<semaphore_mem>>)
      %dma_wait3A = arith.constant 0 : i32
      %dma_wait3A_29 = tpu.memref_slice %arg9[%mul3A_4, %dma_wait3A] : memref<10240x64xf32, #tpu.memory_space<vmem_shared>> -> memref<640x64xf32, #tpu.memory_space<vmem_shared>>
      %dma_wait3A_30 = arith.constant 0 : i32
      %dma_wait3A_31 = tpu.memref_slice %arg4[%mul3A_2, %dma_wait3A_30] : memref<10240x64xf32, #tpu.memory_space<hbm>> -> memref<640x64xf32, #tpu.memory_space<hbm>>
      tpu.wait_dma2 semaphore(%run_scoped3A : memref<!tpu.dma_semaphore, #tpu.memory_space<semaphore_mem>>) src(%dma_wait3A_31 : memref<640x64xf32, #tpu.memory_space<hbm>>) dst(%dma_wait3A_29 : memref<640x64xf32, #tpu.memory_space<vmem_shared>>)
      tpu.yield
    }) : () -> ()
    %barrier3A = arith.constant 0 : index
    tpu.barrier barrier_id(%barrier3A)
    %mul3A_5 = arith.constant 80 : i32
    %mul3A_6 = arith.muli %add3A, %mul3A_5 : i32
    "tpu.region"() ({
      %run_scoped3A = tpu.sem_alloc : memref<!tpu.dma_semaphore, #tpu.memory_space<semaphore_mem>>
      %dma_start3A_25 = arith.constant 0 : i32
      %dma_start3A_26 = tpu.memref_slice %arg2[%mul3A_6, %dma_start3A_25] : memref<2560x128xi32, #tpu.memory_space<hbm>> -> memref<80x128xi32, #tpu.memory_space<hbm>>
      %dma_start3A_27 = arith.constant 0 : i32
      %dma_start3A_28 = tpu.memref_slice %arg2[%mul3A_6, %dma_start3A_27] : memref<2560x128xi32, #tpu.memory_space<hbm>> -> memref<80x128xi32, #tpu.memory_space<hbm>>
      tpu.enqueue_dma source(%dma_start3A_28 : memref<80x128xi32, #tpu.memory_space<hbm>>) target(%arg6 : memref<80x128xi32, #tpu.memory_space<vmem>>) target_semaphore(%run_scoped3A : memref<!tpu.dma_semaphore, #tpu.memory_space<semaphore_mem>>)
      %dma_wait3A = arith.constant 0 : i32
      %dma_wait3A_29 = tpu.memref_slice %arg2[%mul3A_6, %dma_wait3A] : memref<2560x128xi32, #tpu.memory_space<hbm>> -> memref<80x128xi32, #tpu.memory_space<hbm>>
      %dma_wait3A_30 = arith.constant 0 : i32
      %dma_wait3A_31 = tpu.memref_slice %arg2[%mul3A_6, %dma_wait3A_30] : memref<2560x128xi32, #tpu.memory_space<hbm>> -> memref<80x128xi32, #tpu.memory_space<hbm>>
      tpu.wait_dma2 semaphore(%run_scoped3A : memref<!tpu.dma_semaphore, #tpu.memory_space<semaphore_mem>>) src(%dma_wait3A_31 : memref<80x128xi32, #tpu.memory_space<hbm>>) dst(%arg6 : memref<80x128xi32, #tpu.memory_space<vmem>>)
      tpu.yield
    }) : () -> ()
    %mul3A_7 = arith.constant 128 : i32
    %mul3A_8 = arith.muli %mul3A_6, %mul3A_7 : i32
    %dma_start3A = arith.constant 0 : i32
    %dma_start3A_9 = tpu.memref_slice %arg3[%mul3A_8, %dma_start3A] : memref<327680x64xf32, #tpu.memory_space<hbm>> -> memref<128x64xf32, #tpu.memory_space<hbm>>
    %dma_start3A_10 = arith.constant 0 : i32
    %dma_start3A_11 = tpu.memref_slice %arg3[%mul3A_8, %dma_start3A_10] : memref<327680x64xf32, #tpu.memory_space<hbm>> -> memref<128x64xf32, #tpu.memory_space<hbm>>
    tpu.enqueue_dma source(%dma_start3A_11 : memref<128x64xf32, #tpu.memory_space<hbm>>) target(%arg7 : memref<128x64xf32, #tpu.memory_space<vmem>>) target_semaphore(%arg10 : memref<!tpu.dma_semaphore, #tpu.memory_space<semaphore_mem>>)
    %scan3A = arith.constant 0 : i32
    %scan3A_12 = arith.constant 0 : i32
    %scan3A_13 = arith.constant 40 : i32
    %scan3A_14 = arith.addi %scan3A_12, %scan3A_13 : i32
    %scan3A_15 = arith.constant 1 : i32
    scf.for %scan3A_25 = %scan3A_12 to %scan3A_14 step %scan3A_15  : i32 {
      %mul3A_26 = arith.constant 2 : i32
      %mul3A_27 = arith.muli %mul3A_26, %scan3A_25 : i32
      %add3A_28 = arith.addi %mul3A_6, %mul3A_27 : i32
      %add3A_29 = arith.constant 1 : i32
      %add3A_30 = arith.addi %add3A_28, %add3A_29 : i32
      %mul3A_31 = arith.constant 128 : i32
      %mul3A_32 = arith.muli %add3A_30, %mul3A_31 : i32
      %dma_start3A_33 = arith.constant 0 : i32
      %dma_start3A_34 = tpu.memref_slice %arg3[%mul3A_32, %dma_start3A_33] : memref<327680x64xf32, #tpu.memory_space<hbm>> -> memref<128x64xf32, #tpu.memory_space<hbm>>
      %dma_start3A_35 = arith.constant 0 : i32
      %dma_start3A_36 = tpu.memref_slice %arg3[%mul3A_32, %dma_start3A_35] : memref<327680x64xf32, #tpu.memory_space<hbm>> -> memref<128x64xf32, #tpu.memory_space<hbm>>
      tpu.enqueue_dma source(%dma_start3A_36 : memref<128x64xf32, #tpu.memory_space<hbm>>) target(%arg8 : memref<128x64xf32, #tpu.memory_space<vmem>>) target_semaphore(%arg11 : memref<!tpu.dma_semaphore, #tpu.memory_space<semaphore_mem>>)
      %mul3A_37 = arith.constant 128 : i32
      %mul3A_38 = arith.muli %mul3A_6, %mul3A_37 : i32
      %dma_wait3A = arith.constant 0 : i32
      %dma_wait3A_39 = tpu.memref_slice %arg3[%mul3A_38, %dma_wait3A] : memref<327680x64xf32, #tpu.memory_space<hbm>> -> memref<128x64xf32, #tpu.memory_space<hbm>>
      %dma_wait3A_40 = arith.constant 0 : i32
      %dma_wait3A_41 = tpu.memref_slice %arg3[%mul3A_38, %dma_wait3A_40] : memref<327680x64xf32, #tpu.memory_space<hbm>> -> memref<128x64xf32, #tpu.memory_space<hbm>>
      tpu.wait_dma2 semaphore(%arg10 : memref<!tpu.dma_semaphore, #tpu.memory_space<semaphore_mem>>) src(%dma_wait3A_41 : memref<128x64xf32, #tpu.memory_space<hbm>>) dst(%arg7 : memref<128x64xf32, #tpu.memory_space<vmem>>)
      "tpu.region"() ({
        %run_scoped3A = tpu.sem_alloc : memref<!tpu.dma_semaphore, #tpu.memory_space<semaphore_mem>>
        %dma_start3A_52 = arith.constant 0 : i32
        %dma_start3A_53 = tpu.memref_slice %arg6[%mul3A_27, %dma_start3A_52] : memref<80x128xi32, #tpu.memory_space<vmem>> -> memref<1x128xi32, #tpu.memory_space<vmem>>
        %dma_start3A_54 = tpu.memref_squeeze %dma_start3A_53 : memref<1x128xi32, #tpu.memory_space<vmem>> -> memref<128xi32, #tpu.memory_space<vmem>>
        %dma_start3A_55 = arith.constant 0 : i32
        %dma_start3A_56 = arith.constant 0 : i32
        %dma_start3A_57 = tpu.memref_slice %arg9[%dma_start3A_55, %dma_start3A_56] : memref<10240x64xf32, #tpu.memory_space<vmem_shared>> -> memref<10240x64xf32, #tpu.memory_space<vmem_shared>>
        tpu.enqueue_indirect_dma source(%arg7 : memref<128x64xf32, #tpu.memory_space<vmem>>) target(%dma_start3A_57 : memref<10240x64xf32, #tpu.memory_space<vmem_shared>>) offsets(%dma_start3A_54 : memref<128xi32, #tpu.memory_space<vmem>>) semaphore(%run_scoped3A : memref<!tpu.dma_semaphore, #tpu.memory_space<semaphore_mem>>) {add = true}
        %dma_wait3A_58 = arith.constant 0 : i32
        %dma_wait3A_59 = tpu.memref_slice %arg6[%mul3A_27, %dma_wait3A_58] : memref<80x128xi32, #tpu.memory_space<vmem>> -> memref<1x128xi32, #tpu.memory_space<vmem>>
        %dma_wait3A_60 = tpu.memref_squeeze %dma_wait3A_59 : memref<1x128xi32, #tpu.memory_space<vmem>> -> memref<128xi32, #tpu.memory_space<vmem>>
        %dma_wait3A_61 = arith.constant 0 : i32
        %dma_wait3A_62 = arith.constant 0 : i32
        %dma_wait3A_63 = tpu.memref_slice %arg9[%dma_wait3A_61, %dma_wait3A_62] : memref<10240x64xf32, #tpu.memory_space<vmem_shared>> -> memref<10240x64xf32, #tpu.memory_space<vmem_shared>>
        tpu.wait_indirect_dma semaphore(%run_scoped3A : memref<!tpu.dma_semaphore, #tpu.memory_space<semaphore_mem>>) src(%arg7 : memref<128x64xf32, #tpu.memory_space<vmem>>) dst(%dma_wait3A_63 : memref<10240x64xf32, #tpu.memory_space<vmem_shared>>)
        tpu.yield
      }) : () -> ()
      %add3A_42 = arith.constant 1 : i32
      %add3A_43 = arith.addi %scan3A_25, %add3A_42 : i32
      %lt3A = arith.constant 40 : i32
      %lt3A_44 = arith.cmpi slt, %add3A_43, %lt3A : i32
      %convert_element_type3A = arith.extui %lt3A_44 : i1 to i32
      %cond3A = arith.constant 0 : i32
      %cond3A_45 = arith.cmpi ne, %convert_element_type3A, %cond3A : i32
      scf.if %cond3A_45 {
        %add3A_52 = arith.addi %mul3A_6, %mul3A_27 : i32
        %add3A_53 = arith.constant 2 : i32
        %add3A_54 = arith.addi %add3A_52, %add3A_53 : i32
        %mul3A_55 = arith.constant 128 : i32
        %mul3A_56 = arith.muli %add3A_54, %mul3A_55 : i32
        %dma_start3A_57 = arith.constant 0 : i32
        %dma_start3A_58 = tpu.memref_slice %arg3[%mul3A_56, %dma_start3A_57] : memref<327680x64xf32, #tpu.memory_space<hbm>> -> memref<128x64xf32, #tpu.memory_space<hbm>>
        %dma_start3A_59 = arith.constant 0 : i32
        %dma_start3A_60 = tpu.memref_slice %arg3[%mul3A_56, %dma_start3A_59] : memref<327680x64xf32, #tpu.memory_space<hbm>> -> memref<128x64xf32, #tpu.memory_space<hbm>>
        tpu.enqueue_dma source(%dma_start3A_60 : memref<128x64xf32, #tpu.memory_space<hbm>>) target(%arg7 : memref<128x64xf32, #tpu.memory_space<vmem>>) target_semaphore(%arg10 : memref<!tpu.dma_semaphore, #tpu.memory_space<semaphore_mem>>)
      } else {
      }
      %dma_wait3A_46 = arith.constant 0 : i32
      %dma_wait3A_47 = tpu.memref_slice %arg3[%mul3A_32, %dma_wait3A_46] : memref<327680x64xf32, #tpu.memory_space<hbm>> -> memref<128x64xf32, #tpu.memory_space<hbm>>
      %dma_wait3A_48 = arith.constant 0 : i32
      %dma_wait3A_49 = tpu.memref_slice %arg3[%mul3A_32, %dma_wait3A_48] : memref<327680x64xf32, #tpu.memory_space<hbm>> -> memref<128x64xf32, #tpu.memory_space<hbm>>
      tpu.wait_dma2 semaphore(%arg11 : memref<!tpu.dma_semaphore, #tpu.memory_space<semaphore_mem>>) src(%dma_wait3A_49 : memref<128x64xf32, #tpu.memory_space<hbm>>) dst(%arg8 : memref<128x64xf32, #tpu.memory_space<vmem>>)
      %add3A_50 = arith.constant 1 : i32
      %add3A_51 = arith.addi %mul3A_27, %add3A_50 : i32
      "tpu.region"() ({
        %run_scoped3A = tpu.sem_alloc : memref<!tpu.dma_semaphore, #tpu.memory_space<semaphore_mem>>
        %dma_start3A_52 = arith.constant 0 : i32
        %dma_start3A_53 = tpu.memref_slice %arg6[%add3A_51, %dma_start3A_52] : memref<80x128xi32, #tpu.memory_space<vmem>> -> memref<1x128xi32, #tpu.memory_space<vmem>>
        %dma_start3A_54 = tpu.memref_squeeze %dma_start3A_53 : memref<1x128xi32, #tpu.memory_space<vmem>> -> memref<128xi32, #tpu.memory_space<vmem>>
        %dma_start3A_55 = arith.constant 0 : i32
        %dma_start3A_56 = arith.constant 0 : i32
        %dma_start3A_57 = tpu.memref_slice %arg9[%dma_start3A_55, %dma_start3A_56] : memref<10240x64xf32, #tpu.memory_space<vmem_shared>> -> memref<10240x64xf32, #tpu.memory_space<vmem_shared>>
        tpu.enqueue_indirect_dma source(%arg8 : memref<128x64xf32, #tpu.memory_space<vmem>>) target(%dma_start3A_57 : memref<10240x64xf32, #tpu.memory_space<vmem_shared>>) offsets(%dma_start3A_54 : memref<128xi32, #tpu.memory_space<vmem>>) semaphore(%run_scoped3A : memref<!tpu.dma_semaphore, #tpu.memory_space<semaphore_mem>>) {add = true}
        %dma_wait3A_58 = arith.constant 0 : i32
        %dma_wait3A_59 = tpu.memref_slice %arg6[%add3A_51, %dma_wait3A_58] : memref<80x128xi32, #tpu.memory_space<vmem>> -> memref<1x128xi32, #tpu.memory_space<vmem>>
        %dma_wait3A_60 = tpu.memref_squeeze %dma_wait3A_59 : memref<1x128xi32, #tpu.memory_space<vmem>> -> memref<128xi32, #tpu.memory_space<vmem>>
        %dma_wait3A_61 = arith.constant 0 : i32
        %dma_wait3A_62 = arith.constant 0 : i32
        %dma_wait3A_63 = tpu.memref_slice %arg9[%dma_wait3A_61, %dma_wait3A_62] : memref<10240x64xf32, #tpu.memory_space<vmem_shared>> -> memref<10240x64xf32, #tpu.memory_space<vmem_shared>>
        tpu.wait_indirect_dma semaphore(%run_scoped3A : memref<!tpu.dma_semaphore, #tpu.memory_space<semaphore_mem>>) src(%arg8 : memref<128x64xf32, #tpu.memory_space<vmem>>) dst(%dma_wait3A_63 : memref<10240x64xf32, #tpu.memory_space<vmem_shared>>)
        tpu.yield
      }) : () -> ()
    }
    %scan3A_16 = arith.constant 40 : i32
    %barrier3A_17 = arith.constant 0 : index
    tpu.barrier barrier_id(%barrier3A_17)
    %mul3A_18 = arith.constant 640 : i32
    %mul3A_19 = arith.muli %arg1, %mul3A_18 : i32
    %mul3A_20 = arith.constant 10240 : i32
    %mul3A_21 = arith.muli %arg0, %mul3A_20 : i32
    %mul3A_22 = arith.constant 640 : i32
    %mul3A_23 = arith.muli %arg1, %mul3A_22 : i32
    %add3A_24 = arith.addi %mul3A_21, %mul3A_23 : i32
    "tpu.region"() ({
      %run_scoped3A = tpu.sem_alloc : memref<!tpu.dma_semaphore, #tpu.memory_space<semaphore_mem>>
      %dma_start3A_25 = arith.constant 0 : i32
      %dma_start3A_26 = tpu.memref_slice %arg5[%add3A_24, %dma_start3A_25] : memref<20480x64xf32, #tpu.memory_space<hbm>> -> memref<640x64xf32, #tpu.memory_space<hbm>>
      %dma_start3A_27 = arith.constant 0 : i32
      %dma_start3A_28 = tpu.memref_slice %arg9[%mul3A_19, %dma_start3A_27] : memref<10240x64xf32, #tpu.memory_space<vmem_shared>> -> memref<640x64xf32, #tpu.memory_space<vmem_shared>>
      tpu.enqueue_dma source(%dma_start3A_28 : memref<640x64xf32, #tpu.memory_space<vmem_shared>>) target(%dma_start3A_26 : memref<640x64xf32, #tpu.memory_space<hbm>>) target_semaphore(%run_scoped3A : memref<!tpu.dma_semaphore, #tpu.memory_space<semaphore_mem>>)
      %dma_wait3A = arith.constant 0 : i32
      %dma_wait3A_29 = tpu.memref_slice %arg5[%add3A_24, %dma_wait3A] : memref<20480x64xf32, #tpu.memory_space<hbm>> -> memref<640x64xf32, #tpu.memory_space<hbm>>
      %dma_wait3A_30 = arith.constant 0 : i32
      %dma_wait3A_31 = tpu.memref_slice %arg9[%mul3A_19, %dma_wait3A_30] : memref<10240x64xf32, #tpu.memory_space<vmem_shared>> -> memref<640x64xf32, #tpu.memory_space<vmem_shared>>
      tpu.wait_dma2 semaphore(%run_scoped3A : memref<!tpu.dma_semaphore, #tpu.memory_space<semaphore_mem>>) src(%dma_wait3A_31 : memref<640x64xf32, #tpu.memory_space<vmem_shared>>) dst(%dma_wait3A_29 : memref<640x64xf32, #tpu.memory_space<hbm>>)
      tpu.yield
    }) : () -> ()
    return
  }
}

#map = affine_map<(d0, d1) -> (0, 0)>
module attributes {stable_mosaic.version = 14 : i64} {
  func.func @scatter(%arg0: i32, %arg1: i32, %arg2: memref<2560x128xi32, #tpu.memory_space<hbm>>, %arg3: memref<327680x64xf32, #tpu.memory_space<hbm>>, %arg4: memref<10240x64xf32, #tpu.memory_space<hbm>>, %arg5: memref<20480x64xf32, #tpu.memory_space<hbm>>, %arg6: memref<80x128xi32, #tpu.memory_space<vmem>>, %arg7: memref<128x64xf32, #tpu.memory_space<vmem>>, %arg8: memref<128x64xf32, #tpu.memory_space<vmem>>, %arg9: memref<10240x64xf32, #tpu.memory_space<vmem_shared>>, %arg10: memref<!tpu.dma_semaphore, #tpu.memory_space<semaphore_mem>>, %arg11: memref<!tpu.dma_semaphore, #tpu.memory_space<semaphore_mem>>) attributes {dimension_semantics = [#tpu.dimension_semantics<core_parallel>, #tpu.dimension_semantics<subcore_parallel>], iteration_bounds = array<i64: 2, 16>, scalar_prefetch = 0 : i64, scratch_operands = 6 : i64, tpu.core_type = #tpu.core_type<sc_vector_subcore>, window_params = [{transform_indices = #map}, {transform_indices = #map}, {transform_indices = #map}, {transform_indices = #map}]} {
    %mul3A = arith.constant 16 : i32
    %mul3A_0 = arith.muli %arg0, %mul3A : i32
    %add3A = arith.addi %mul3A_0, %arg1 : i32
    %mul3A_1 = arith.constant 640 : i32
    %mul3A_2 = arith.muli %arg1, %mul3A_1 : i32
    %mul3A_3 = arith.constant 640 : i32
    %mul3A_4 = arith.muli %arg1, %mul3A_3 : i32
    "tpu.region"() ({
      %run_scoped3A = tpu.sem_alloc : memref<!tpu.dma_semaphore, #tpu.memory_space<semaphore_mem>>
      %dma_start3A_25 = arith.constant 0 : i32
      %dma_start3A_26 = tpu.memref_slice %arg9[%mul3A_4, %dma_start3A_25] : memref<10240x64xf32, #tpu.memory_space<vmem_shared>> -> memref<640x64xf32, #tpu.memory_space<vmem_shared>>
      %dma_start3A_27 = arith.constant 0 : i32
      %dma_start3A_28 = tpu.memref_slice %arg4[%mul3A_2, %dma_start3A_27] : memref<10240x64xf32, #tpu.memory_space<hbm>> -> memref<640x64xf32, #tpu.memory_space<hbm>>
      tpu.enqueue_dma source(%dma_start3A_28 : memref<640x64xf32, #tpu.memory_space<hbm>>) target(%dma_start3A_26 : memref<640x64xf32, #tpu.memory_space<vmem_shared>>) target_semaphore(%run_scoped3A : memref<!tpu.dma_semaphore, #tpu.memory_space<semaphore_mem>>)
      %dma_wait3A = arith.constant 0 : i32
      %dma_wait3A_29 = tpu.memref_slice %arg9[%mul3A_4, %dma_wait3A] : memref<10240x64xf32, #tpu.memory_space<vmem_shared>> -> memref<640x64xf32, #tpu.memory_space<vmem_shared>>
      %dma_wait3A_30 = arith.constant 0 : i32
      %dma_wait3A_31 = tpu.memref_slice %arg4[%mul3A_2, %dma_wait3A_30] : memref<10240x64xf32, #tpu.memory_space<hbm>> -> memref<640x64xf32, #tpu.memory_space<hbm>>
      tpu.wait_dma2 semaphore(%run_scoped3A : memref<!tpu.dma_semaphore, #tpu.memory_space<semaphore_mem>>) src(%dma_wait3A_31 : memref<640x64xf32, #tpu.memory_space<hbm>>) dst(%dma_wait3A_29 : memref<640x64xf32, #tpu.memory_space<vmem_shared>>)
      tpu.yield
    }) : () -> ()
    %barrier3A = arith.constant 0 : index
    tpu.barrier barrier_id(%barrier3A)
    %mul3A_5 = arith.constant 80 : i32
    %mul3A_6 = arith.muli %add3A, %mul3A_5 : i32
    "tpu.region"() ({
      %run_scoped3A = tpu.sem_alloc : memref<!tpu.dma_semaphore, #tpu.memory_space<semaphore_mem>>
      %dma_start3A_25 = arith.constant 0 : i32
      %dma_start3A_26 = tpu.memref_slice %arg2[%mul3A_6, %dma_start3A_25] : memref<2560x128xi32, #tpu.memory_space<hbm>> -> memref<80x128xi32, #tpu.memory_space<hbm>>
      %dma_start3A_27 = arith.constant 0 : i32
      %dma_start3A_28 = tpu.memref_slice %arg2[%mul3A_6, %dma_start3A_27] : memref<2560x128xi32, #tpu.memory_space<hbm>> -> memref<80x128xi32, #tpu.memory_space<hbm>>
      tpu.enqueue_dma source(%dma_start3A_28 : memref<80x128xi32, #tpu.memory_space<hbm>>) target(%arg6 : memref<80x128xi32, #tpu.memory_space<vmem>>) target_semaphore(%run_scoped3A : memref<!tpu.dma_semaphore, #tpu.memory_space<semaphore_mem>>)
      %dma_wait3A = arith.constant 0 : i32
      %dma_wait3A_29 = tpu.memref_slice %arg2[%mul3A_6, %dma_wait3A] : memref<2560x128xi32, #tpu.memory_space<hbm>> -> memref<80x128xi32, #tpu.memory_space<hbm>>
      %dma_wait3A_30 = arith.constant 0 : i32
      %dma_wait3A_31 = tpu.memref_slice %arg2[%mul3A_6, %dma_wait3A_30] : memref<2560x128xi32, #tpu.memory_space<hbm>> -> memref<80x128xi32, #tpu.memory_space<hbm>>
      tpu.wait_dma2 semaphore(%run_scoped3A : memref<!tpu.dma_semaphore, #tpu.memory_space<semaphore_mem>>) src(%dma_wait3A_31 : memref<80x128xi32, #tpu.memory_space<hbm>>) dst(%arg6 : memref<80x128xi32, #tpu.memory_space<vmem>>)
      tpu.yield
    }) : () -> ()
    %mul3A_7 = arith.constant 128 : i32
    %mul3A_8 = arith.muli %mul3A_6, %mul3A_7 : i32
    %dma_start3A = arith.constant 0 : i32
    %dma_start3A_9 = tpu.memref_slice %arg3[%mul3A_8, %dma_start3A] : memref<327680x64xf32, #tpu.memory_space<hbm>> -> memref<128x64xf32, #tpu.memory_space<hbm>>
    %dma_start3A_10 = arith.constant 0 : i32
    %dma_start3A_11 = tpu.memref_slice %arg3[%mul3A_8, %dma_start3A_10] : memref<327680x64xf32, #tpu.memory_space<hbm>> -> memref<128x64xf32, #tpu.memory_space<hbm>>
    tpu.enqueue_dma source(%dma_start3A_11 : memref<128x64xf32, #tpu.memory_space<hbm>>) target(%arg7 : memref<128x64xf32, #tpu.memory_space<vmem>>) target_semaphore(%arg10 : memref<!tpu.dma_semaphore, #tpu.memory_space<semaphore_mem>>)
    %scan3A = arith.constant 0 : i32
    %scan3A_12 = arith.constant 0 : i32
    %scan3A_13 = arith.constant 40 : i32
    %scan3A_14 = arith.addi %scan3A_12, %scan3A_13 : i32
    %scan3A_15 = arith.constant 1 : i32
    scf.for %scan3A_25 = %scan3A_12 to %scan3A_14 step %scan3A_15  : i32 {
      %mul3A_26 = arith.constant 2 : i32
      %mul3A_27 = arith.muli %mul3A_26, %scan3A_25 : i32
      %add3A_28 = arith.addi %mul3A_6, %mul3A_27 : i32
      %add3A_29 = arith.constant 1 : i32
      %add3A_30 = arith.addi %add3A_28, %add3A_29 : i32
      %mul3A_31 = arith.constant 128 : i32
      %mul3A_32 = arith.muli %add3A_30, %mul3A_31 : i32
      %dma_start3A_33 = arith.constant 0 : i32
      %dma_start3A_34 = tpu.memref_slice %arg3[%mul3A_32, %dma_start3A_33] : memref<327680x64xf32, #tpu.memory_space<hbm>> -> memref<128x64xf32, #tpu.memory_space<hbm>>
      %dma_start3A_35 = arith.constant 0 : i32
      %dma_start3A_36 = tpu.memref_slice %arg3[%mul3A_32, %dma_start3A_35] : memref<327680x64xf32, #tpu.memory_space<hbm>> -> memref<128x64xf32, #tpu.memory_space<hbm>>
      tpu.enqueue_dma source(%dma_start3A_36 : memref<128x64xf32, #tpu.memory_space<hbm>>) target(%arg8 : memref<128x64xf32, #tpu.memory_space<vmem>>) target_semaphore(%arg11 : memref<!tpu.dma_semaphore, #tpu.memory_space<semaphore_mem>>)
      %mul3A_37 = arith.constant 128 : i32
      %mul3A_38 = arith.muli %mul3A_6, %mul3A_37 : i32
      %dma_wait3A = arith.constant 0 : i32
      %dma_wait3A_39 = tpu.memref_slice %arg3[%mul3A_38, %dma_wait3A] : memref<327680x64xf32, #tpu.memory_space<hbm>> -> memref<128x64xf32, #tpu.memory_space<hbm>>
      %dma_wait3A_40 = arith.constant 0 : i32
      %dma_wait3A_41 = tpu.memref_slice %arg3[%mul3A_38, %dma_wait3A_40] : memref<327680x64xf32, #tpu.memory_space<hbm>> -> memref<128x64xf32, #tpu.memory_space<hbm>>
      tpu.wait_dma2 semaphore(%arg10 : memref<!tpu.dma_semaphore, #tpu.memory_space<semaphore_mem>>) src(%dma_wait3A_41 : memref<128x64xf32, #tpu.memory_space<hbm>>) dst(%arg7 : memref<128x64xf32, #tpu.memory_space<vmem>>)
      "tpu.region"() ({
        %run_scoped3A = tpu.sem_alloc : memref<!tpu.dma_semaphore, #tpu.memory_space<semaphore_mem>>
        %dma_start3A_52 = arith.constant 0 : i32
        %dma_start3A_53 = tpu.memref_slice %arg6[%mul3A_27, %dma_start3A_52] : memref<80x128xi32, #tpu.memory_space<vmem>> -> memref<1x128xi32, #tpu.memory_space<vmem>>
        %dma_start3A_54 = tpu.memref_squeeze %dma_start3A_53 : memref<1x128xi32, #tpu.memory_space<vmem>> -> memref<128xi32, #tpu.memory_space<vmem>>
        %dma_start3A_55 = arith.constant 0 : i32
        %dma_start3A_56 = arith.constant 0 : i32
        %dma_start3A_57 = tpu.memref_slice %arg9[%dma_start3A_55, %dma_start3A_56] : memref<10240x64xf32, #tpu.memory_space<vmem_shared>> -> memref<10240x64xf32, #tpu.memory_space<vmem_shared>>
        tpu.enqueue_indirect_dma source(%arg7 : memref<128x64xf32, #tpu.memory_space<vmem>>) target(%dma_start3A_57 : memref<10240x64xf32, #tpu.memory_space<vmem_shared>>) offsets(%dma_start3A_54 : memref<128xi32, #tpu.memory_space<vmem>>) semaphore(%run_scoped3A : memref<!tpu.dma_semaphore, #tpu.memory_space<semaphore_mem>>) {add = true}
        %dma_wait3A_58 = arith.constant 0 : i32
        %dma_wait3A_59 = tpu.memref_slice %arg6[%mul3A_27, %dma_wait3A_58] : memref<80x128xi32, #tpu.memory_space<vmem>> -> memref<1x128xi32, #tpu.memory_space<vmem>>
        %dma_wait3A_60 = tpu.memref_squeeze %dma_wait3A_59 : memref<1x128xi32, #tpu.memory_space<vmem>> -> memref<128xi32, #tpu.memory_space<vmem>>
        %dma_wait3A_61 = arith.constant 0 : i32
        %dma_wait3A_62 = arith.constant 0 : i32
        %dma_wait3A_63 = tpu.memref_slice %arg9[%dma_wait3A_61, %dma_wait3A_62] : memref<10240x64xf32, #tpu.memory_space<vmem_shared>> -> memref<10240x64xf32, #tpu.memory_space<vmem_shared>>
        tpu.wait_indirect_dma semaphore(%run_scoped3A : memref<!tpu.dma_semaphore, #tpu.memory_space<semaphore_mem>>) src(%arg7 : memref<128x64xf32, #tpu.memory_space<vmem>>) dst(%dma_wait3A_63 : memref<10240x64xf32, #tpu.memory_space<vmem_shared>>)
        tpu.yield
      }) : () -> ()
      %add3A_42 = arith.constant 1 : i32
      %add3A_43 = arith.addi %scan3A_25, %add3A_42 : i32
      %lt3A = arith.constant 40 : i32
      %lt3A_44 = arith.cmpi slt, %add3A_43, %lt3A : i32
      %convert_element_type3A = arith.extui %lt3A_44 : i1 to i32
      %cond3A = arith.constant 0 : i32
      %cond3A_45 = arith.cmpi ne, %convert_element_type3A, %cond3A : i32
      scf.if %cond3A_45 {
        %add3A_52 = arith.addi %mul3A_6, %mul3A_27 : i32
        %add3A_53 = arith.constant 2 : i32
        %add3A_54 = arith.addi %add3A_52, %add3A_53 : i32
        %mul3A_55 = arith.constant 128 : i32
        %mul3A_56 = arith.muli %add3A_54, %mul3A_55 : i32
        %dma_start3A_57 = arith.constant 0 : i32
        %dma_start3A_58 = tpu.memref_slice %arg3[%mul3A_56, %dma_start3A_57] : memref<327680x64xf32, #tpu.memory_space<hbm>> -> memref<128x64xf32, #tpu.memory_space<hbm>>
        %dma_start3A_59 = arith.constant 0 : i32
        %dma_start3A_60 = tpu.memref_slice %arg3[%mul3A_56, %dma_start3A_59] : memref<327680x64xf32, #tpu.memory_space<hbm>> -> memref<128x64xf32, #tpu.memory_space<hbm>>
        tpu.enqueue_dma source(%dma_start3A_60 : memref<128x64xf32, #tpu.memory_space<hbm>>) target(%arg7 : memref<128x64xf32, #tpu.memory_space<vmem>>) target_semaphore(%arg10 : memref<!tpu.dma_semaphore, #tpu.memory_space<semaphore_mem>>)
      } else {
      }
      %dma_wait3A_46 = arith.constant 0 : i32
      %dma_wait3A_47 = tpu.memref_slice %arg3[%mul3A_32, %dma_wait3A_46] : memref<327680x64xf32, #tpu.memory_space<hbm>> -> memref<128x64xf32, #tpu.memory_space<hbm>>
      %dma_wait3A_48 = arith.constant 0 : i32
      %dma_wait3A_49 = tpu.memref_slice %arg3[%mul3A_32, %dma_wait3A_48] : memref<327680x64xf32, #tpu.memory_space<hbm>> -> memref<128x64xf32, #tpu.memory_space<hbm>>
      tpu.wait_dma2 semaphore(%arg11 : memref<!tpu.dma_semaphore, #tpu.memory_space<semaphore_mem>>) src(%dma_wait3A_49 : memref<128x64xf32, #tpu.memory_space<hbm>>) dst(%arg8 : memref<128x64xf32, #tpu.memory_space<vmem>>)
      %add3A_50 = arith.constant 1 : i32
      %add3A_51 = arith.addi %mul3A_27, %add3A_50 : i32
      "tpu.region"() ({
        %run_scoped3A = tpu.sem_alloc : memref<!tpu.dma_semaphore, #tpu.memory_space<semaphore_mem>>
        %dma_start3A_52 = arith.constant 0 : i32
        %dma_start3A_53 = tpu.memref_slice %arg6[%add3A_51, %dma_start3A_52] : memref<80x128xi32, #tpu.memory_space<vmem>> -> memref<1x128xi32, #tpu.memory_space<vmem>>
        %dma_start3A_54 = tpu.memref_squeeze %dma_start3A_53 : memref<1x128xi32, #tpu.memory_space<vmem>> -> memref<128xi32, #tpu.memory_space<vmem>>
        %dma_start3A_55 = arith.constant 0 : i32
        %dma_start3A_56 = arith.constant 0 : i32
        %dma_start3A_57 = tpu.memref_slice %arg9[%dma_start3A_55, %dma_start3A_56] : memref<10240x64xf32, #tpu.memory_space<vmem_shared>> -> memref<10240x64xf32, #tpu.memory_space<vmem_shared>>
        tpu.enqueue_indirect_dma source(%arg8 : memref<128x64xf32, #tpu.memory_space<vmem>>) target(%dma_start3A_57 : memref<10240x64xf32, #tpu.memory_space<vmem_shared>>) offsets(%dma_start3A_54 : memref<128xi32, #tpu.memory_space<vmem>>) semaphore(%run_scoped3A : memref<!tpu.dma_semaphore, #tpu.memory_space<semaphore_mem>>) {add = true}
        %dma_wait3A_58 = arith.constant 0 : i32
        %dma_wait3A_59 = tpu.memref_slice %arg6[%add3A_51, %dma_wait3A_58] : memref<80x128xi32, #tpu.memory_space<vmem>> -> memref<1x128xi32, #tpu.memory_space<vmem>>
        %dma_wait3A_60 = tpu.memref_squeeze %dma_wait3A_59 : memref<1x128xi32, #tpu.memory_space<vmem>> -> memref<128xi32, #tpu.memory_space<vmem>>
        %dma_wait3A_61 = arith.constant 0 : i32
        %dma_wait3A_62 = arith.constant 0 : i32
        %dma_wait3A_63 = tpu.memref_slice %arg9[%dma_wait3A_61, %dma_wait3A_62] : memref<10240x64xf32, #tpu.memory_space<vmem_shared>> -> memref<10240x64xf32, #tpu.memory_space<vmem_shared>>
        tpu.wait_indirect_dma semaphore(%run_scoped3A : memref<!tpu.dma_semaphore, #tpu.memory_space<semaphore_mem>>) src(%arg8 : memref<128x64xf32, #tpu.memory_space<vmem>>) dst(%dma_wait3A_63 : memref<10240x64xf32, #tpu.memory_space<vmem_shared>>)
        tpu.yield
      }) : () -> ()
    }
    %scan3A_16 = arith.constant 40 : i32
    %barrier3A_17 = arith.constant 0 : index
    tpu.barrier barrier_id(%barrier3A_17)
    %mul3A_18 = arith.constant 640 : i32
    %mul3A_19 = arith.muli %arg1, %mul3A_18 : i32
    %mul3A_20 = arith.constant 10240 : i32
    %mul3A_21 = arith.muli %arg0, %mul3A_20 : i32
    %mul3A_22 = arith.constant 640 : i32
    %mul3A_23 = arith.muli %arg1, %mul3A_22 : i32
    %add3A_24 = arith.addi %mul3A_21, %mul3A_23 : i32
    "tpu.region"() ({
      %run_scoped3A = tpu.sem_alloc : memref<!tpu.dma_semaphore, #tpu.memory_space<semaphore_mem>>
      %dma_start3A_25 = arith.constant 0 : i32
      %dma_start3A_26 = tpu.memref_slice %arg5[%add3A_24, %dma_start3A_25] : memref<20480x64xf32, #tpu.memory_space<hbm>> -> memref<640x64xf32, #tpu.memory_space<hbm>>
      %dma_start3A_27 = arith.constant 0 : i32
      %dma_start3A_28 = tpu.memref_slice %arg9[%mul3A_19, %dma_start3A_27] : memref<10240x64xf32, #tpu.memory_space<vmem_shared>> -> memref<640x64xf32, #tpu.memory_space<vmem_shared>>
      tpu.enqueue_dma source(%dma_start3A_28 : memref<640x64xf32, #tpu.memory_space<vmem_shared>>) target(%dma_start3A_26 : memref<640x64xf32, #tpu.memory_space<hbm>>) target_semaphore(%run_scoped3A : memref<!tpu.dma_semaphore, #tpu.memory_space<semaphore_mem>>)
      %dma_wait3A = arith.constant 0 : i32
      %dma_wait3A_29 = tpu.memref_slice %arg5[%add3A_24, %dma_wait3A] : memref<20480x64xf32, #tpu.memory_space<hbm>> -> memref<640x64xf32, #tpu.memory_space<hbm>>
      %dma_wait3A_30 = arith.constant 0 : i32
      %dma_wait3A_31 = tpu.memref_slice %arg9[%mul3A_19, %dma_wait3A_30] : memref<10240x64xf32, #tpu.memory_space<vmem_shared>> -> memref<640x64xf32, #tpu.memory_space<vmem_shared>>
      tpu.wait_dma2 semaphore(%run_scoped3A : memref<!tpu.dma_semaphore, #tpu.memory_space<semaphore_mem>>) src(%dma_wait3A_31 : memref<640x64xf32, #tpu.memory_space<vmem_shared>>) dst(%dma_wait3A_29 : memref<640x64xf32, #tpu.memory_space<hbm>>)
      tpu.yield
    }) : () -> ()
    return
  }
}

#map = affine_map<(d0, d1) -> (0, 0)>
module attributes {stable_mosaic.version = 14 : i64} {
  func.func @gather(%arg0: i32, %arg1: i32, %arg2: memref<10240x64xf32, #tpu.memory_space<hbm>>, %arg3: memref<2560x128xi32, #tpu.memory_space<hbm>>, %arg4: memref<327680x64xf32, #tpu.memory_space<hbm>>, %arg5: memref<80x128xi32, #tpu.memory_space<vmem>>, %arg6: memref<128x64xf32, #tpu.memory_space<vmem>>, %arg7: memref<128x64xf32, #tpu.memory_space<vmem>>, %arg8: memref<!tpu.dma_semaphore, #tpu.memory_space<semaphore_mem>>, %arg9: memref<!tpu.dma_semaphore, #tpu.memory_space<semaphore_mem>>) attributes {dimension_semantics = [#tpu.dimension_semantics<core_parallel>, #tpu.dimension_semantics<subcore_parallel>], iteration_bounds = array<i64: 2, 16>, scalar_prefetch = 0 : i64, scratch_operands = 5 : i64, tpu.core_type = #tpu.core_type<sc_vector_subcore>, window_params = [{transform_indices = #map}, {transform_indices = #map}, {transform_indices = #map}]} {
    %mul3A = arith.constant 16 : i32
    %mul3A_0 = arith.muli %arg0, %mul3A : i32
    %add3A = arith.addi %mul3A_0, %arg1 : i32
    %mul3A_1 = arith.constant 80 : i32
    %mul3A_2 = arith.muli %add3A, %mul3A_1 : i32
    "tpu.region"() ({
      %run_scoped3A = tpu.sem_alloc : memref<!tpu.dma_semaphore, #tpu.memory_space<semaphore_mem>>
      %dma_start3A_14 = arith.constant 0 : i32
      %dma_start3A_15 = tpu.memref_slice %arg3[%mul3A_2, %dma_start3A_14] : memref<2560x128xi32, #tpu.memory_space<hbm>> -> memref<80x128xi32, #tpu.memory_space<hbm>>
      %dma_start3A_16 = arith.constant 0 : i32
      %dma_start3A_17 = tpu.memref_slice %arg3[%mul3A_2, %dma_start3A_16] : memref<2560x128xi32, #tpu.memory_space<hbm>> -> memref<80x128xi32, #tpu.memory_space<hbm>>
      tpu.enqueue_dma source(%dma_start3A_17 : memref<80x128xi32, #tpu.memory_space<hbm>>) target(%arg5 : memref<80x128xi32, #tpu.memory_space<vmem>>) target_semaphore(%run_scoped3A : memref<!tpu.dma_semaphore, #tpu.memory_space<semaphore_mem>>)
      %dma_wait3A = arith.constant 0 : i32
      %dma_wait3A_18 = tpu.memref_slice %arg3[%mul3A_2, %dma_wait3A] : memref<2560x128xi32, #tpu.memory_space<hbm>> -> memref<80x128xi32, #tpu.memory_space<hbm>>
      %dma_wait3A_19 = arith.constant 0 : i32
      %dma_wait3A_20 = tpu.memref_slice %arg3[%mul3A_2, %dma_wait3A_19] : memref<2560x128xi32, #tpu.memory_space<hbm>> -> memref<80x128xi32, #tpu.memory_space<hbm>>
      tpu.wait_dma2 semaphore(%run_scoped3A : memref<!tpu.dma_semaphore, #tpu.memory_space<semaphore_mem>>) src(%dma_wait3A_20 : memref<80x128xi32, #tpu.memory_space<hbm>>) dst(%arg5 : memref<80x128xi32, #tpu.memory_space<vmem>>)
      tpu.yield
    }) : () -> ()
    %dma_start3A = arith.constant 0 : i32
    %dma_start3A_3 = arith.constant 0 : i32
    %dma_start3A_4 = tpu.memref_slice %arg5[%dma_start3A, %dma_start3A_3] : memref<80x128xi32, #tpu.memory_space<vmem>> -> memref<1x128xi32, #tpu.memory_space<vmem>>
    %dma_start3A_5 = tpu.memref_squeeze %dma_start3A_4 : memref<1x128xi32, #tpu.memory_space<vmem>> -> memref<128xi32, #tpu.memory_space<vmem>>
    %dma_start3A_6 = arith.constant 0 : i32
    %dma_start3A_7 = arith.constant 0 : i32
    %dma_start3A_8 = tpu.memref_slice %arg2[%dma_start3A_6, %dma_start3A_7] : memref<10240x64xf32, #tpu.memory_space<hbm>> -> memref<10240x64xf32, #tpu.memory_space<hbm>>
    tpu.enqueue_indirect_dma source(%dma_start3A_8 : memref<10240x64xf32, #tpu.memory_space<hbm>>) target(%arg6 : memref<128x64xf32, #tpu.memory_space<vmem>>) offsets(%dma_start3A_5 : memref<128xi32, #tpu.memory_space<vmem>>) semaphore(%arg8 : memref<!tpu.dma_semaphore, #tpu.memory_space<semaphore_mem>>)
    %scan3A = arith.constant 0 : i32
    %scan3A_9 = arith.constant 0 : i32
    %scan3A_10 = arith.constant 40 : i32
    %scan3A_11 = arith.addi %scan3A_9, %scan3A_10 : i32
    %scan3A_12 = arith.constant 1 : i32
    scf.for %scan3A_14 = %scan3A_9 to %scan3A_11 step %scan3A_12  : i32 {
      %mul3A_15 = arith.constant 2 : i32
      %mul3A_16 = arith.muli %mul3A_15, %scan3A_14 : i32
      %add3A_17 = arith.constant 1 : i32
      %add3A_18 = arith.addi %mul3A_16, %add3A_17 : i32
      %dma_start3A_19 = arith.constant 0 : i32
      %dma_start3A_20 = tpu.memref_slice %arg5[%add3A_18, %dma_start3A_19] : memref<80x128xi32, #tpu.memory_space<vmem>> -> memref<1x128xi32, #tpu.memory_space<vmem>>
      %dma_start3A_21 = tpu.memref_squeeze %dma_start3A_20 : memref<1x128xi32, #tpu.memory_space<vmem>> -> memref<128xi32, #tpu.memory_space<vmem>>
      %dma_start3A_22 = arith.constant 0 : i32
      %dma_start3A_23 = arith.constant 0 : i32
      %dma_start3A_24 = tpu.memref_slice %arg2[%dma_start3A_22, %dma_start3A_23] : memref<10240x64xf32, #tpu.memory_space<hbm>> -> memref<10240x64xf32, #tpu.memory_space<hbm>>
      tpu.enqueue_indirect_dma source(%dma_start3A_24 : memref<10240x64xf32, #tpu.memory_space<hbm>>) target(%arg7 : memref<128x64xf32, #tpu.memory_space<vmem>>) offsets(%dma_start3A_21 : memref<128xi32, #tpu.memory_space<vmem>>) semaphore(%arg9 : memref<!tpu.dma_semaphore, #tpu.memory_space<semaphore_mem>>)
      %dma_wait3A = arith.constant 0 : i32
      %dma_wait3A_25 = tpu.memref_slice %arg5[%mul3A_16, %dma_wait3A] : memref<80x128xi32, #tpu.memory_space<vmem>> -> memref<1x128xi32, #tpu.memory_space<vmem>>
      %dma_wait3A_26 = tpu.memref_squeeze %dma_wait3A_25 : memref<1x128xi32, #tpu.memory_space<vmem>> -> memref<128xi32, #tpu.memory_space<vmem>>
      %dma_wait3A_27 = arith.constant 0 : i32
      %dma_wait3A_28 = arith.constant 0 : i32
      %dma_wait3A_29 = tpu.memref_slice %arg2[%dma_wait3A_27, %dma_wait3A_28] : memref<10240x64xf32, #tpu.memory_space<hbm>> -> memref<10240x64xf32, #tpu.memory_space<hbm>>
      tpu.wait_indirect_dma semaphore(%arg8 : memref<!tpu.dma_semaphore, #tpu.memory_space<semaphore_mem>>) src(%dma_wait3A_29 : memref<10240x64xf32, #tpu.memory_space<hbm>>) dst(%arg6 : memref<128x64xf32, #tpu.memory_space<vmem>>)
      %add3A_30 = arith.addi %mul3A_2, %mul3A_16 : i32
      %mul3A_31 = arith.constant 128 : i32
      %mul3A_32 = arith.muli %add3A_30, %mul3A_31 : i32
      "tpu.region"() ({
        %run_scoped3A = tpu.sem_alloc : memref<!tpu.dma_semaphore, #tpu.memory_space<semaphore_mem>>
        %dma_start3A_48 = arith.constant 0 : i32
        %dma_start3A_49 = tpu.memref_slice %arg4[%mul3A_32, %dma_start3A_48] : memref<327680x64xf32, #tpu.memory_space<hbm>> -> memref<128x64xf32, #tpu.memory_space<hbm>>
        %dma_start3A_50 = arith.constant 0 : i32
        %dma_start3A_51 = tpu.memref_slice %arg4[%mul3A_32, %dma_start3A_50] : memref<327680x64xf32, #tpu.memory_space<hbm>> -> memref<128x64xf32, #tpu.memory_space<hbm>>
        tpu.enqueue_dma source(%arg6 : memref<128x64xf32, #tpu.memory_space<vmem>>) target(%dma_start3A_51 : memref<128x64xf32, #tpu.memory_space<hbm>>) target_semaphore(%run_scoped3A : memref<!tpu.dma_semaphore, #tpu.memory_space<semaphore_mem>>)
        %dma_wait3A_52 = arith.constant 0 : i32
        %dma_wait3A_53 = tpu.memref_slice %arg4[%mul3A_32, %dma_wait3A_52] : memref<327680x64xf32, #tpu.memory_space<hbm>> -> memref<128x64xf32, #tpu.memory_space<hbm>>
        %dma_wait3A_54 = arith.constant 0 : i32
        %dma_wait3A_55 = tpu.memref_slice %arg4[%mul3A_32, %dma_wait3A_54] : memref<327680x64xf32, #tpu.memory_space<hbm>> -> memref<128x64xf32, #tpu.memory_space<hbm>>
        tpu.wait_dma2 semaphore(%run_scoped3A : memref<!tpu.dma_semaphore, #tpu.memory_space<semaphore_mem>>) src(%arg6 : memref<128x64xf32, #tpu.memory_space<vmem>>) dst(%dma_wait3A_55 : memref<128x64xf32, #tpu.memory_space<hbm>>)
        tpu.yield
      }) : () -> ()
      %add3A_33 = arith.constant 1 : i32
      %add3A_34 = arith.addi %scan3A_14, %add3A_33 : i32
      %lt3A = arith.constant 40 : i32
      %lt3A_35 = arith.cmpi slt, %add3A_34, %lt3A : i32
      %convert_element_type3A = arith.extui %lt3A_35 : i1 to i32
      %cond3A = arith.constant 0 : i32
      %cond3A_36 = arith.cmpi ne, %convert_element_type3A, %cond3A : i32
      scf.if %cond3A_36 {
        %add3A_48 = arith.constant 2 : i32
        %add3A_49 = arith.addi %mul3A_16, %add3A_48 : i32
        %dma_start3A_50 = arith.constant 0 : i32
        %dma_start3A_51 = tpu.memref_slice %arg5[%add3A_49, %dma_start3A_50] : memref<80x128xi32, #tpu.memory_space<vmem>> -> memref<1x128xi32, #tpu.memory_space<vmem>>
        %dma_start3A_52 = tpu.memref_squeeze %dma_start3A_51 : memref<1x128xi32, #tpu.memory_space<vmem>> -> memref<128xi32, #tpu.memory_space<vmem>>
        %dma_start3A_53 = arith.constant 0 : i32
        %dma_start3A_54 = arith.constant 0 : i32
        %dma_start3A_55 = tpu.memref_slice %arg2[%dma_start3A_53, %dma_start3A_54] : memref<10240x64xf32, #tpu.memory_space<hbm>> -> memref<10240x64xf32, #tpu.memory_space<hbm>>
        tpu.enqueue_indirect_dma source(%dma_start3A_55 : memref<10240x64xf32, #tpu.memory_space<hbm>>) target(%arg6 : memref<128x64xf32, #tpu.memory_space<vmem>>) offsets(%dma_start3A_52 : memref<128xi32, #tpu.memory_space<vmem>>) semaphore(%arg8 : memref<!tpu.dma_semaphore, #tpu.memory_space<semaphore_mem>>)
      } else {
      }
      %dma_wait3A_37 = arith.constant 0 : i32
      %dma_wait3A_38 = tpu.memref_slice %arg5[%add3A_18, %dma_wait3A_37] : memref<80x128xi32, #tpu.memory_space<vmem>> -> memref<1x128xi32, #tpu.memory_space<vmem>>
      %dma_wait3A_39 = tpu.memref_squeeze %dma_wait3A_38 : memref<1x128xi32, #tpu.memory_space<vmem>> -> memref<128xi32, #tpu.memory_space<vmem>>
      %dma_wait3A_40 = arith.constant 0 : i32
      %dma_wait3A_41 = arith.constant 0 : i32
      %dma_wait3A_42 = tpu.memref_slice %arg2[%dma_wait3A_40, %dma_wait3A_41] : memref<10240x64xf32, #tpu.memory_space<hbm>> -> memref<10240x64xf32, #tpu.memory_space<hbm>>
      tpu.wait_indirect_dma semaphore(%arg9 : memref<!tpu.dma_semaphore, #tpu.memory_space<semaphore_mem>>) src(%dma_wait3A_42 : memref<10240x64xf32, #tpu.memory_space<hbm>>) dst(%arg7 : memref<128x64xf32, #tpu.memory_space<vmem>>)
      %add3A_43 = arith.addi %mul3A_2, %mul3A_16 : i32
      %add3A_44 = arith.constant 1 : i32
      %add3A_45 = arith.addi %add3A_43, %add3A_44 : i32
      %mul3A_46 = arith.constant 128 : i32
      %mul3A_47 = arith.muli %add3A_45, %mul3A_46 : i32
      "tpu.region"() ({
        %run_scoped3A = tpu.sem_alloc : memref<!tpu.dma_semaphore, #tpu.memory_space<semaphore_mem>>
        %dma_start3A_48 = arith.constant 0 : i32
        %dma_start3A_49 = tpu.memref_slice %arg4[%mul3A_47, %dma_start3A_48] : memref<327680x64xf32, #tpu.memory_space<hbm>> -> memref<128x64xf32, #tpu.memory_space<hbm>>
        %dma_start3A_50 = arith.constant 0 : i32
        %dma_start3A_51 = tpu.memref_slice %arg4[%mul3A_47, %dma_start3A_50] : memref<327680x64xf32, #tpu.memory_space<hbm>> -> memref<128x64xf32, #tpu.memory_space<hbm>>
        tpu.enqueue_dma source(%arg7 : memref<128x64xf32, #tpu.memory_space<vmem>>) target(%dma_start3A_51 : memref<128x64xf32, #tpu.memory_space<hbm>>) target_semaphore(%run_scoped3A : memref<!tpu.dma_semaphore, #tpu.memory_space<semaphore_mem>>)
        %dma_wait3A_52 = arith.constant 0 : i32
        %dma_wait3A_53 = tpu.memref_slice %arg4[%mul3A_47, %dma_wait3A_52] : memref<327680x64xf32, #tpu.memory_space<hbm>> -> memref<128x64xf32, #tpu.memory_space<hbm>>
        %dma_wait3A_54 = arith.constant 0 : i32
        %dma_wait3A_55 = tpu.memref_slice %arg4[%mul3A_47, %dma_wait3A_54] : memref<327680x64xf32, #tpu.memory_space<hbm>> -> memref<128x64xf32, #tpu.memory_space<hbm>>
        tpu.wait_dma2 semaphore(%run_scoped3A : memref<!tpu.dma_semaphore, #tpu.memory_space<semaphore_mem>>) src(%arg7 : memref<128x64xf32, #tpu.memory_space<vmem>>) dst(%dma_wait3A_55 : memref<128x64xf32, #tpu.memory_space<hbm>>)
        tpu.yield
      }) : () -> ()
    }
    %scan3A_13 = arith.constant 40 : i32
    return
  }
}

#map = affine_map<(d0, d1) -> (0, 0)>
module attributes {stable_mosaic.version = 14 : i64} {
  func.func @gather(%arg0: i32, %arg1: i32, %arg2: memref<10240x64xf32, #tpu.memory_space<hbm>>, %arg3: memref<2560x128xi32, #tpu.memory_space<hbm>>, %arg4: memref<327680x64xf32, #tpu.memory_space<hbm>>, %arg5: memref<80x128xi32, #tpu.memory_space<vmem>>, %arg6: memref<128x64xf32, #tpu.memory_space<vmem>>, %arg7: memref<128x64xf32, #tpu.memory_space<vmem>>, %arg8: memref<!tpu.dma_semaphore, #tpu.memory_space<semaphore_mem>>, %arg9: memref<!tpu.dma_semaphore, #tpu.memory_space<semaphore_mem>>) attributes {dimension_semantics = [#tpu.dimension_semantics<core_parallel>, #tpu.dimension_semantics<subcore_parallel>], iteration_bounds = array<i64: 2, 16>, scalar_prefetch = 0 : i64, scratch_operands = 5 : i64, tpu.core_type = #tpu.core_type<sc_vector_subcore>, window_params = [{transform_indices = #map}, {transform_indices = #map}, {transform_indices = #map}]} {
    %mul3A = arith.constant 16 : i32
    %mul3A_0 = arith.muli %arg0, %mul3A : i32
    %add3A = arith.addi %mul3A_0, %arg1 : i32
    %mul3A_1 = arith.constant 80 : i32
    %mul3A_2 = arith.muli %add3A, %mul3A_1 : i32
    "tpu.region"() ({
      %run_scoped3A = tpu.sem_alloc : memref<!tpu.dma_semaphore, #tpu.memory_space<semaphore_mem>>
      %dma_start3A_14 = arith.constant 0 : i32
      %dma_start3A_15 = tpu.memref_slice %arg3[%mul3A_2, %dma_start3A_14] : memref<2560x128xi32, #tpu.memory_space<hbm>> -> memref<80x128xi32, #tpu.memory_space<hbm>>
      %dma_start3A_16 = arith.constant 0 : i32
      %dma_start3A_17 = tpu.memref_slice %arg3[%mul3A_2, %dma_start3A_16] : memref<2560x128xi32, #tpu.memory_space<hbm>> -> memref<80x128xi32, #tpu.memory_space<hbm>>
      tpu.enqueue_dma source(%dma_start3A_17 : memref<80x128xi32, #tpu.memory_space<hbm>>) target(%arg5 : memref<80x128xi32, #tpu.memory_space<vmem>>) target_semaphore(%run_scoped3A : memref<!tpu.dma_semaphore, #tpu.memory_space<semaphore_mem>>)
      %dma_wait3A = arith.constant 0 : i32
      %dma_wait3A_18 = tpu.memref_slice %arg3[%mul3A_2, %dma_wait3A] : memref<2560x128xi32, #tpu.memory_space<hbm>> -> memref<80x128xi32, #tpu.memory_space<hbm>>
      %dma_wait3A_19 = arith.constant 0 : i32
      %dma_wait3A_20 = tpu.memref_slice %arg3[%mul3A_2, %dma_wait3A_19] : memref<2560x128xi32, #tpu.memory_space<hbm>> -> memref<80x128xi32, #tpu.memory_space<hbm>>
      tpu.wait_dma2 semaphore(%run_scoped3A : memref<!tpu.dma_semaphore, #tpu.memory_space<semaphore_mem>>) src(%dma_wait3A_20 : memref<80x128xi32, #tpu.memory_space<hbm>>) dst(%arg5 : memref<80x128xi32, #tpu.memory_space<vmem>>)
      tpu.yield
    }) : () -> ()
    %dma_start3A = arith.constant 0 : i32
    %dma_start3A_3 = arith.constant 0 : i32
    %dma_start3A_4 = tpu.memref_slice %arg5[%dma_start3A, %dma_start3A_3] : memref<80x128xi32, #tpu.memory_space<vmem>> -> memref<1x128xi32, #tpu.memory_space<vmem>>
    %dma_start3A_5 = tpu.memref_squeeze %dma_start3A_4 : memref<1x128xi32, #tpu.memory_space<vmem>> -> memref<128xi32, #tpu.memory_space<vmem>>
    %dma_start3A_6 = arith.constant 0 : i32
    %dma_start3A_7 = arith.constant 0 : i32
    %dma_start3A_8 = tpu.memref_slice %arg2[%dma_start3A_6, %dma_start3A_7] : memref<10240x64xf32, #tpu.memory_space<hbm>> -> memref<10240x64xf32, #tpu.memory_space<hbm>>
    tpu.enqueue_indirect_dma source(%dma_start3A_8 : memref<10240x64xf32, #tpu.memory_space<hbm>>) target(%arg6 : memref<128x64xf32, #tpu.memory_space<vmem>>) offsets(%dma_start3A_5 : memref<128xi32, #tpu.memory_space<vmem>>) semaphore(%arg8 : memref<!tpu.dma_semaphore, #tpu.memory_space<semaphore_mem>>)
    %scan3A = arith.constant 0 : i32
    %scan3A_9 = arith.constant 0 : i32
    %scan3A_10 = arith.constant 40 : i32
    %scan3A_11 = arith.addi %scan3A_9, %scan3A_10 : i32
    %scan3A_12 = arith.constant 1 : i32
    scf.for %scan3A_14 = %scan3A_9 to %scan3A_11 step %scan3A_12  : i32 {
      %mul3A_15 = arith.constant 2 : i32
      %mul3A_16 = arith.muli %mul3A_15, %scan3A_14 : i32
      %add3A_17 = arith.constant 1 : i32
      %add3A_18 = arith.addi %mul3A_16, %add3A_17 : i32
      %dma_start3A_19 = arith.constant 0 : i32
      %dma_start3A_20 = tpu.memref_slice %arg5[%add3A_18, %dma_start3A_19] : memref<80x128xi32, #tpu.memory_space<vmem>> -> memref<1x128xi32, #tpu.memory_space<vmem>>
      %dma_start3A_21 = tpu.memref_squeeze %dma_start3A_20 : memref<1x128xi32, #tpu.memory_space<vmem>> -> memref<128xi32, #tpu.memory_space<vmem>>
      %dma_start3A_22 = arith.constant 0 : i32
      %dma_start3A_23 = arith.constant 0 : i32
      %dma_start3A_24 = tpu.memref_slice %arg2[%dma_start3A_22, %dma_start3A_23] : memref<10240x64xf32, #tpu.memory_space<hbm>> -> memref<10240x64xf32, #tpu.memory_space<hbm>>
      tpu.enqueue_indirect_dma source(%dma_start3A_24 : memref<10240x64xf32, #tpu.memory_space<hbm>>) target(%arg7 : memref<128x64xf32, #tpu.memory_space<vmem>>) offsets(%dma_start3A_21 : memref<128xi32, #tpu.memory_space<vmem>>) semaphore(%arg9 : memref<!tpu.dma_semaphore, #tpu.memory_space<semaphore_mem>>)
      %dma_wait3A = arith.constant 0 : i32
      %dma_wait3A_25 = tpu.memref_slice %arg5[%mul3A_16, %dma_wait3A] : memref<80x128xi32, #tpu.memory_space<vmem>> -> memref<1x128xi32, #tpu.memory_space<vmem>>
      %dma_wait3A_26 = tpu.memref_squeeze %dma_wait3A_25 : memref<1x128xi32, #tpu.memory_space<vmem>> -> memref<128xi32, #tpu.memory_space<vmem>>
      %dma_wait3A_27 = arith.constant 0 : i32
      %dma_wait3A_28 = arith.constant 0 : i32
      %dma_wait3A_29 = tpu.memref_slice %arg2[%dma_wait3A_27, %dma_wait3A_28] : memref<10240x64xf32, #tpu.memory_space<hbm>> -> memref<10240x64xf32, #tpu.memory_space<hbm>>
      tpu.wait_indirect_dma semaphore(%arg8 : memref<!tpu.dma_semaphore, #tpu.memory_space<semaphore_mem>>) src(%dma_wait3A_29 : memref<10240x64xf32, #tpu.memory_space<hbm>>) dst(%arg6 : memref<128x64xf32, #tpu.memory_space<vmem>>)
      %add3A_30 = arith.addi %mul3A_2, %mul3A_16 : i32
      %mul3A_31 = arith.constant 128 : i32
      %mul3A_32 = arith.muli %add3A_30, %mul3A_31 : i32
      "tpu.region"() ({
        %run_scoped3A = tpu.sem_alloc : memref<!tpu.dma_semaphore, #tpu.memory_space<semaphore_mem>>
        %dma_start3A_48 = arith.constant 0 : i32
        %dma_start3A_49 = tpu.memref_slice %arg4[%mul3A_32, %dma_start3A_48] : memref<327680x64xf32, #tpu.memory_space<hbm>> -> memref<128x64xf32, #tpu.memory_space<hbm>>
        %dma_start3A_50 = arith.constant 0 : i32
        %dma_start3A_51 = tpu.memref_slice %arg4[%mul3A_32, %dma_start3A_50] : memref<327680x64xf32, #tpu.memory_space<hbm>> -> memref<128x64xf32, #tpu.memory_space<hbm>>
        tpu.enqueue_dma source(%arg6 : memref<128x64xf32, #tpu.memory_space<vmem>>) target(%dma_start3A_51 : memref<128x64xf32, #tpu.memory_space<hbm>>) target_semaphore(%run_scoped3A : memref<!tpu.dma_semaphore, #tpu.memory_space<semaphore_mem>>)
        %dma_wait3A_52 = arith.constant 0 : i32
        %dma_wait3A_53 = tpu.memref_slice %arg4[%mul3A_32, %dma_wait3A_52] : memref<327680x64xf32, #tpu.memory_space<hbm>> -> memref<128x64xf32, #tpu.memory_space<hbm>>
        %dma_wait3A_54 = arith.constant 0 : i32
        %dma_wait3A_55 = tpu.memref_slice %arg4[%mul3A_32, %dma_wait3A_54] : memref<327680x64xf32, #tpu.memory_space<hbm>> -> memref<128x64xf32, #tpu.memory_space<hbm>>
        tpu.wait_dma2 semaphore(%run_scoped3A : memref<!tpu.dma_semaphore, #tpu.memory_space<semaphore_mem>>) src(%arg6 : memref<128x64xf32, #tpu.memory_space<vmem>>) dst(%dma_wait3A_55 : memref<128x64xf32, #tpu.memory_space<hbm>>)
        tpu.yield
      }) : () -> ()
      %add3A_33 = arith.constant 1 : i32
      %add3A_34 = arith.addi %scan3A_14, %add3A_33 : i32
      %lt3A = arith.constant 40 : i32
      %lt3A_35 = arith.cmpi slt, %add3A_34, %lt3A : i32
      %convert_element_type3A = arith.extui %lt3A_35 : i1 to i32
      %cond3A = arith.constant 0 : i32
      %cond3A_36 = arith.cmpi ne, %convert_element_type3A, %cond3A : i32
      scf.if %cond3A_36 {
        %add3A_48 = arith.constant 2 : i32
        %add3A_49 = arith.addi %mul3A_16, %add3A_48 : i32
        %dma_start3A_50 = arith.constant 0 : i32
        %dma_start3A_51 = tpu.memref_slice %arg5[%add3A_49, %dma_start3A_50] : memref<80x128xi32, #tpu.memory_space<vmem>> -> memref<1x128xi32, #tpu.memory_space<vmem>>
        %dma_start3A_52 = tpu.memref_squeeze %dma_start3A_51 : memref<1x128xi32, #tpu.memory_space<vmem>> -> memref<128xi32, #tpu.memory_space<vmem>>
        %dma_start3A_53 = arith.constant 0 : i32
        %dma_start3A_54 = arith.constant 0 : i32
        %dma_start3A_55 = tpu.memref_slice %arg2[%dma_start3A_53, %dma_start3A_54] : memref<10240x64xf32, #tpu.memory_space<hbm>> -> memref<10240x64xf32, #tpu.memory_space<hbm>>
        tpu.enqueue_indirect_dma source(%dma_start3A_55 : memref<10240x64xf32, #tpu.memory_space<hbm>>) target(%arg6 : memref<128x64xf32, #tpu.memory_space<vmem>>) offsets(%dma_start3A_52 : memref<128xi32, #tpu.memory_space<vmem>>) semaphore(%arg8 : memref<!tpu.dma_semaphore, #tpu.memory_space<semaphore_mem>>)
      } else {
      }
      %dma_wait3A_37 = arith.constant 0 : i32
      %dma_wait3A_38 = tpu.memref_slice %arg5[%add3A_18, %dma_wait3A_37] : memref<80x128xi32, #tpu.memory_space<vmem>> -> memref<1x128xi32, #tpu.memory_space<vmem>>
      %dma_wait3A_39 = tpu.memref_squeeze %dma_wait3A_38 : memref<1x128xi32, #tpu.memory_space<vmem>> -> memref<128xi32, #tpu.memory_space<vmem>>
      %dma_wait3A_40 = arith.constant 0 : i32
      %dma_wait3A_41 = arith.constant 0 : i32
      %dma_wait3A_42 = tpu.memref_slice %arg2[%dma_wait3A_40, %dma_wait3A_41] : memref<10240x64xf32, #tpu.memory_space<hbm>> -> memref<10240x64xf32, #tpu.memory_space<hbm>>
      tpu.wait_indirect_dma semaphore(%arg9 : memref<!tpu.dma_semaphore, #tpu.memory_space<semaphore_mem>>) src(%dma_wait3A_42 : memref<10240x64xf32, #tpu.memory_space<hbm>>) dst(%arg7 : memref<128x64xf32, #tpu.memory_space<vmem>>)
      %add3A_43 = arith.addi %mul3A_2, %mul3A_16 : i32
      %add3A_44 = arith.constant 1 : i32
      %add3A_45 = arith.addi %add3A_43, %add3A_44 : i32
      %mul3A_46 = arith.constant 128 : i32
      %mul3A_47 = arith.muli %add3A_45, %mul3A_46 : i32
      "tpu.region"() ({
        %run_scoped3A = tpu.sem_alloc : memref<!tpu.dma_semaphore, #tpu.memory_space<semaphore_mem>>
        %dma_start3A_48 = arith.constant 0 : i32
        %dma_start3A_49 = tpu.memref_slice %arg4[%mul3A_47, %dma_start3A_48] : memref<327680x64xf32, #tpu.memory_space<hbm>> -> memref<128x64xf32, #tpu.memory_space<hbm>>
        %dma_start3A_50 = arith.constant 0 : i32
        %dma_start3A_51 = tpu.memref_slice %arg4[%mul3A_47, %dma_start3A_50] : memref<327680x64xf32, #tpu.memory_space<hbm>> -> memref<128x64xf32, #tpu.memory_space<hbm>>
        tpu.enqueue_dma source(%arg7 : memref<128x64xf32, #tpu.memory_space<vmem>>) target(%dma_start3A_51 : memref<128x64xf32, #tpu.memory_space<hbm>>) target_semaphore(%run_scoped3A : memref<!tpu.dma_semaphore, #tpu.memory_space<semaphore_mem>>)
        %dma_wait3A_52 = arith.constant 0 : i32
        %dma_wait3A_53 = tpu.memref_slice %arg4[%mul3A_47, %dma_wait3A_52] : memref<327680x64xf32, #tpu.memory_space<hbm>> -> memref<128x64xf32, #tpu.memory_space<hbm>>
        %dma_wait3A_54 = arith.constant 0 : i32
        %dma_wait3A_55 = tpu.memref_slice %arg4[%mul3A_47, %dma_wait3A_54] : memref<327680x64xf32, #tpu.memory_space<hbm>> -> memref<128x64xf32, #tpu.memory_space<hbm>>
        tpu.wait_dma2 semaphore(%run_scoped3A : memref<!tpu.dma_semaphore, #tpu.memory_space<semaphore_mem>>) src(%arg7 : memref<128x64xf32, #tpu.memory_space<vmem>>) dst(%dma_wait3A_55 : memref<128x64xf32, #tpu.memory_space<hbm>>)
        tpu.yield
      }) : () -> ()
    }
    %scan3A_13 = arith.constant 40 : i32
    return
  }
}

#map = affine_map<(d0, d1) -> (0, 0)>
module attributes {stable_mosaic.version = 14 : i64} {
  func.func @scatter(%arg0: i32, %arg1: i32, %arg2: memref<2560x128xi32, #tpu.memory_space<hbm>>, %arg3: memref<327680x64xf32, #tpu.memory_space<hbm>>, %arg4: memref<10240x64xf32, #tpu.memory_space<hbm>>, %arg5: memref<20480x64xf32, #tpu.memory_space<hbm>>, %arg6: memref<80x128xi32, #tpu.memory_space<vmem>>, %arg7: memref<128x64xf32, #tpu.memory_space<vmem>>, %arg8: memref<128x64xf32, #tpu.memory_space<vmem>>, %arg9: memref<10240x64xf32, #tpu.memory_space<vmem_shared>>, %arg10: memref<!tpu.dma_semaphore, #tpu.memory_space<semaphore_mem>>, %arg11: memref<!tpu.dma_semaphore, #tpu.memory_space<semaphore_mem>>) attributes {dimension_semantics = [#tpu.dimension_semantics<core_parallel>, #tpu.dimension_semantics<subcore_parallel>], iteration_bounds = array<i64: 2, 16>, scalar_prefetch = 0 : i64, scratch_operands = 6 : i64, tpu.core_type = #tpu.core_type<sc_vector_subcore>, window_params = [{transform_indices = #map}, {transform_indices = #map}, {transform_indices = #map}, {transform_indices = #map}]} {
    %mul3A = arith.constant 16 : i32
    %mul3A_0 = arith.muli %arg0, %mul3A : i32
    %add3A = arith.addi %mul3A_0, %arg1 : i32
    %mul3A_1 = arith.constant 640 : i32
    %mul3A_2 = arith.muli %arg1, %mul3A_1 : i32
    %mul3A_3 = arith.constant 640 : i32
    %mul3A_4 = arith.muli %arg1, %mul3A_3 : i32
    "tpu.region"() ({
      %run_scoped3A = tpu.sem_alloc : memref<!tpu.dma_semaphore, #tpu.memory_space<semaphore_mem>>
      %dma_start3A_25 = arith.constant 0 : i32
      %dma_start3A_26 = tpu.memref_slice %arg9[%mul3A_4, %dma_start3A_25] : memref<10240x64xf32, #tpu.memory_space<vmem_shared>> -> memref<640x64xf32, #tpu.memory_space<vmem_shared>>
      %dma_start3A_27 = arith.constant 0 : i32
      %dma_start3A_28 = tpu.memref_slice %arg4[%mul3A_2, %dma_start3A_27] : memref<10240x64xf32, #tpu.memory_space<hbm>> -> memref<640x64xf32, #tpu.memory_space<hbm>>
      tpu.enqueue_dma source(%dma_start3A_28 : memref<640x64xf32, #tpu.memory_space<hbm>>) target(%dma_start3A_26 : memref<640x64xf32, #tpu.memory_space<vmem_shared>>) target_semaphore(%run_scoped3A : memref<!tpu.dma_semaphore, #tpu.memory_space<semaphore_mem>>)
      %dma_wait3A = arith.constant 0 : i32
      %dma_wait3A_29 = tpu.memref_slice %arg9[%mul3A_4, %dma_wait3A] : memref<10240x64xf32, #tpu.memory_space<vmem_shared>> -> memref<640x64xf32, #tpu.memory_space<vmem_shared>>
      %dma_wait3A_30 = arith.constant 0 : i32
      %dma_wait3A_31 = tpu.memref_slice %arg4[%mul3A_2, %dma_wait3A_30] : memref<10240x64xf32, #tpu.memory_space<hbm>> -> memref<640x64xf32, #tpu.memory_space<hbm>>
      tpu.wait_dma2 semaphore(%run_scoped3A : memref<!tpu.dma_semaphore, #tpu.memory_space<semaphore_mem>>) src(%dma_wait3A_31 : memref<640x64xf32, #tpu.memory_space<hbm>>) dst(%dma_wait3A_29 : memref<640x64xf32, #tpu.memory_space<vmem_shared>>)
      tpu.yield
    }) : () -> ()
    %barrier3A = arith.constant 0 : index
    tpu.barrier barrier_id(%barrier3A)
    %mul3A_5 = arith.constant 80 : i32
    %mul3A_6 = arith.muli %add3A, %mul3A_5 : i32
    "tpu.region"() ({
      %run_scoped3A = tpu.sem_alloc : memref<!tpu.dma_semaphore, #tpu.memory_space<semaphore_mem>>
      %dma_start3A_25 = arith.constant 0 : i32
      %dma_start3A_26 = tpu.memref_slice %arg2[%mul3A_6, %dma_start3A_25] : memref<2560x128xi32, #tpu.memory_space<hbm>> -> memref<80x128xi32, #tpu.memory_space<hbm>>
      %dma_start3A_27 = arith.constant 0 : i32
      %dma_start3A_28 = tpu.memref_slice %arg2[%mul3A_6, %dma_start3A_27] : memref<2560x128xi32, #tpu.memory_space<hbm>> -> memref<80x128xi32, #tpu.memory_space<hbm>>
      tpu.enqueue_dma source(%dma_start3A_28 : memref<80x128xi32, #tpu.memory_space<hbm>>) target(%arg6 : memref<80x128xi32, #tpu.memory_space<vmem>>) target_semaphore(%run_scoped3A : memref<!tpu.dma_semaphore, #tpu.memory_space<semaphore_mem>>)
      %dma_wait3A = arith.constant 0 : i32
      %dma_wait3A_29 = tpu.memref_slice %arg2[%mul3A_6, %dma_wait3A] : memref<2560x128xi32, #tpu.memory_space<hbm>> -> memref<80x128xi32, #tpu.memory_space<hbm>>
      %dma_wait3A_30 = arith.constant 0 : i32
      %dma_wait3A_31 = tpu.memref_slice %arg2[%mul3A_6, %dma_wait3A_30] : memref<2560x128xi32, #tpu.memory_space<hbm>> -> memref<80x128xi32, #tpu.memory_space<hbm>>
      tpu.wait_dma2 semaphore(%run_scoped3A : memref<!tpu.dma_semaphore, #tpu.memory_space<semaphore_mem>>) src(%dma_wait3A_31 : memref<80x128xi32, #tpu.memory_space<hbm>>) dst(%arg6 : memref<80x128xi32, #tpu.memory_space<vmem>>)
      tpu.yield
    }) : () -> ()
    %mul3A_7 = arith.constant 128 : i32
    %mul3A_8 = arith.muli %mul3A_6, %mul3A_7 : i32
    %dma_start3A = arith.constant 0 : i32
    %dma_start3A_9 = tpu.memref_slice %arg3[%mul3A_8, %dma_start3A] : memref<327680x64xf32, #tpu.memory_space<hbm>> -> memref<128x64xf32, #tpu.memory_space<hbm>>
    %dma_start3A_10 = arith.constant 0 : i32
    %dma_start3A_11 = tpu.memref_slice %arg3[%mul3A_8, %dma_start3A_10] : memref<327680x64xf32, #tpu.memory_space<hbm>> -> memref<128x64xf32, #tpu.memory_space<hbm>>
    tpu.enqueue_dma source(%dma_start3A_11 : memref<128x64xf32, #tpu.memory_space<hbm>>) target(%arg7 : memref<128x64xf32, #tpu.memory_space<vmem>>) target_semaphore(%arg10 : memref<!tpu.dma_semaphore, #tpu.memory_space<semaphore_mem>>)
    %scan3A = arith.constant 0 : i32
    %scan3A_12 = arith.constant 0 : i32
    %scan3A_13 = arith.constant 40 : i32
    %scan3A_14 = arith.addi %scan3A_12, %scan3A_13 : i32
    %scan3A_15 = arith.constant 1 : i32
    scf.for %scan3A_25 = %scan3A_12 to %scan3A_14 step %scan3A_15  : i32 {
      %mul3A_26 = arith.constant 2 : i32
      %mul3A_27 = arith.muli %mul3A_26, %scan3A_25 : i32
      %add3A_28 = arith.addi %mul3A_6, %mul3A_27 : i32
      %add3A_29 = arith.constant 1 : i32
      %add3A_30 = arith.addi %add3A_28, %add3A_29 : i32
      %mul3A_31 = arith.constant 128 : i32
      %mul3A_32 = arith.muli %add3A_30, %mul3A_31 : i32
      %dma_start3A_33 = arith.constant 0 : i32
      %dma_start3A_34 = tpu.memref_slice %arg3[%mul3A_32, %dma_start3A_33] : memref<327680x64xf32, #tpu.memory_space<hbm>> -> memref<128x64xf32, #tpu.memory_space<hbm>>
      %dma_start3A_35 = arith.constant 0 : i32
      %dma_start3A_36 = tpu.memref_slice %arg3[%mul3A_32, %dma_start3A_35] : memref<327680x64xf32, #tpu.memory_space<hbm>> -> memref<128x64xf32, #tpu.memory_space<hbm>>
      tpu.enqueue_dma source(%dma_start3A_36 : memref<128x64xf32, #tpu.memory_space<hbm>>) target(%arg8 : memref<128x64xf32, #tpu.memory_space<vmem>>) target_semaphore(%arg11 : memref<!tpu.dma_semaphore, #tpu.memory_space<semaphore_mem>>)
      %mul3A_37 = arith.constant 128 : i32
      %mul3A_38 = arith.muli %mul3A_6, %mul3A_37 : i32
      %dma_wait3A = arith.constant 0 : i32
      %dma_wait3A_39 = tpu.memref_slice %arg3[%mul3A_38, %dma_wait3A] : memref<327680x64xf32, #tpu.memory_space<hbm>> -> memref<128x64xf32, #tpu.memory_space<hbm>>
      %dma_wait3A_40 = arith.constant 0 : i32
      %dma_wait3A_41 = tpu.memref_slice %arg3[%mul3A_38, %dma_wait3A_40] : memref<327680x64xf32, #tpu.memory_space<hbm>> -> memref<128x64xf32, #tpu.memory_space<hbm>>
      tpu.wait_dma2 semaphore(%arg10 : memref<!tpu.dma_semaphore, #tpu.memory_space<semaphore_mem>>) src(%dma_wait3A_41 : memref<128x64xf32, #tpu.memory_space<hbm>>) dst(%arg7 : memref<128x64xf32, #tpu.memory_space<vmem>>)
      "tpu.region"() ({
        %run_scoped3A = tpu.sem_alloc : memref<!tpu.dma_semaphore, #tpu.memory_space<semaphore_mem>>
        %dma_start3A_52 = arith.constant 0 : i32
        %dma_start3A_53 = tpu.memref_slice %arg6[%mul3A_27, %dma_start3A_52] : memref<80x128xi32, #tpu.memory_space<vmem>> -> memref<1x128xi32, #tpu.memory_space<vmem>>
        %dma_start3A_54 = tpu.memref_squeeze %dma_start3A_53 : memref<1x128xi32, #tpu.memory_space<vmem>> -> memref<128xi32, #tpu.memory_space<vmem>>
        %dma_start3A_55 = arith.constant 0 : i32
        %dma_start3A_56 = arith.constant 0 : i32
        %dma_start3A_57 = tpu.memref_slice %arg9[%dma_start3A_55, %dma_start3A_56] : memref<10240x64xf32, #tpu.memory_space<vmem_shared>> -> memref<10240x64xf32, #tpu.memory_space<vmem_shared>>
        tpu.enqueue_indirect_dma source(%arg7 : memref<128x64xf32, #tpu.memory_space<vmem>>) target(%dma_start3A_57 : memref<10240x64xf32, #tpu.memory_space<vmem_shared>>) offsets(%dma_start3A_54 : memref<128xi32, #tpu.memory_space<vmem>>) semaphore(%run_scoped3A : memref<!tpu.dma_semaphore, #tpu.memory_space<semaphore_mem>>) {add = true}
        %dma_wait3A_58 = arith.constant 0 : i32
        %dma_wait3A_59 = tpu.memref_slice %arg6[%mul3A_27, %dma_wait3A_58] : memref<80x128xi32, #tpu.memory_space<vmem>> -> memref<1x128xi32, #tpu.memory_space<vmem>>
        %dma_wait3A_60 = tpu.memref_squeeze %dma_wait3A_59 : memref<1x128xi32, #tpu.memory_space<vmem>> -> memref<128xi32, #tpu.memory_space<vmem>>
        %dma_wait3A_61 = arith.constant 0 : i32
        %dma_wait3A_62 = arith.constant 0 : i32
        %dma_wait3A_63 = tpu.memref_slice %arg9[%dma_wait3A_61, %dma_wait3A_62] : memref<10240x64xf32, #tpu.memory_space<vmem_shared>> -> memref<10240x64xf32, #tpu.memory_space<vmem_shared>>
        tpu.wait_indirect_dma semaphore(%run_scoped3A : memref<!tpu.dma_semaphore, #tpu.memory_space<semaphore_mem>>) src(%arg7 : memref<128x64xf32, #tpu.memory_space<vmem>>) dst(%dma_wait3A_63 : memref<10240x64xf32, #tpu.memory_space<vmem_shared>>)
        tpu.yield
      }) : () -> ()
      %add3A_42 = arith.constant 1 : i32
      %add3A_43 = arith.addi %scan3A_25, %add3A_42 : i32
      %lt3A = arith.constant 40 : i32
      %lt3A_44 = arith.cmpi slt, %add3A_43, %lt3A : i32
      %convert_element_type3A = arith.extui %lt3A_44 : i1 to i32
      %cond3A = arith.constant 0 : i32
      %cond3A_45 = arith.cmpi ne, %convert_element_type3A, %cond3A : i32
      scf.if %cond3A_45 {
        %add3A_52 = arith.addi %mul3A_6, %mul3A_27 : i32
        %add3A_53 = arith.constant 2 : i32
        %add3A_54 = arith.addi %add3A_52, %add3A_53 : i32
        %mul3A_55 = arith.constant 128 : i32
        %mul3A_56 = arith.muli %add3A_54, %mul3A_55 : i32
        %dma_start3A_57 = arith.constant 0 : i32
        %dma_start3A_58 = tpu.memref_slice %arg3[%mul3A_56, %dma_start3A_57] : memref<327680x64xf32, #tpu.memory_space<hbm>> -> memref<128x64xf32, #tpu.memory_space<hbm>>
        %dma_start3A_59 = arith.constant 0 : i32
        %dma_start3A_60 = tpu.memref_slice %arg3[%mul3A_56, %dma_start3A_59] : memref<327680x64xf32, #tpu.memory_space<hbm>> -> memref<128x64xf32, #tpu.memory_space<hbm>>
        tpu.enqueue_dma source(%dma_start3A_60 : memref<128x64xf32, #tpu.memory_space<hbm>>) target(%arg7 : memref<128x64xf32, #tpu.memory_space<vmem>>) target_semaphore(%arg10 : memref<!tpu.dma_semaphore, #tpu.memory_space<semaphore_mem>>)
      } else {
      }
      %dma_wait3A_46 = arith.constant 0 : i32
      %dma_wait3A_47 = tpu.memref_slice %arg3[%mul3A_32, %dma_wait3A_46] : memref<327680x64xf32, #tpu.memory_space<hbm>> -> memref<128x64xf32, #tpu.memory_space<hbm>>
      %dma_wait3A_48 = arith.constant 0 : i32
      %dma_wait3A_49 = tpu.memref_slice %arg3[%mul3A_32, %dma_wait3A_48] : memref<327680x64xf32, #tpu.memory_space<hbm>> -> memref<128x64xf32, #tpu.memory_space<hbm>>
      tpu.wait_dma2 semaphore(%arg11 : memref<!tpu.dma_semaphore, #tpu.memory_space<semaphore_mem>>) src(%dma_wait3A_49 : memref<128x64xf32, #tpu.memory_space<hbm>>) dst(%arg8 : memref<128x64xf32, #tpu.memory_space<vmem>>)
      %add3A_50 = arith.constant 1 : i32
      %add3A_51 = arith.addi %mul3A_27, %add3A_50 : i32
      "tpu.region"() ({
        %run_scoped3A = tpu.sem_alloc : memref<!tpu.dma_semaphore, #tpu.memory_space<semaphore_mem>>
        %dma_start3A_52 = arith.constant 0 : i32
        %dma_start3A_53 = tpu.memref_slice %arg6[%add3A_51, %dma_start3A_52] : memref<80x128xi32, #tpu.memory_space<vmem>> -> memref<1x128xi32, #tpu.memory_space<vmem>>
        %dma_start3A_54 = tpu.memref_squeeze %dma_start3A_53 : memref<1x128xi32, #tpu.memory_space<vmem>> -> memref<128xi32, #tpu.memory_space<vmem>>
        %dma_start3A_55 = arith.constant 0 : i32
        %dma_start3A_56 = arith.constant 0 : i32
        %dma_start3A_57 = tpu.memref_slice %arg9[%dma_start3A_55, %dma_start3A_56] : memref<10240x64xf32, #tpu.memory_space<vmem_shared>> -> memref<10240x64xf32, #tpu.memory_space<vmem_shared>>
        tpu.enqueue_indirect_dma source(%arg8 : memref<128x64xf32, #tpu.memory_space<vmem>>) target(%dma_start3A_57 : memref<10240x64xf32, #tpu.memory_space<vmem_shared>>) offsets(%dma_start3A_54 : memref<128xi32, #tpu.memory_space<vmem>>) semaphore(%run_scoped3A : memref<!tpu.dma_semaphore, #tpu.memory_space<semaphore_mem>>) {add = true}
        %dma_wait3A_58 = arith.constant 0 : i32
        %dma_wait3A_59 = tpu.memref_slice %arg6[%add3A_51, %dma_wait3A_58] : memref<80x128xi32, #tpu.memory_space<vmem>> -> memref<1x128xi32, #tpu.memory_space<vmem>>
        %dma_wait3A_60 = tpu.memref_squeeze %dma_wait3A_59 : memref<1x128xi32, #tpu.memory_space<vmem>> -> memref<128xi32, #tpu.memory_space<vmem>>
        %dma_wait3A_61 = arith.constant 0 : i32
        %dma_wait3A_62 = arith.constant 0 : i32
        %dma_wait3A_63 = tpu.memref_slice %arg9[%dma_wait3A_61, %dma_wait3A_62] : memref<10240x64xf32, #tpu.memory_space<vmem_shared>> -> memref<10240x64xf32, #tpu.memory_space<vmem_shared>>
        tpu.wait_indirect_dma semaphore(%run_scoped3A : memref<!tpu.dma_semaphore, #tpu.memory_space<semaphore_mem>>) src(%arg8 : memref<128x64xf32, #tpu.memory_space<vmem>>) dst(%dma_wait3A_63 : memref<10240x64xf32, #tpu.memory_space<vmem_shared>>)
        tpu.yield
      }) : () -> ()
    }
    %scan3A_16 = arith.constant 40 : i32
    %barrier3A_17 = arith.constant 0 : index
    tpu.barrier barrier_id(%barrier3A_17)
    %mul3A_18 = arith.constant 640 : i32
    %mul3A_19 = arith.muli %arg1, %mul3A_18 : i32
    %mul3A_20 = arith.constant 10240 : i32
    %mul3A_21 = arith.muli %arg0, %mul3A_20 : i32
    %mul3A_22 = arith.constant 640 : i32
    %mul3A_23 = arith.muli %arg1, %mul3A_22 : i32
    %add3A_24 = arith.addi %mul3A_21, %mul3A_23 : i32
    "tpu.region"() ({
      %run_scoped3A = tpu.sem_alloc : memref<!tpu.dma_semaphore, #tpu.memory_space<semaphore_mem>>
      %dma_start3A_25 = arith.constant 0 : i32
      %dma_start3A_26 = tpu.memref_slice %arg5[%add3A_24, %dma_start3A_25] : memref<20480x64xf32, #tpu.memory_space<hbm>> -> memref<640x64xf32, #tpu.memory_space<hbm>>
      %dma_start3A_27 = arith.constant 0 : i32
      %dma_start3A_28 = tpu.memref_slice %arg9[%mul3A_19, %dma_start3A_27] : memref<10240x64xf32, #tpu.memory_space<vmem_shared>> -> memref<640x64xf32, #tpu.memory_space<vmem_shared>>
      tpu.enqueue_dma source(%dma_start3A_28 : memref<640x64xf32, #tpu.memory_space<vmem_shared>>) target(%dma_start3A_26 : memref<640x64xf32, #tpu.memory_space<hbm>>) target_semaphore(%run_scoped3A : memref<!tpu.dma_semaphore, #tpu.memory_space<semaphore_mem>>)
      %dma_wait3A = arith.constant 0 : i32
      %dma_wait3A_29 = tpu.memref_slice %arg5[%add3A_24, %dma_wait3A] : memref<20480x64xf32, #tpu.memory_space<hbm>> -> memref<640x64xf32, #tpu.memory_space<hbm>>
      %dma_wait3A_30 = arith.constant 0 : i32
      %dma_wait3A_31 = tpu.memref_slice %arg9[%mul3A_19, %dma_wait3A_30] : memref<10240x64xf32, #tpu.memory_space<vmem_shared>> -> memref<640x64xf32, #tpu.memory_space<vmem_shared>>
      tpu.wait_dma2 semaphore(%run_scoped3A : memref<!tpu.dma_semaphore, #tpu.memory_space<semaphore_mem>>) src(%dma_wait3A_31 : memref<640x64xf32, #tpu.memory_space<vmem_shared>>) dst(%dma_wait3A_29 : memref<640x64xf32, #tpu.memory_space<hbm>>)
      tpu.yield
    }) : () -> ()
    return
  }
}

module attributes {stable_mosaic.version = 14 : i64} {
  func.func @_blk0_body(%arg0: i32, %arg1: memref<4096x1xi32, #tpu.memory_space<vmem>>, %arg2: memref<4096x1xf32, #tpu.memory_space<vmem>>, %arg3: memref<128x64xf32, #tpu.memory_space<vmem>>, %arg4: memref<128x64xf32, #tpu.memory_space<vmem>>, %arg5: memref<8x64xf32, #tpu.memory_space<vmem>>, %arg6: memref<4096x64xf32, #tpu.memory_space<vmem>>, %arg7: memref<4096x64xf32, #tpu.memory_space<vmem>>, %arg8: memref<128x64xf32, #tpu.memory_space<vmem>>) attributes {dimension_semantics = [#tpu.dimension_semantics<arbitrary>], iteration_bounds = array<i64: 80>, scalar_prefetch = 0 : i64, scratch_operands = 0 : i64, tpu.core_type = #tpu.core_type<tc>, window_params = [{transform_indices = @transform_0, window_bounds = array<i64: 4096, 1>}, {transform_indices = @transform_1, window_bounds = array<i64: 4096, 1>}, {pipeline_mode = #tpu.pipeline_mode<synchronous>, transform_indices = @transform_2, window_bounds = array<i64: 128, 64>}, {pipeline_mode = #tpu.pipeline_mode<synchronous>, transform_indices = @transform_3, window_bounds = array<i64: 128, 64>}, {pipeline_mode = #tpu.pipeline_mode<synchronous>, transform_indices = @transform_4, window_bounds = array<i64: 8, 64>}, {transform_indices = @transform_5, window_bounds = array<i64: 4096, 64>}, {transform_indices = @transform_6, window_bounds = array<i64: 4096, 64>}, {pipeline_mode = #tpu.pipeline_mode<synchronous>, transform_indices = @transform_7, window_bounds = array<i64: 128, 64>}]} {
    %get3A = arith.constant 0 : index
    %get3A_0 = arith.constant 0 : index
    %get3A_1 = vector.load %arg1[%get3A, %get3A_0] : memref<4096x1xi32, #tpu.memory_space<vmem>>, vector<4096x1xi32>
    %get3A_2 = arith.constant 0 : index
    %get3A_3 = arith.constant 0 : index
    %get3A_4 = vector.load %arg2[%get3A_2, %get3A_3] : memref<4096x1xf32, #tpu.memory_space<vmem>>, vector<4096x1xf32>
    %iota3A = tpu.iota {dimensions = array<i32: 1>} : vector<4096x128xi32>
    %eq3A = vector.broadcast %get3A_1 : vector<4096x1xi32> to vector<4096x128xi32>
    %eq3A_5 = arith.cmpi eq, %eq3A, %iota3A : vector<4096x128xi32>
    %convert_element_type3A = arith.extui %eq3A_5 : vector<4096x128xi1> to vector<4096x128xi32>
    %convert_element_type3A_6 = arith.sitofp %convert_element_type3A : vector<4096x128xi32> to vector<4096x128xf32>
    %get3A_7 = arith.constant 0 : index
    %get3A_8 = arith.constant 0 : index
    %get3A_9 = vector.load %arg5[%get3A_7, %get3A_8] : memref<8x64xf32, #tpu.memory_space<vmem>>, vector<8x64xf32>
    %slice3A = vector.extract_strided_slice %get3A_9 {offsets = [0, 0], sizes = [1, 64], strides = [1, 1]} : vector<8x64xf32> to vector<1x64xf32>
    %slice3A_10 = vector.extract_strided_slice %get3A_9 {offsets = [1, 0], sizes = [1, 64], strides = [1, 1]} : vector<8x64xf32> to vector<1x64xf32>
    %slice3A_11 = vector.extract_strided_slice %get3A_9 {offsets = [2, 0], sizes = [1, 64], strides = [1, 1]} : vector<8x64xf32> to vector<1x64xf32>
    %slice3A_12 = vector.extract_strided_slice %get3A_9 {offsets = [3, 0], sizes = [1, 64], strides = [1, 1]} : vector<8x64xf32> to vector<1x64xf32>
    %slice3A_13 = vector.extract_strided_slice %get3A_9 {offsets = [4, 0], sizes = [1, 64], strides = [1, 1]} : vector<8x64xf32> to vector<1x64xf32>
    %get3A_14 = arith.constant 0 : index
    %get3A_15 = arith.constant 0 : index
    %get3A_16 = vector.load %arg3[%get3A_14, %get3A_15] : memref<128x64xf32, #tpu.memory_space<vmem>>, vector<128x64xf32>
    %dot_general3A = arith.constant dense<0.000000e+00> : vector<4096x64xf32>
    %dot_general3A_17 = tpu.matmul %convert_element_type3A_6, %get3A_16, %dot_general3A {dimension_numbers = #tpu.dot_dimension_numbers<[1], [0], [0], [1], [0, 0, 1, 1], [], []>, transpose_lhs_hint = false} : vector<4096x128xf32>, vector<128x64xf32>, vector<4096x64xf32> -> vector<4096x64xf32>
    %mul3A = vector.broadcast %get3A_4 : vector<4096x1xf32> to vector<4096x64xf32>
    %mul3A_18 = vector.broadcast %slice3A : vector<1x64xf32> to vector<4096x64xf32>
    %mul3A_19 = arith.mulf %mul3A, %mul3A_18 : vector<4096x64xf32>
    %add3A = arith.addf %dot_general3A_17, %mul3A_19 : vector<4096x64xf32>
    %max3A = arith.constant 0.000000e+00 : f32
    %max3A_20 = vector.broadcast %max3A : f32 to vector<4096x64xf32>
    %max3A_21 = arith.maximumf %add3A, %max3A_20 : vector<4096x64xf32>
    %swap3A = arith.constant 0 : index
    %swap3A_22 = arith.constant 0 : index
    %swap3A_23 = vector.load %arg6[%swap3A, %swap3A_22] : memref<4096x64xf32, #tpu.memory_space<vmem>>, vector<4096x64xf32>
    tpu.vector_store %arg6[%swap3A, %swap3A_22], %max3A_21 {strides = array<i32>} : memref<4096x64xf32, #tpu.memory_space<vmem>>, vector<4096x64xf32>,
    %get3A_24 = arith.constant 0 : index
    %get3A_25 = arith.constant 0 : index
    %get3A_26 = vector.load %arg4[%get3A_24, %get3A_25] : memref<128x64xf32, #tpu.memory_space<vmem>>, vector<128x64xf32>
    %dot_general3A_27 = arith.constant dense<0.000000e+00> : vector<4096x64xf32>
    %dot_general3A_28 = tpu.matmul %convert_element_type3A_6, %get3A_26, %dot_general3A_27 {dimension_numbers = #tpu.dot_dimension_numbers<[1], [0], [0], [1], [0, 0, 1, 1], [], []>, transpose_lhs_hint = false} : vector<4096x128xf32>, vector<128x64xf32>, vector<4096x64xf32> -> vector<4096x64xf32>
    %add3A_29 = vector.broadcast %slice3A_13 : vector<1x64xf32> to vector<4096x64xf32>
    %add3A_30 = arith.addf %add3A_29, %dot_general3A_28 : vector<4096x64xf32>
    %mul3A_31 = vector.broadcast %get3A_4 : vector<4096x1xf32> to vector<4096x64xf32>
    %mul3A_32 = vector.broadcast %slice3A_11 : vector<1x64xf32> to vector<4096x64xf32>
    %mul3A_33 = arith.mulf %mul3A_31, %mul3A_32 : vector<4096x64xf32>
    %add3A_34 = arith.addf %add3A_30, %mul3A_33 : vector<4096x64xf32>
    %ge3A = arith.constant 0.000000e+00 : f32
    %ge3A_35 = vector.broadcast %ge3A : f32 to vector<4096x64xf32>
    %ge3A_36 = arith.cmpf oge, %add3A_34, %ge3A_35 : vector<4096x64xf32>
    %mul3A_37 = arith.constant 0.00999999977 : f32
    %mul3A_38 = vector.broadcast %mul3A_37 : f32 to vector<4096x64xf32>
    %mul3A_39 = arith.mulf %mul3A_38, %add3A_34 : vector<4096x64xf32>
    %select_n3A = arith.select %ge3A_36, %add3A_34, %mul3A_39 : vector<4096x64xi1>, vector<4096x64xf32>
    %swap3A_40 = arith.constant 0 : index
    %swap3A_41 = arith.constant 0 : index
    %swap3A_42 = vector.load %arg7[%swap3A_40, %swap3A_41] : memref<4096x64xf32, #tpu.memory_space<vmem>>, vector<4096x64xf32>
    tpu.vector_store %arg7[%swap3A_40, %swap3A_41], %select_n3A {strides = array<i32>} : memref<4096x64xf32, #tpu.memory_space<vmem>>, vector<4096x64xf32>,
    %mul3A_43 = vector.broadcast %get3A_4 : vector<4096x1xf32> to vector<4096x64xf32>
    %mul3A_44 = vector.broadcast %slice3A_10 : vector<1x64xf32> to vector<4096x64xf32>
    %mul3A_45 = arith.mulf %mul3A_43, %mul3A_44 : vector<4096x64xf32>
    %add3A_46 = vector.broadcast %slice3A_12 : vector<1x64xf32> to vector<4096x64xf32>
    %add3A_47 = arith.addf %add3A_46, %mul3A_45 : vector<4096x64xf32>
    %max3A_48 = arith.constant 0.000000e+00 : f32
    %max3A_49 = vector.broadcast %max3A_48 : f32 to vector<4096x64xf32>
    %max3A_50 = arith.maximumf %add3A_47, %max3A_49 : vector<4096x64xf32>
    %mul3A_51 = arith.constant 4096 : i32
    %mul3A_52 = arith.muli %arg0, %mul3A_51 : i32
    %iota3A_53 = tpu.iota {dimensions = array<i32: 0>} : vector<4096x1xi32>
    %add3A_54 = vector.broadcast %mul3A_52 : i32 to vector<4096x1xi32>
    %add3A_55 = arith.addi %add3A_54, %iota3A_53 : vector<4096x1xi32>
    %lt3A = arith.constant 320000 : i32
    %lt3A_56 = vector.broadcast %lt3A : i32 to vector<4096x1xi32>
    %lt3A_57 = arith.cmpi slt, %add3A_55, %lt3A_56 : vector<4096x1xi32>
    %jit3A = arith.constant 0.000000e+00 : f32
    %broadcast_in_dim3A = vector.shape_cast %lt3A_57 : vector<4096x1xi1> to vector<4096x1xi1>
    %broadcast_in_dim3A_58 = vector.broadcast %broadcast_in_dim3A : vector<4096x1xi1> to vector<4096x64xi1>
    %broadcast_in_dim3A_59 = vector.broadcast %jit3A : f32 to vector<4096x64xf32>
    %select_n3A_60 = arith.select %broadcast_in_dim3A_58, %max3A_50, %broadcast_in_dim3A_59 : vector<4096x64xi1>, vector<4096x64xf32>
    %convert_element_type3A_61 = arith.truncf %select_n3A_60 : vector<4096x64xf32> to vector<4096x64xbf16>
    %convert_element_type3A_62 = arith.extf %convert_element_type3A_61 : vector<4096x64xbf16> to vector<4096x64xf32>
    %sub3A = arith.subf %select_n3A_60, %convert_element_type3A_62 : vector<4096x64xf32>
    %dot_general3A_63 = arith.constant dense<0.000000e+00> : vector<128x64xf32>
    %dot_general3A_64 = tpu.matmul %convert_element_type3A_6, %convert_element_type3A_62, %dot_general3A_63 {dimension_numbers = #tpu.dot_dimension_numbers<[0], [0], [1], [1], [0, 1, 1, 1], [], []>, transpose_lhs_hint = false} : vector<4096x128xf32>, vector<4096x64xf32>, vector<128x64xf32> -> vector<128x64xf32>
    %dot_general3A_65 = arith.constant dense<0.000000e+00> : vector<128x64xf32>
    %dot_general3A_66 = tpu.matmul %convert_element_type3A_6, %sub3A, %dot_general3A_65 {dimension_numbers = #tpu.dot_dimension_numbers<[0], [0], [1], [1], [0, 1, 1, 1], [], []>, transpose_lhs_hint = false} : vector<4096x128xf32>, vector<4096x64xf32>, vector<128x64xf32> -> vector<128x64xf32>
    %add3A_67 = arith.addf %dot_general3A_64, %dot_general3A_66 : vector<128x64xf32>
    %eq3A_68 = arith.constant 0 : i32
    %eq3A_69 = arith.cmpi eq, %arg0, %eq3A_68 : i32
    %convert_element_type3A_70 = arith.extui %eq3A_69 : i1 to i32
    %cond3A = arith.constant 0 : i32
    %cond3A_71 = arith.cmpi ne, %convert_element_type3A_70, %cond3A : i32
    scf.if %cond3A_71 {
      %broadcast_in_dim3A_79 = arith.constant 0.000000e+00 : f32
      %broadcast_in_dim3A_80 = vector.broadcast %broadcast_in_dim3A_79 : f32 to vector<128x64xf32>
      %swap3A_81 = arith.constant 0 : index
      %swap3A_82 = arith.constant 0 : index
      %swap3A_83 = vector.load %arg8[%swap3A_81, %swap3A_82] : memref<128x64xf32, #tpu.memory_space<vmem>>, vector<128x64xf32>
      tpu.vector_store %arg8[%swap3A_81, %swap3A_82], %broadcast_in_dim3A_80 {strides = array<i32>} : memref<128x64xf32, #tpu.memory_space<vmem>>, vector<128x64xf32>,
    } else {
    }
    %get3A_72 = arith.constant 0 : index
    %get3A_73 = arith.constant 0 : index
    %get3A_74 = vector.load %arg8[%get3A_72, %get3A_73] : memref<128x64xf32, #tpu.memory_space<vmem>>, vector<128x64xf32>
    %add3A_75 = arith.addf %get3A_74, %add3A_67 : vector<128x64xf32>
    %swap3A_76 = arith.constant 0 : index
    %swap3A_77 = arith.constant 0 : index
    %swap3A_78 = vector.load %arg8[%swap3A_76, %swap3A_77] : memref<128x64xf32, #tpu.memory_space<vmem>>, vector<128x64xf32>
    tpu.vector_store %arg8[%swap3A_76, %swap3A_77], %add3A_75 {strides = array<i32>} : memref<128x64xf32, #tpu.memory_space<vmem>>, vector<128x64xf32>,
    return
  }
  func.func @transform_0(%arg0: i32) -> (i32, i32) {
    %c0_i32 = arith.constant 0 : i32
    %c0_i32_0 = arith.constant 0 : i32
    return %arg0, %c0_i32 : i32, i32
  }
  func.func @transform_1(%arg0: i32) -> (i32, i32) {
    %c0_i32 = arith.constant 0 : i32
    %c0_i32_0 = arith.constant 0 : i32
    return %arg0, %c0_i32 : i32, i32
  }
  func.func @transform_2(%arg0: i32) -> (i32, i32) {
    %c0_i32 = arith.constant 0 : i32
    %c0_i32_0 = arith.constant 0 : i32
    %c0_i32_1 = arith.constant 0 : i32
    return %c0_i32, %c0_i32_0 : i32, i32
  }
  func.func @transform_3(%arg0: i32) -> (i32, i32) {
    %c0_i32 = arith.constant 0 : i32
    %c0_i32_0 = arith.constant 0 : i32
    %c0_i32_1 = arith.constant 0 : i32
    return %c0_i32, %c0_i32_0 : i32, i32
  }
  func.func @transform_4(%arg0: i32) -> (i32, i32) {
    %c0_i32 = arith.constant 0 : i32
    %c0_i32_0 = arith.constant 0 : i32
    %c0_i32_1 = arith.constant 0 : i32
    return %c0_i32, %c0_i32_0 : i32, i32
  }
  func.func @transform_5(%arg0: i32) -> (i32, i32) {
    %c0_i32 = arith.constant 0 : i32
    %c0_i32_0 = arith.constant 0 : i32
    return %arg0, %c0_i32 : i32, i32
  }
  func.func @transform_6(%arg0: i32) -> (i32, i32) {
    %c0_i32 = arith.constant 0 : i32
    %c0_i32_0 = arith.constant 0 : i32
    return %arg0, %c0_i32 : i32, i32
  }
  func.func @transform_7(%arg0: i32) -> (i32, i32) {
    %c0_i32 = arith.constant 0 : i32
    %c0_i32_0 = arith.constant 0 : i32
    %c0_i32_1 = arith.constant 0 : i32
    return %c0_i32, %c0_i32_0 : i32, i32
  }
}

module attributes {stable_mosaic.version = 14 : i64} {
  func.func @_upd0_body(%arg0: memref<20480x64xf32, #tpu.memory_space<vmem>>, %arg1: memref<128x64xf32, #tpu.memory_space<vmem>>, %arg2: memref<1x64xf32, #tpu.memory_space<vmem>>, %arg3: memref<64x64xf32, #tpu.memory_space<vmem>>, %arg4: memref<128x64xf32, #tpu.memory_space<vmem>>, %arg5: memref<64x64xf32, #tpu.memory_space<vmem>>, %arg6: memref<10240x64xf32, #tpu.memory_space<vmem>>, %arg7: memref<128x64xf32, #tpu.memory_space<vmem>>) attributes {dimension_semantics = [], scalar_prefetch = 0 : i64, scratch_operands = 0 : i64, tpu.core_type = #tpu.core_type<tc>} {
    %get3A = arith.constant 0 : index
    %get3A_0 = arith.constant 0 : index
    %get3A_1 = vector.load %arg0[%get3A, %get3A_0] : memref<20480x64xf32, #tpu.memory_space<vmem>>, vector<10240x64xf32>
    %get3A_2 = arith.constant 10240 : index
    %get3A_3 = arith.constant 0 : index
    %get3A_4 = vector.load %arg0[%get3A_2, %get3A_3] : memref<20480x64xf32, #tpu.memory_space<vmem>>, vector<10240x64xf32>
    %add3A = arith.addf %get3A_1, %get3A_4 : vector<10240x64xf32>
    %get3A_5 = arith.constant 0 : index
    %get3A_6 = arith.constant 0 : index
    %get3A_7 = vector.load %arg2[%get3A_5, %get3A_6] : memref<1x64xf32, #tpu.memory_space<vmem>>, vector<1x64xf32>
    %get3A_8 = arith.constant 0 : index
    %get3A_9 = arith.constant 0 : index
    %get3A_10 = vector.load %arg3[%get3A_8, %get3A_9] : memref<64x64xf32, #tpu.memory_space<vmem>>, vector<64x64xf32>
    %dot_general3A = arith.constant dense<0.000000e+00> : vector<10240x64xf32>
    %dot_general3A_11 = tpu.matmul %add3A, %get3A_10, %dot_general3A {dimension_numbers = #tpu.dot_dimension_numbers<[1], [0], [0], [1], [0, 0, 1, 1], [], []>, transpose_lhs_hint = false} : vector<10240x64xf32>, vector<64x64xf32>, vector<10240x64xf32> -> vector<10240x64xf32>
    %add3A_12 = vector.broadcast %get3A_7 : vector<1x64xf32> to vector<10240x64xf32>
    %add3A_13 = arith.addf %add3A_12, %dot_general3A_11 : vector<10240x64xf32>
    %ge3A = arith.constant 0.000000e+00 : f32
    %ge3A_14 = vector.broadcast %ge3A : f32 to vector<10240x64xf32>
    %ge3A_15 = arith.cmpf oge, %add3A_13, %ge3A_14 : vector<10240x64xf32>
    %mul3A = arith.constant 0.00999999977 : f32
    %mul3A_16 = vector.broadcast %mul3A : f32 to vector<10240x64xf32>
    %mul3A_17 = arith.mulf %mul3A_16, %add3A_13 : vector<10240x64xf32>
    %select_n3A = arith.select %ge3A_15, %add3A_13, %mul3A_17 : vector<10240x64xi1>, vector<10240x64xf32>
    %swap3A = arith.constant 0 : index
    %swap3A_18 = arith.constant 0 : index
    %swap3A_19 = vector.load %arg6[%swap3A, %swap3A_18] : memref<10240x64xf32, #tpu.memory_space<vmem>>, vector<10240x64xf32>
    tpu.vector_store %arg6[%swap3A, %swap3A_18], %select_n3A {strides = array<i32>} : memref<10240x64xf32, #tpu.memory_space<vmem>>, vector<10240x64xf32>,
    %get3A_20 = arith.constant 0 : index
    %get3A_21 = arith.constant 0 : index
    %get3A_22 = vector.load %arg4[%get3A_20, %get3A_21] : memref<128x64xf32, #tpu.memory_space<vmem>>, vector<128x64xf32>
    %get3A_23 = arith.constant 0 : index
    %get3A_24 = arith.constant 0 : index
    %get3A_25 = vector.load %arg1[%get3A_23, %get3A_24] : memref<128x64xf32, #tpu.memory_space<vmem>>, vector<128x64xf32>
    %get3A_26 = arith.constant 0 : index
    %get3A_27 = arith.constant 0 : index
    %get3A_28 = vector.load %arg5[%get3A_26, %get3A_27] : memref<64x64xf32, #tpu.memory_space<vmem>>, vector<64x64xf32>
    %dot_general3A_29 = arith.constant dense<0.000000e+00> : vector<128x64xf32>
    %dot_general3A_30 = tpu.matmul %get3A_25, %get3A_28, %dot_general3A_29 {dimension_numbers = #tpu.dot_dimension_numbers<[1], [0], [0], [1], [0, 0, 1, 1], [], []>, transpose_lhs_hint = false} : vector<128x64xf32>, vector<64x64xf32>, vector<128x64xf32> -> vector<128x64xf32>
    %add3A_31 = arith.addf %get3A_22, %dot_general3A_30 : vector<128x64xf32>
    %ge3A_32 = arith.constant 0.000000e+00 : f32
    %ge3A_33 = vector.broadcast %ge3A_32 : f32 to vector<128x64xf32>
    %ge3A_34 = arith.cmpf oge, %add3A_31, %ge3A_33 : vector<128x64xf32>
    %mul3A_35 = arith.constant 0.00999999977 : f32
    %mul3A_36 = vector.broadcast %mul3A_35 : f32 to vector<128x64xf32>
    %mul3A_37 = arith.mulf %mul3A_36, %add3A_31 : vector<128x64xf32>
    %select_n3A_38 = arith.select %ge3A_34, %add3A_31, %mul3A_37 : vector<128x64xi1>, vector<128x64xf32>
    %swap3A_39 = arith.constant 0 : index
    %swap3A_40 = arith.constant 0 : index
    %swap3A_41 = vector.load %arg7[%swap3A_39, %swap3A_40] : memref<128x64xf32, #tpu.memory_space<vmem>>, vector<128x64xf32>
    tpu.vector_store %arg7[%swap3A_39, %swap3A_40], %select_n3A_38 {strides = array<i32>} : memref<128x64xf32, #tpu.memory_space<vmem>>, vector<128x64xf32>,
    return
  }
}

module attributes {stable_mosaic.version = 14 : i64} {
  func.func @_blk1_body(%arg0: i32, %arg1: memref<4096x1xi32, #tpu.memory_space<vmem>>, %arg2: memref<4096x64xf32, #tpu.memory_space<vmem>>, %arg3: memref<4096x64xf32, #tpu.memory_space<vmem>>, %arg4: memref<128x64xf32, #tpu.memory_space<vmem>>, %arg5: memref<64x64xf32, #tpu.memory_space<vmem>>, %arg6: memref<64x64xf32, #tpu.memory_space<vmem>>, %arg7: memref<64x64xf32, #tpu.memory_space<vmem>>, %arg8: memref<64x64xf32, #tpu.memory_space<vmem>>, %arg9: memref<64x64xf32, #tpu.memory_space<vmem>>, %arg10: memref<64x64xf32, #tpu.memory_space<vmem>>, %arg11: memref<64x64xf32, #tpu.memory_space<vmem>>, %arg12: memref<4096x64xf32, #tpu.memory_space<vmem>>, %arg13: memref<4096x64xf32, #tpu.memory_space<vmem>>, %arg14: memref<128x64xf32, #tpu.memory_space<vmem>>) attributes {dimension_semantics = [#tpu.dimension_semantics<arbitrary>], iteration_bounds = array<i64: 80>, scalar_prefetch = 0 : i64, scratch_operands = 0 : i64, tpu.core_type = #tpu.core_type<tc>, window_params = [{transform_indices = @transform_0, window_bounds = array<i64: 4096, 1>}, {transform_indices = @transform_1, window_bounds = array<i64: 4096, 64>}, {transform_indices = @transform_2, window_bounds = array<i64: 4096, 64>}, {pipeline_mode = #tpu.pipeline_mode<synchronous>, transform_indices = @transform_3, window_bounds = array<i64: 128, 64>}, {pipeline_mode = #tpu.pipeline_mode<synchronous>, transform_indices = @transform_4, window_bounds = array<i64: 64, 64>}, {pipeline_mode = #tpu.pipeline_mode<synchronous>, transform_indices = @transform_5, window_bounds = array<i64: 64, 64>}, {pipeline_mode = #tpu.pipeline_mode<synchronous>, transform_indices = @transform_6, window_bounds = array<i64: 64, 64>}, {pipeline_mode = #tpu.pipeline_mode<synchronous>, transform_indices = @transform_7, window_bounds = array<i64: 64, 64>}, {pipeline_mode = #tpu.pipeline_mode<synchronous>, transform_indices = @transform_8, window_bounds = array<i64: 64, 64>}, {pipeline_mode = #tpu.pipeline_mode<synchronous>, transform_indices = @transform_9, window_bounds = array<i64: 64, 64>}, {pipeline_mode = #tpu.pipeline_mode<synchronous>, transform_indices = @transform_10, window_bounds = array<i64: 64, 64>}, {transform_indices = @transform_11, window_bounds = array<i64: 4096, 64>}, {transform_indices = @transform_12, window_bounds = array<i64: 4096, 64>}, {pipeline_mode = #tpu.pipeline_mode<synchronous>, transform_indices = @transform_13, window_bounds = array<i64: 128, 64>}]} {
    %get3A = arith.constant 0 : index
    %get3A_0 = arith.constant 0 : index
    %get3A_1 = vector.load %arg1[%get3A, %get3A_0] : memref<4096x1xi32, #tpu.memory_space<vmem>>, vector<4096x1xi32>
    %get3A_2 = arith.constant 0 : index
    %get3A_3 = arith.constant 0 : index
    %get3A_4 = vector.load %arg2[%get3A_2, %get3A_3] : memref<4096x64xf32, #tpu.memory_space<vmem>>, vector<4096x64xf32>
    %get3A_5 = arith.constant 0 : index
    %get3A_6 = arith.constant 0 : index
    %get3A_7 = vector.load %arg3[%get3A_5, %get3A_6] : memref<4096x64xf32, #tpu.memory_space<vmem>>, vector<4096x64xf32>
    %iota3A = tpu.iota {dimensions = array<i32: 1>} : vector<4096x128xi32>
    %eq3A = vector.broadcast %get3A_1 : vector<4096x1xi32> to vector<4096x128xi32>
    %eq3A_8 = arith.cmpi eq, %eq3A, %iota3A : vector<4096x128xi32>
    %convert_element_type3A = arith.extui %eq3A_8 : vector<4096x128xi1> to vector<4096x128xi32>
    %convert_element_type3A_9 = arith.sitofp %convert_element_type3A : vector<4096x128xi32> to vector<4096x128xf32>
    %get3A_10 = arith.constant 0 : index
    %get3A_11 = arith.constant 0 : index
    %get3A_12 = vector.load %arg4[%get3A_10, %get3A_11] : memref<128x64xf32, #tpu.memory_space<vmem>>, vector<128x64xf32>
    %convert_element_type3A_13 = arith.truncf %get3A_12 : vector<128x64xf32> to vector<128x64xbf16>
    %convert_element_type3A_14 = arith.extf %convert_element_type3A_13 : vector<128x64xbf16> to vector<128x64xf32>
    %sub3A = arith.subf %get3A_12, %convert_element_type3A_14 : vector<128x64xf32>
    %dot_general3A = arith.constant dense<0.000000e+00> : vector<4096x64xf32>
    %dot_general3A_15 = tpu.matmul %convert_element_type3A_9, %convert_element_type3A_14, %dot_general3A {dimension_numbers = #tpu.dot_dimension_numbers<[1], [0], [0], [1], [0, 0, 1, 1], [], []>, transpose_lhs_hint = false} : vector<4096x128xf32>, vector<128x64xf32>, vector<4096x64xf32> -> vector<4096x64xf32>
    %dot_general3A_16 = arith.constant dense<0.000000e+00> : vector<4096x64xf32>
    %dot_general3A_17 = tpu.matmul %convert_element_type3A_9, %sub3A, %dot_general3A_16 {dimension_numbers = #tpu.dot_dimension_numbers<[1], [0], [0], [1], [0, 0, 1, 1], [], []>, transpose_lhs_hint = false} : vector<4096x128xf32>, vector<128x64xf32>, vector<4096x64xf32> -> vector<4096x64xf32>
    %add3A = arith.addf %dot_general3A_15, %dot_general3A_17 : vector<4096x64xf32>
    %get3A_18 = arith.constant 0 : index
    %get3A_19 = arith.constant 0 : index
    %get3A_20 = vector.load %arg5[%get3A_18, %get3A_19] : memref<64x64xf32, #tpu.memory_space<vmem>>, vector<64x64xf32>
    %dot_general3A_21 = arith.constant dense<0.000000e+00> : vector<4096x64xf32>
    %dot_general3A_22 = tpu.matmul %add3A, %get3A_20, %dot_general3A_21 {dimension_numbers = #tpu.dot_dimension_numbers<[1], [0], [0], [1], [0, 0, 1, 1], [], []>, transpose_lhs_hint = false} : vector<4096x64xf32>, vector<64x64xf32>, vector<4096x64xf32> -> vector<4096x64xf32>
    %get3A_23 = arith.constant 0 : index
    %get3A_24 = arith.constant 0 : index
    %get3A_25 = vector.load %arg6[%get3A_23, %get3A_24] : memref<64x64xf32, #tpu.memory_space<vmem>>, vector<64x64xf32>
    %dot_general3A_26 = arith.constant dense<0.000000e+00> : vector<4096x64xf32>
    %dot_general3A_27 = tpu.matmul %get3A_4, %get3A_25, %dot_general3A_26 {dimension_numbers = #tpu.dot_dimension_numbers<[1], [0], [0], [1], [0, 0, 1, 1], [], []>, transpose_lhs_hint = false} : vector<4096x64xf32>, vector<64x64xf32>, vector<4096x64xf32> -> vector<4096x64xf32>
    %add3A_28 = arith.addf %dot_general3A_22, %dot_general3A_27 : vector<4096x64xf32>
    %max3A = arith.constant 0.000000e+00 : f32
    %max3A_29 = vector.broadcast %max3A : f32 to vector<4096x64xf32>
    %max3A_30 = arith.maximumf %add3A_28, %max3A_29 : vector<4096x64xf32>
    %swap3A = arith.constant 0 : index
    %swap3A_31 = arith.constant 0 : index
    %swap3A_32 = vector.load %arg12[%swap3A, %swap3A_31] : memref<4096x64xf32, #tpu.memory_space<vmem>>, vector<4096x64xf32>
    tpu.vector_store %arg12[%swap3A, %swap3A_31], %max3A_30 {strides = array<i32>} : memref<4096x64xf32, #tpu.memory_space<vmem>>, vector<4096x64xf32>,
    %get3A_33 = arith.constant 0 : index
    %get3A_34 = arith.constant 0 : index
    %get3A_35 = vector.load %arg7[%get3A_33, %get3A_34] : memref<64x64xf32, #tpu.memory_space<vmem>>, vector<64x64xf32>
    %dot_general3A_36 = arith.constant dense<0.000000e+00> : vector<4096x64xf32>
    %dot_general3A_37 = tpu.matmul %get3A_7, %get3A_35, %dot_general3A_36 {dimension_numbers = #tpu.dot_dimension_numbers<[1], [0], [0], [1], [0, 0, 1, 1], [], []>, transpose_lhs_hint = false} : vector<4096x64xf32>, vector<64x64xf32>, vector<4096x64xf32> -> vector<4096x64xf32>
    %get3A_38 = arith.constant 0 : index
    %get3A_39 = arith.constant 0 : index
    %get3A_40 = vector.load %arg8[%get3A_38, %get3A_39] : memref<64x64xf32, #tpu.memory_space<vmem>>, vector<64x64xf32>
    %dot_general3A_41 = arith.constant dense<0.000000e+00> : vector<4096x64xf32>
    %dot_general3A_42 = tpu.matmul %get3A_4, %get3A_40, %dot_general3A_41 {dimension_numbers = #tpu.dot_dimension_numbers<[1], [0], [0], [1], [0, 0, 1, 1], [], []>, transpose_lhs_hint = false} : vector<4096x64xf32>, vector<64x64xf32>, vector<4096x64xf32> -> vector<4096x64xf32>
    %add3A_43 = arith.addf %dot_general3A_37, %dot_general3A_42 : vector<4096x64xf32>
    %max3A_44 = arith.constant 0.000000e+00 : f32
    %max3A_45 = vector.broadcast %max3A_44 : f32 to vector<4096x64xf32>
    %max3A_46 = arith.maximumf %add3A_43, %max3A_45 : vector<4096x64xf32>
    %get3A_47 = arith.constant 0 : index
    %get3A_48 = arith.constant 0 : index
    %get3A_49 = vector.load %arg9[%get3A_47, %get3A_48] : memref<64x64xf32, #tpu.memory_space<vmem>>, vector<64x64xf32>
    %dot_general3A_50 = arith.constant dense<0.000000e+00> : vector<4096x64xf32>
    %dot_general3A_51 = tpu.matmul %get3A_7, %get3A_49, %dot_general3A_50 {dimension_numbers = #tpu.dot_dimension_numbers<[1], [0], [0], [1], [0, 0, 1, 1], [], []>, transpose_lhs_hint = false} : vector<4096x64xf32>, vector<64x64xf32>, vector<4096x64xf32> -> vector<4096x64xf32>
    %get3A_52 = arith.constant 0 : index
    %get3A_53 = arith.constant 0 : index
    %get3A_54 = vector.load %arg10[%get3A_52, %get3A_53] : memref<64x64xf32, #tpu.memory_space<vmem>>, vector<64x64xf32>
    %dot_general3A_55 = arith.constant dense<0.000000e+00> : vector<4096x64xf32>
    %dot_general3A_56 = tpu.matmul %add3A, %get3A_54, %dot_general3A_55 {dimension_numbers = #tpu.dot_dimension_numbers<[1], [0], [0], [1], [0, 0, 1, 1], [], []>, transpose_lhs_hint = false} : vector<4096x64xf32>, vector<64x64xf32>, vector<4096x64xf32> -> vector<4096x64xf32>
    %add3A_57 = arith.addf %dot_general3A_51, %dot_general3A_56 : vector<4096x64xf32>
    %get3A_58 = arith.constant 0 : index
    %get3A_59 = arith.constant 0 : index
    %get3A_60 = vector.load %arg11[%get3A_58, %get3A_59] : memref<64x64xf32, #tpu.memory_space<vmem>>, vector<64x64xf32>
    %dot_general3A_61 = arith.constant dense<0.000000e+00> : vector<4096x64xf32>
    %dot_general3A_62 = tpu.matmul %get3A_4, %get3A_60, %dot_general3A_61 {dimension_numbers = #tpu.dot_dimension_numbers<[1], [0], [0], [1], [0, 0, 1, 1], [], []>, transpose_lhs_hint = false} : vector<4096x64xf32>, vector<64x64xf32>, vector<4096x64xf32> -> vector<4096x64xf32>
    %add3A_63 = arith.addf %add3A_57, %dot_general3A_62 : vector<4096x64xf32>
    %ge3A = arith.constant 0.000000e+00 : f32
    %ge3A_64 = vector.broadcast %ge3A : f32 to vector<4096x64xf32>
    %ge3A_65 = arith.cmpf oge, %add3A_63, %ge3A_64 : vector<4096x64xf32>
    %mul3A = arith.constant 0.00999999977 : f32
    %mul3A_66 = vector.broadcast %mul3A : f32 to vector<4096x64xf32>
    %mul3A_67 = arith.mulf %mul3A_66, %add3A_63 : vector<4096x64xf32>
    %select_n3A = arith.select %ge3A_65, %add3A_63, %mul3A_67 : vector<4096x64xi1>, vector<4096x64xf32>
    %swap3A_68 = arith.constant 0 : index
    %swap3A_69 = arith.constant 0 : index
    %swap3A_70 = vector.load %arg13[%swap3A_68, %swap3A_69] : memref<4096x64xf32, #tpu.memory_space<vmem>>, vector<4096x64xf32>
    tpu.vector_store %arg13[%swap3A_68, %swap3A_69], %select_n3A {strides = array<i32>} : memref<4096x64xf32, #tpu.memory_space<vmem>>, vector<4096x64xf32>,
    %mul3A_71 = arith.constant 4096 : i32
    %mul3A_72 = arith.muli %arg0, %mul3A_71 : i32
    %iota3A_73 = tpu.iota {dimensions = array<i32: 0>} : vector<4096x1xi32>
    %add3A_74 = vector.broadcast %mul3A_72 : i32 to vector<4096x1xi32>
    %add3A_75 = arith.addi %add3A_74, %iota3A_73 : vector<4096x1xi32>
    %lt3A = arith.constant 320000 : i32
    %lt3A_76 = vector.broadcast %lt3A : i32 to vector<4096x1xi32>
    %lt3A_77 = arith.cmpi slt, %add3A_75, %lt3A_76 : vector<4096x1xi32>
    %jit3A = arith.constant 0.000000e+00 : f32
    %broadcast_in_dim3A = vector.shape_cast %lt3A_77 : vector<4096x1xi1> to vector<4096x1xi1>
    %broadcast_in_dim3A_78 = vector.broadcast %broadcast_in_dim3A : vector<4096x1xi1> to vector<4096x64xi1>
    %broadcast_in_dim3A_79 = vector.broadcast %jit3A : f32 to vector<4096x64xf32>
    %select_n3A_80 = arith.select %broadcast_in_dim3A_78, %max3A_46, %broadcast_in_dim3A_79 : vector<4096x64xi1>, vector<4096x64xf32>
    %convert_element_type3A_81 = arith.truncf %select_n3A_80 : vector<4096x64xf32> to vector<4096x64xbf16>
    %convert_element_type3A_82 = arith.extf %convert_element_type3A_81 : vector<4096x64xbf16> to vector<4096x64xf32>
    %sub3A_83 = arith.subf %select_n3A_80, %convert_element_type3A_82 : vector<4096x64xf32>
    %dot_general3A_84 = arith.constant dense<0.000000e+00> : vector<128x64xf32>
    %dot_general3A_85 = tpu.matmul %convert_element_type3A_9, %convert_element_type3A_82, %dot_general3A_84 {dimension_numbers = #tpu.dot_dimension_numbers<[0], [0], [1], [1], [0, 1, 1, 1], [], []>, transpose_lhs_hint = false} : vector<4096x128xf32>, vector<4096x64xf32>, vector<128x64xf32> -> vector<128x64xf32>
    %dot_general3A_86 = arith.constant dense<0.000000e+00> : vector<128x64xf32>
    %dot_general3A_87 = tpu.matmul %convert_element_type3A_9, %sub3A_83, %dot_general3A_86 {dimension_numbers = #tpu.dot_dimension_numbers<[0], [0], [1], [1], [0, 1, 1, 1], [], []>, transpose_lhs_hint = false} : vector<4096x128xf32>, vector<4096x64xf32>, vector<128x64xf32> -> vector<128x64xf32>
    %add3A_88 = arith.addf %dot_general3A_85, %dot_general3A_87 : vector<128x64xf32>
    %eq3A_89 = arith.constant 0 : i32
    %eq3A_90 = arith.cmpi eq, %arg0, %eq3A_89 : i32
    %convert_element_type3A_91 = arith.extui %eq3A_90 : i1 to i32
    %cond3A = arith.constant 0 : i32
    %cond3A_92 = arith.cmpi ne, %convert_element_type3A_91, %cond3A : i32
    scf.if %cond3A_92 {
      %broadcast_in_dim3A_100 = arith.constant 0.000000e+00 : f32
      %broadcast_in_dim3A_101 = vector.broadcast %broadcast_in_dim3A_100 : f32 to vector<128x64xf32>
      %swap3A_102 = arith.constant 0 : index
      %swap3A_103 = arith.constant 0 : index
      %swap3A_104 = vector.load %arg14[%swap3A_102, %swap3A_103] : memref<128x64xf32, #tpu.memory_space<vmem>>, vector<128x64xf32>
      tpu.vector_store %arg14[%swap3A_102, %swap3A_103], %broadcast_in_dim3A_101 {strides = array<i32>} : memref<128x64xf32, #tpu.memory_space<vmem>>, vector<128x64xf32>,
    } else {
    }
    %get3A_93 = arith.constant 0 : index
    %get3A_94 = arith.constant 0 : index
    %get3A_95 = vector.load %arg14[%get3A_93, %get3A_94] : memref<128x64xf32, #tpu.memory_space<vmem>>, vector<128x64xf32>
    %add3A_96 = arith.addf %get3A_95, %add3A_88 : vector<128x64xf32>
    %swap3A_97 = arith.constant 0 : index
    %swap3A_98 = arith.constant 0 : index
    %swap3A_99 = vector.load %arg14[%swap3A_97, %swap3A_98] : memref<128x64xf32, #tpu.memory_space<vmem>>, vector<128x64xf32>
    tpu.vector_store %arg14[%swap3A_97, %swap3A_98], %add3A_96 {strides = array<i32>} : memref<128x64xf32, #tpu.memory_space<vmem>>, vector<128x64xf32>,
    return
  }
  func.func @transform_0(%arg0: i32) -> (i32, i32) {
    %c0_i32 = arith.constant 0 : i32
    %c0_i32_0 = arith.constant 0 : i32
    return %arg0, %c0_i32 : i32, i32
  }
  func.func @transform_1(%arg0: i32) -> (i32, i32) {
    %c0_i32 = arith.constant 0 : i32
    %c0_i32_0 = arith.constant 0 : i32
    return %arg0, %c0_i32 : i32, i32
  }
  func.func @transform_2(%arg0: i32) -> (i32, i32) {
    %c0_i32 = arith.constant 0 : i32
    %c0_i32_0 = arith.constant 0 : i32
    return %arg0, %c0_i32 : i32, i32
  }
  func.func @transform_3(%arg0: i32) -> (i32, i32) {
    %c0_i32 = arith.constant 0 : i32
    %c0_i32_0 = arith.constant 0 : i32
    %c0_i32_1 = arith.constant 0 : i32
    return %c0_i32, %c0_i32_0 : i32, i32
  }
  func.func @transform_4(%arg0: i32) -> (i32, i32) {
    %c0_i32 = arith.constant 0 : i32
    %c0_i32_0 = arith.constant 0 : i32
    %c0_i32_1 = arith.constant 0 : i32
    return %c0_i32, %c0_i32_0 : i32, i32
  }
  func.func @transform_5(%arg0: i32) -> (i32, i32) {
    %c0_i32 = arith.constant 0 : i32
    %c0_i32_0 = arith.constant 0 : i32
    %c0_i32_1 = arith.constant 0 : i32
    return %c0_i32, %c0_i32_0 : i32, i32
  }
  func.func @transform_6(%arg0: i32) -> (i32, i32) {
    %c0_i32 = arith.constant 0 : i32
    %c0_i32_0 = arith.constant 0 : i32
    %c0_i32_1 = arith.constant 0 : i32
    return %c0_i32, %c0_i32_0 : i32, i32
  }
  func.func @transform_7(%arg0: i32) -> (i32, i32) {
    %c0_i32 = arith.constant 0 : i32
    %c0_i32_0 = arith.constant 0 : i32
    %c0_i32_1 = arith.constant 0 : i32
    return %c0_i32, %c0_i32_0 : i32, i32
  }
  func.func @transform_8(%arg0: i32) -> (i32, i32) {
    %c0_i32 = arith.constant 0 : i32
    %c0_i32_0 = arith.constant 0 : i32
    %c0_i32_1 = arith.constant 0 : i32
    return %c0_i32, %c0_i32_0 : i32, i32
  }
  func.func @transform_9(%arg0: i32) -> (i32, i32) {
    %c0_i32 = arith.constant 0 : i32
    %c0_i32_0 = arith.constant 0 : i32
    %c0_i32_1 = arith.constant 0 : i32
    return %c0_i32, %c0_i32_0 : i32, i32
  }
  func.func @transform_10(%arg0: i32) -> (i32, i32) {
    %c0_i32 = arith.constant 0 : i32
    %c0_i32_0 = arith.constant 0 : i32
    %c0_i32_1 = arith.constant 0 : i32
    return %c0_i32, %c0_i32_0 : i32, i32
  }
  func.func @transform_11(%arg0: i32) -> (i32, i32) {
    %c0_i32 = arith.constant 0 : i32
    %c0_i32_0 = arith.constant 0 : i32
    return %arg0, %c0_i32 : i32, i32
  }
  func.func @transform_12(%arg0: i32) -> (i32, i32) {
    %c0_i32 = arith.constant 0 : i32
    %c0_i32_0 = arith.constant 0 : i32
    return %arg0, %c0_i32 : i32, i32
  }
  func.func @transform_13(%arg0: i32) -> (i32, i32) {
    %c0_i32 = arith.constant 0 : i32
    %c0_i32_0 = arith.constant 0 : i32
    %c0_i32_1 = arith.constant 0 : i32
    return %c0_i32, %c0_i32_0 : i32, i32
  }
}

module attributes {stable_mosaic.version = 14 : i64} {
  func.func @_upd1_body(%arg0: memref<20480x64xf32, #tpu.memory_space<vmem>>, %arg1: memref<128x64xf32, #tpu.memory_space<vmem>>, %arg2: memref<10240x64xf32, #tpu.memory_space<vmem>>, %arg3: memref<128x64xf32, #tpu.memory_space<vmem>>, %arg4: memref<64x64xf32, #tpu.memory_space<vmem>>, %arg5: memref<64x64xf32, #tpu.memory_space<vmem>>, %arg6: memref<64x64xf32, #tpu.memory_space<vmem>>, %arg7: memref<64x64xf32, #tpu.memory_space<vmem>>, %arg8: memref<10240x64xf32, #tpu.memory_space<vmem>>, %arg9: memref<128x64xf32, #tpu.memory_space<vmem>>) attributes {dimension_semantics = [], scalar_prefetch = 0 : i64, scratch_operands = 0 : i64, tpu.core_type = #tpu.core_type<tc>} {
    %get3A = arith.constant 0 : index
    %get3A_0 = arith.constant 0 : index
    %get3A_1 = vector.load %arg0[%get3A, %get3A_0] : memref<20480x64xf32, #tpu.memory_space<vmem>>, vector<10240x64xf32>
    %get3A_2 = arith.constant 10240 : index
    %get3A_3 = arith.constant 0 : index
    %get3A_4 = vector.load %arg0[%get3A_2, %get3A_3] : memref<20480x64xf32, #tpu.memory_space<vmem>>, vector<10240x64xf32>
    %add3A = arith.addf %get3A_1, %get3A_4 : vector<10240x64xf32>
    %get3A_5 = arith.constant 0 : index
    %get3A_6 = arith.constant 0 : index
    %get3A_7 = vector.load %arg2[%get3A_5, %get3A_6] : memref<10240x64xf32, #tpu.memory_space<vmem>>, vector<10240x64xf32>
    %get3A_8 = arith.constant 0 : index
    %get3A_9 = arith.constant 0 : index
    %get3A_10 = vector.load %arg4[%get3A_8, %get3A_9] : memref<64x64xf32, #tpu.memory_space<vmem>>, vector<64x64xf32>
    %dot_general3A = arith.constant dense<0.000000e+00> : vector<10240x64xf32>
    %dot_general3A_11 = tpu.matmul %get3A_7, %get3A_10, %dot_general3A {dimension_numbers = #tpu.dot_dimension_numbers<[1], [0], [0], [1], [0, 0, 1, 1], [], []>, transpose_lhs_hint = false} : vector<10240x64xf32>, vector<64x64xf32>, vector<10240x64xf32> -> vector<10240x64xf32>
    %get3A_12 = arith.constant 0 : index
    %get3A_13 = arith.constant 0 : index
    %get3A_14 = vector.load %arg5[%get3A_12, %get3A_13] : memref<64x64xf32, #tpu.memory_space<vmem>>, vector<64x64xf32>
    %dot_general3A_15 = arith.constant dense<0.000000e+00> : vector<10240x64xf32>
    %dot_general3A_16 = tpu.matmul %add3A, %get3A_14, %dot_general3A_15 {dimension_numbers = #tpu.dot_dimension_numbers<[1], [0], [0], [1], [0, 0, 1, 1], [], []>, transpose_lhs_hint = false} : vector<10240x64xf32>, vector<64x64xf32>, vector<10240x64xf32> -> vector<10240x64xf32>
    %add3A_17 = arith.addf %dot_general3A_11, %dot_general3A_16 : vector<10240x64xf32>
    %ge3A = arith.constant 0.000000e+00 : f32
    %ge3A_18 = vector.broadcast %ge3A : f32 to vector<10240x64xf32>
    %ge3A_19 = arith.cmpf oge, %add3A_17, %ge3A_18 : vector<10240x64xf32>
    %mul3A = arith.constant 0.00999999977 : f32
    %mul3A_20 = vector.broadcast %mul3A : f32 to vector<10240x64xf32>
    %mul3A_21 = arith.mulf %mul3A_20, %add3A_17 : vector<10240x64xf32>
    %select_n3A = arith.select %ge3A_19, %add3A_17, %mul3A_21 : vector<10240x64xi1>, vector<10240x64xf32>
    %swap3A = arith.constant 0 : index
    %swap3A_22 = arith.constant 0 : index
    %swap3A_23 = vector.load %arg8[%swap3A, %swap3A_22] : memref<10240x64xf32, #tpu.memory_space<vmem>>, vector<10240x64xf32>
    tpu.vector_store %arg8[%swap3A, %swap3A_22], %select_n3A {strides = array<i32>} : memref<10240x64xf32, #tpu.memory_space<vmem>>, vector<10240x64xf32>,
    %get3A_24 = arith.constant 0 : index
    %get3A_25 = arith.constant 0 : index
    %get3A_26 = vector.load %arg3[%get3A_24, %get3A_25] : memref<128x64xf32, #tpu.memory_space<vmem>>, vector<128x64xf32>
    %get3A_27 = arith.constant 0 : index
    %get3A_28 = arith.constant 0 : index
    %get3A_29 = vector.load %arg6[%get3A_27, %get3A_28] : memref<64x64xf32, #tpu.memory_space<vmem>>, vector<64x64xf32>
    %dot_general3A_30 = arith.constant dense<0.000000e+00> : vector<128x64xf32>
    %dot_general3A_31 = tpu.matmul %get3A_26, %get3A_29, %dot_general3A_30 {dimension_numbers = #tpu.dot_dimension_numbers<[1], [0], [0], [1], [0, 0, 1, 1], [], []>, transpose_lhs_hint = false} : vector<128x64xf32>, vector<64x64xf32>, vector<128x64xf32> -> vector<128x64xf32>
    %get3A_32 = arith.constant 0 : index
    %get3A_33 = arith.constant 0 : index
    %get3A_34 = vector.load %arg1[%get3A_32, %get3A_33] : memref<128x64xf32, #tpu.memory_space<vmem>>, vector<128x64xf32>
    %get3A_35 = arith.constant 0 : index
    %get3A_36 = arith.constant 0 : index
    %get3A_37 = vector.load %arg7[%get3A_35, %get3A_36] : memref<64x64xf32, #tpu.memory_space<vmem>>, vector<64x64xf32>
    %dot_general3A_38 = arith.constant dense<0.000000e+00> : vector<128x64xf32>
    %dot_general3A_39 = tpu.matmul %get3A_34, %get3A_37, %dot_general3A_38 {dimension_numbers = #tpu.dot_dimension_numbers<[1], [0], [0], [1], [0, 0, 1, 1], [], []>, transpose_lhs_hint = false} : vector<128x64xf32>, vector<64x64xf32>, vector<128x64xf32> -> vector<128x64xf32>
    %add3A_40 = arith.addf %dot_general3A_31, %dot_general3A_39 : vector<128x64xf32>
    %ge3A_41 = arith.constant 0.000000e+00 : f32
    %ge3A_42 = vector.broadcast %ge3A_41 : f32 to vector<128x64xf32>
    %ge3A_43 = arith.cmpf oge, %add3A_40, %ge3A_42 : vector<128x64xf32>
    %mul3A_44 = arith.constant 0.00999999977 : f32
    %mul3A_45 = vector.broadcast %mul3A_44 : f32 to vector<128x64xf32>
    %mul3A_46 = arith.mulf %mul3A_45, %add3A_40 : vector<128x64xf32>
    %select_n3A_47 = arith.select %ge3A_43, %add3A_40, %mul3A_46 : vector<128x64xi1>, vector<128x64xf32>
    %swap3A_48 = arith.constant 0 : index
    %swap3A_49 = arith.constant 0 : index
    %swap3A_50 = vector.load %arg9[%swap3A_48, %swap3A_49] : memref<128x64xf32, #tpu.memory_space<vmem>>, vector<128x64xf32>
    tpu.vector_store %arg9[%swap3A_48, %swap3A_49], %select_n3A_47 {strides = array<i32>} : memref<128x64xf32, #tpu.memory_space<vmem>>, vector<128x64xf32>,
    return
  }
}

module attributes {stable_mosaic.version = 14 : i64} {
  func.func @_blk2_body(%arg0: i32, %arg1: memref<4096x1xi32, #tpu.memory_space<vmem>>, %arg2: memref<4096x64xf32, #tpu.memory_space<vmem>>, %arg3: memref<4096x64xf32, #tpu.memory_space<vmem>>, %arg4: memref<128x64xf32, #tpu.memory_space<vmem>>, %arg5: memref<64x64xf32, #tpu.memory_space<vmem>>, %arg6: memref<64x64xf32, #tpu.memory_space<vmem>>, %arg7: memref<64x64xf32, #tpu.memory_space<vmem>>, %arg8: memref<64x64xf32, #tpu.memory_space<vmem>>, %arg9: memref<4096x64xf32, #tpu.memory_space<vmem>>, %arg10: memref<128x64xf32, #tpu.memory_space<vmem>>) attributes {dimension_semantics = [#tpu.dimension_semantics<arbitrary>], iteration_bounds = array<i64: 80>, scalar_prefetch = 0 : i64, scratch_operands = 0 : i64, tpu.core_type = #tpu.core_type<tc>, window_params = [{transform_indices = @transform_0, window_bounds = array<i64: 4096, 1>}, {transform_indices = @transform_1, window_bounds = array<i64: 4096, 64>}, {transform_indices = @transform_2, window_bounds = array<i64: 4096, 64>}, {pipeline_mode = #tpu.pipeline_mode<synchronous>, transform_indices = @transform_3, window_bounds = array<i64: 128, 64>}, {pipeline_mode = #tpu.pipeline_mode<synchronous>, transform_indices = @transform_4, window_bounds = array<i64: 64, 64>}, {pipeline_mode = #tpu.pipeline_mode<synchronous>, transform_indices = @transform_5, window_bounds = array<i64: 64, 64>}, {pipeline_mode = #tpu.pipeline_mode<synchronous>, transform_indices = @transform_6, window_bounds = array<i64: 64, 64>}, {pipeline_mode = #tpu.pipeline_mode<synchronous>, transform_indices = @transform_7, window_bounds = array<i64: 64, 64>}, {transform_indices = @transform_8, window_bounds = array<i64: 4096, 64>}, {pipeline_mode = #tpu.pipeline_mode<synchronous>, transform_indices = @transform_9, window_bounds = array<i64: 128, 64>}]} {
    %get3A = arith.constant 0 : index
    %get3A_0 = arith.constant 0 : index
    %get3A_1 = vector.load %arg1[%get3A, %get3A_0] : memref<4096x1xi32, #tpu.memory_space<vmem>>, vector<4096x1xi32>
    %get3A_2 = arith.constant 0 : index
    %get3A_3 = arith.constant 0 : index
    %get3A_4 = vector.load %arg2[%get3A_2, %get3A_3] : memref<4096x64xf32, #tpu.memory_space<vmem>>, vector<4096x64xf32>
    %iota3A = tpu.iota {dimensions = array<i32: 1>} : vector<4096x128xi32>
    %eq3A = vector.broadcast %get3A_1 : vector<4096x1xi32> to vector<4096x128xi32>
    %eq3A_5 = arith.cmpi eq, %eq3A, %iota3A : vector<4096x128xi32>
    %convert_element_type3A = arith.extui %eq3A_5 : vector<4096x128xi1> to vector<4096x128xi32>
    %convert_element_type3A_6 = arith.sitofp %convert_element_type3A : vector<4096x128xi32> to vector<4096x128xf32>
    %get3A_7 = arith.constant 0 : index
    %get3A_8 = arith.constant 0 : index
    %get3A_9 = vector.load %arg4[%get3A_7, %get3A_8] : memref<128x64xf32, #tpu.memory_space<vmem>>, vector<128x64xf32>
    %convert_element_type3A_10 = arith.truncf %get3A_9 : vector<128x64xf32> to vector<128x64xbf16>
    %convert_element_type3A_11 = arith.extf %convert_element_type3A_10 : vector<128x64xbf16> to vector<128x64xf32>
    %sub3A = arith.subf %get3A_9, %convert_element_type3A_11 : vector<128x64xf32>
    %dot_general3A = arith.constant dense<0.000000e+00> : vector<4096x64xf32>
    %dot_general3A_12 = tpu.matmul %convert_element_type3A_6, %convert_element_type3A_11, %dot_general3A {dimension_numbers = #tpu.dot_dimension_numbers<[1], [0], [0], [1], [0, 0, 1, 1], [], []>, transpose_lhs_hint = false} : vector<4096x128xf32>, vector<128x64xf32>, vector<4096x64xf32> -> vector<4096x64xf32>
    %dot_general3A_13 = arith.constant dense<0.000000e+00> : vector<4096x64xf32>
    %dot_general3A_14 = tpu.matmul %convert_element_type3A_6, %sub3A, %dot_general3A_13 {dimension_numbers = #tpu.dot_dimension_numbers<[1], [0], [0], [1], [0, 0, 1, 1], [], []>, transpose_lhs_hint = false} : vector<4096x128xf32>, vector<128x64xf32>, vector<4096x64xf32> -> vector<4096x64xf32>
    %add3A = arith.addf %dot_general3A_12, %dot_general3A_14 : vector<4096x64xf32>
    %get3A_15 = arith.constant 0 : index
    %get3A_16 = arith.constant 0 : index
    %get3A_17 = vector.load %arg5[%get3A_15, %get3A_16] : memref<64x64xf32, #tpu.memory_space<vmem>>, vector<64x64xf32>
    %dot_general3A_18 = arith.constant dense<0.000000e+00> : vector<4096x64xf32>
    %dot_general3A_19 = tpu.matmul %add3A, %get3A_17, %dot_general3A_18 {dimension_numbers = #tpu.dot_dimension_numbers<[1], [0], [0], [1], [0, 0, 1, 1], [], []>, transpose_lhs_hint = false} : vector<4096x64xf32>, vector<64x64xf32>, vector<4096x64xf32> -> vector<4096x64xf32>
    %get3A_20 = arith.constant 0 : index
    %get3A_21 = arith.constant 0 : index
    %get3A_22 = vector.load %arg6[%get3A_20, %get3A_21] : memref<64x64xf32, #tpu.memory_space<vmem>>, vector<64x64xf32>
    %dot_general3A_23 = arith.constant dense<0.000000e+00> : vector<4096x64xf32>
    %dot_general3A_24 = tpu.matmul %get3A_4, %get3A_22, %dot_general3A_23 {dimension_numbers = #tpu.dot_dimension_numbers<[1], [0], [0], [1], [0, 0, 1, 1], [], []>, transpose_lhs_hint = false} : vector<4096x64xf32>, vector<64x64xf32>, vector<4096x64xf32> -> vector<4096x64xf32>
    %add3A_25 = arith.addf %dot_general3A_19, %dot_general3A_24 : vector<4096x64xf32>
    %max3A = arith.constant 0.000000e+00 : f32
    %max3A_26 = vector.broadcast %max3A : f32 to vector<4096x64xf32>
    %max3A_27 = arith.maximumf %add3A_25, %max3A_26 : vector<4096x64xf32>
    %swap3A = arith.constant 0 : index
    %swap3A_28 = arith.constant 0 : index
    %swap3A_29 = vector.load %arg9[%swap3A, %swap3A_28] : memref<4096x64xf32, #tpu.memory_space<vmem>>, vector<4096x64xf32>
    tpu.vector_store %arg9[%swap3A, %swap3A_28], %max3A_27 {strides = array<i32>} : memref<4096x64xf32, #tpu.memory_space<vmem>>, vector<4096x64xf32>,
    %get3A_30 = arith.constant 0 : index
    %get3A_31 = arith.constant 0 : index
    %get3A_32 = vector.load %arg3[%get3A_30, %get3A_31] : memref<4096x64xf32, #tpu.memory_space<vmem>>, vector<4096x64xf32>
    %get3A_33 = arith.constant 0 : index
    %get3A_34 = arith.constant 0 : index
    %get3A_35 = vector.load %arg7[%get3A_33, %get3A_34] : memref<64x64xf32, #tpu.memory_space<vmem>>, vector<64x64xf32>
    %dot_general3A_36 = arith.constant dense<0.000000e+00> : vector<4096x64xf32>
    %dot_general3A_37 = tpu.matmul %get3A_32, %get3A_35, %dot_general3A_36 {dimension_numbers = #tpu.dot_dimension_numbers<[1], [0], [0], [1], [0, 0, 1, 1], [], []>, transpose_lhs_hint = false} : vector<4096x64xf32>, vector<64x64xf32>, vector<4096x64xf32> -> vector<4096x64xf32>
    %get3A_38 = arith.constant 0 : index
    %get3A_39 = arith.constant 0 : index
    %get3A_40 = vector.load %arg8[%get3A_38, %get3A_39] : memref<64x64xf32, #tpu.memory_space<vmem>>, vector<64x64xf32>
    %dot_general3A_41 = arith.constant dense<0.000000e+00> : vector<4096x64xf32>
    %dot_general3A_42 = tpu.matmul %get3A_4, %get3A_40, %dot_general3A_41 {dimension_numbers = #tpu.dot_dimension_numbers<[1], [0], [0], [1], [0, 0, 1, 1], [], []>, transpose_lhs_hint = false} : vector<4096x64xf32>, vector<64x64xf32>, vector<4096x64xf32> -> vector<4096x64xf32>
    %add3A_43 = arith.addf %dot_general3A_37, %dot_general3A_42 : vector<4096x64xf32>
    %max3A_44 = arith.constant 0.000000e+00 : f32
    %max3A_45 = vector.broadcast %max3A_44 : f32 to vector<4096x64xf32>
    %max3A_46 = arith.maximumf %add3A_43, %max3A_45 : vector<4096x64xf32>
    %mul3A = arith.constant 4096 : i32
    %mul3A_47 = arith.muli %arg0, %mul3A : i32
    %iota3A_48 = tpu.iota {dimensions = array<i32: 0>} : vector<4096x1xi32>
    %add3A_49 = vector.broadcast %mul3A_47 : i32 to vector<4096x1xi32>
    %add3A_50 = arith.addi %add3A_49, %iota3A_48 : vector<4096x1xi32>
    %lt3A = arith.constant 320000 : i32
    %lt3A_51 = vector.broadcast %lt3A : i32 to vector<4096x1xi32>
    %lt3A_52 = arith.cmpi slt, %add3A_50, %lt3A_51 : vector<4096x1xi32>
    %jit3A = arith.constant 0.000000e+00 : f32
    %broadcast_in_dim3A = vector.shape_cast %lt3A_52 : vector<4096x1xi1> to vector<4096x1xi1>
    %broadcast_in_dim3A_53 = vector.broadcast %broadcast_in_dim3A : vector<4096x1xi1> to vector<4096x64xi1>
    %broadcast_in_dim3A_54 = vector.broadcast %jit3A : f32 to vector<4096x64xf32>
    %select_n3A = arith.select %broadcast_in_dim3A_53, %max3A_46, %broadcast_in_dim3A_54 : vector<4096x64xi1>, vector<4096x64xf32>
    %convert_element_type3A_55 = arith.truncf %select_n3A : vector<4096x64xf32> to vector<4096x64xbf16>
    %convert_element_type3A_56 = arith.extf %convert_element_type3A_55 : vector<4096x64xbf16> to vector<4096x64xf32>
    %sub3A_57 = arith.subf %select_n3A, %convert_element_type3A_56 : vector<4096x64xf32>
    %dot_general3A_58 = arith.constant dense<0.000000e+00> : vector<128x64xf32>
    %dot_general3A_59 = tpu.matmul %convert_element_type3A_6, %convert_element_type3A_56, %dot_general3A_58 {dimension_numbers = #tpu.dot_dimension_numbers<[0], [0], [1], [1], [0, 1, 1, 1], [], []>, transpose_lhs_hint = false} : vector<4096x128xf32>, vector<4096x64xf32>, vector<128x64xf32> -> vector<128x64xf32>
    %dot_general3A_60 = arith.constant dense<0.000000e+00> : vector<128x64xf32>
    %dot_general3A_61 = tpu.matmul %convert_element_type3A_6, %sub3A_57, %dot_general3A_60 {dimension_numbers = #tpu.dot_dimension_numbers<[0], [0], [1], [1], [0, 1, 1, 1], [], []>, transpose_lhs_hint = false} : vector<4096x128xf32>, vector<4096x64xf32>, vector<128x64xf32> -> vector<128x64xf32>
    %add3A_62 = arith.addf %dot_general3A_59, %dot_general3A_61 : vector<128x64xf32>
    %eq3A_63 = arith.constant 0 : i32
    %eq3A_64 = arith.cmpi eq, %arg0, %eq3A_63 : i32
    %convert_element_type3A_65 = arith.extui %eq3A_64 : i1 to i32
    %cond3A = arith.constant 0 : i32
    %cond3A_66 = arith.cmpi ne, %convert_element_type3A_65, %cond3A : i32
    scf.if %cond3A_66 {
      %broadcast_in_dim3A_74 = arith.constant 0.000000e+00 : f32
      %broadcast_in_dim3A_75 = vector.broadcast %broadcast_in_dim3A_74 : f32 to vector<128x64xf32>
      %swap3A_76 = arith.constant 0 : index
      %swap3A_77 = arith.constant 0 : index
      %swap3A_78 = vector.load %arg10[%swap3A_76, %swap3A_77] : memref<128x64xf32, #tpu.memory_space<vmem>>, vector<128x64xf32>
      tpu.vector_store %arg10[%swap3A_76, %swap3A_77], %broadcast_in_dim3A_75 {strides = array<i32>} : memref<128x64xf32, #tpu.memory_space<vmem>>, vector<128x64xf32>,
    } else {
    }
    %get3A_67 = arith.constant 0 : index
    %get3A_68 = arith.constant 0 : index
    %get3A_69 = vector.load %arg10[%get3A_67, %get3A_68] : memref<128x64xf32, #tpu.memory_space<vmem>>, vector<128x64xf32>
    %add3A_70 = arith.addf %get3A_69, %add3A_62 : vector<128x64xf32>
    %swap3A_71 = arith.constant 0 : index
    %swap3A_72 = arith.constant 0 : index
    %swap3A_73 = vector.load %arg10[%swap3A_71, %swap3A_72] : memref<128x64xf32, #tpu.memory_space<vmem>>, vector<128x64xf32>
    tpu.vector_store %arg10[%swap3A_71, %swap3A_72], %add3A_70 {strides = array<i32>} : memref<128x64xf32, #tpu.memory_space<vmem>>, vector<128x64xf32>,
    return
  }
  func.func @transform_0(%arg0: i32) -> (i32, i32) {
    %c0_i32 = arith.constant 0 : i32
    %c0_i32_0 = arith.constant 0 : i32
    return %arg0, %c0_i32 : i32, i32
  }
  func.func @transform_1(%arg0: i32) -> (i32, i32) {
    %c0_i32 = arith.constant 0 : i32
    %c0_i32_0 = arith.constant 0 : i32
    return %arg0, %c0_i32 : i32, i32
  }
  func.func @transform_2(%arg0: i32) -> (i32, i32) {
    %c0_i32 = arith.constant 0 : i32
    %c0_i32_0 = arith.constant 0 : i32
    return %arg0, %c0_i32 : i32, i32
  }
  func.func @transform_3(%arg0: i32) -> (i32, i32) {
    %c0_i32 = arith.constant 0 : i32
    %c0_i32_0 = arith.constant 0 : i32
    %c0_i32_1 = arith.constant 0 : i32
    return %c0_i32, %c0_i32_0 : i32, i32
  }
  func.func @transform_4(%arg0: i32) -> (i32, i32) {
    %c0_i32 = arith.constant 0 : i32
    %c0_i32_0 = arith.constant 0 : i32
    %c0_i32_1 = arith.constant 0 : i32
    return %c0_i32, %c0_i32_0 : i32, i32
  }
  func.func @transform_5(%arg0: i32) -> (i32, i32) {
    %c0_i32 = arith.constant 0 : i32
    %c0_i32_0 = arith.constant 0 : i32
    %c0_i32_1 = arith.constant 0 : i32
    return %c0_i32, %c0_i32_0 : i32, i32
  }
  func.func @transform_6(%arg0: i32) -> (i32, i32) {
    %c0_i32 = arith.constant 0 : i32
    %c0_i32_0 = arith.constant 0 : i32
    %c0_i32_1 = arith.constant 0 : i32
    return %c0_i32, %c0_i32_0 : i32, i32
  }
  func.func @transform_7(%arg0: i32) -> (i32, i32) {
    %c0_i32 = arith.constant 0 : i32
    %c0_i32_0 = arith.constant 0 : i32
    %c0_i32_1 = arith.constant 0 : i32
    return %c0_i32, %c0_i32_0 : i32, i32
  }
  func.func @transform_8(%arg0: i32) -> (i32, i32) {
    %c0_i32 = arith.constant 0 : i32
    %c0_i32_0 = arith.constant 0 : i32
    return %arg0, %c0_i32 : i32, i32
  }
  func.func @transform_9(%arg0: i32) -> (i32, i32) {
    %c0_i32 = arith.constant 0 : i32
    %c0_i32_0 = arith.constant 0 : i32
    %c0_i32_1 = arith.constant 0 : i32
    return %c0_i32, %c0_i32_0 : i32, i32
  }
}

module attributes {stable_mosaic.version = 14 : i64} {
  func.func @_upd2_body(%arg0: memref<20480x64xf32, #tpu.memory_space<vmem>>, %arg1: memref<128x64xf32, #tpu.memory_space<vmem>>, %arg2: memref<10240x64xf32, #tpu.memory_space<vmem>>, %arg3: memref<128x64xf32, #tpu.memory_space<vmem>>, %arg4: memref<64x64xf32, #tpu.memory_space<vmem>>, %arg5: memref<64x64xf32, #tpu.memory_space<vmem>>, %arg6: memref<64x64xf32, #tpu.memory_space<vmem>>, %arg7: memref<64x64xf32, #tpu.memory_space<vmem>>, %arg8: memref<128x128xf32, #tpu.memory_space<vmem>>, %arg9: memref<64x64xf32, #tpu.memory_space<vmem>>, %arg10: memref<10240x64xf32, #tpu.memory_space<vmem>>, %arg11: memref<128x64xf32, #tpu.memory_space<vmem>>, %arg12: memref<128x128xf32, #tpu.memory_space<vmem>>, %arg13: memref<1x1xf32, #tpu.memory_space<vmem>>) attributes {dimension_semantics = [], scalar_prefetch = 0 : i64, scratch_operands = 0 : i64, tpu.core_type = #tpu.core_type<tc>} {
    %get3A = arith.constant 0 : index
    %get3A_0 = arith.constant 0 : index
    %get3A_1 = vector.load %arg0[%get3A, %get3A_0] : memref<20480x64xf32, #tpu.memory_space<vmem>>, vector<10240x64xf32>
    %get3A_2 = arith.constant 10240 : index
    %get3A_3 = arith.constant 0 : index
    %get3A_4 = vector.load %arg0[%get3A_2, %get3A_3] : memref<20480x64xf32, #tpu.memory_space<vmem>>, vector<10240x64xf32>
    %add3A = arith.addf %get3A_1, %get3A_4 : vector<10240x64xf32>
    %get3A_5 = arith.constant 0 : index
    %get3A_6 = arith.constant 0 : index
    %get3A_7 = vector.load %arg2[%get3A_5, %get3A_6] : memref<10240x64xf32, #tpu.memory_space<vmem>>, vector<10240x64xf32>
    %get3A_8 = arith.constant 0 : index
    %get3A_9 = arith.constant 0 : index
    %get3A_10 = vector.load %arg4[%get3A_8, %get3A_9] : memref<64x64xf32, #tpu.memory_space<vmem>>, vector<64x64xf32>
    %dot_general3A = arith.constant dense<0.000000e+00> : vector<10240x64xf32>
    %dot_general3A_11 = tpu.matmul %get3A_7, %get3A_10, %dot_general3A {dimension_numbers = #tpu.dot_dimension_numbers<[1], [0], [0], [1], [0, 0, 1, 1], [], []>, transpose_lhs_hint = false} : vector<10240x64xf32>, vector<64x64xf32>, vector<10240x64xf32> -> vector<10240x64xf32>
    %get3A_12 = arith.constant 0 : index
    %get3A_13 = arith.constant 0 : index
    %get3A_14 = vector.load %arg5[%get3A_12, %get3A_13] : memref<64x64xf32, #tpu.memory_space<vmem>>, vector<64x64xf32>
    %dot_general3A_15 = arith.constant dense<0.000000e+00> : vector<10240x64xf32>
    %dot_general3A_16 = tpu.matmul %add3A, %get3A_14, %dot_general3A_15 {dimension_numbers = #tpu.dot_dimension_numbers<[1], [0], [0], [1], [0, 0, 1, 1], [], []>, transpose_lhs_hint = false} : vector<10240x64xf32>, vector<64x64xf32>, vector<10240x64xf32> -> vector<10240x64xf32>
    %add3A_17 = arith.addf %dot_general3A_11, %dot_general3A_16 : vector<10240x64xf32>
    %ge3A = arith.constant 0.000000e+00 : f32
    %ge3A_18 = vector.broadcast %ge3A : f32 to vector<10240x64xf32>
    %ge3A_19 = arith.cmpf oge, %add3A_17, %ge3A_18 : vector<10240x64xf32>
    %mul3A = arith.constant 0.00999999977 : f32
    %mul3A_20 = vector.broadcast %mul3A : f32 to vector<10240x64xf32>
    %mul3A_21 = arith.mulf %mul3A_20, %add3A_17 : vector<10240x64xf32>
    %select_n3A = arith.select %ge3A_19, %add3A_17, %mul3A_21 : vector<10240x64xi1>, vector<10240x64xf32>
    %mul3A_22 = arith.mulf %select_n3A, %select_n3A : vector<10240x64xf32>
    %reduce_sum3A = arith.constant dense<0.000000e+00> : vector<10240xf32>
    %reduce_sum3A_23 = vector.multi_reduction <add>, %mul3A_22, %reduce_sum3A [1] : vector<10240x64xf32> to vector<10240xf32>
    %broadcast_in_dim3A = vector.shape_cast %reduce_sum3A_23 : vector<10240xf32> to vector<10240x1xf32>
    %sqrt3A = math.sqrt %broadcast_in_dim3A : vector<10240x1xf32>
    %add3A_24 = arith.constant 9.99999996E-13 : f32
    %add3A_25 = vector.broadcast %add3A_24 : f32 to vector<10240x1xf32>
    %add3A_26 = arith.addf %sqrt3A, %add3A_25 : vector<10240x1xf32>
    %div3A = vector.broadcast %add3A_26 : vector<10240x1xf32> to vector<10240x64xf32>
    %div3A_27 = arith.divf %select_n3A, %div3A : vector<10240x64xf32>
    %swap3A = arith.constant 0 : index
    %swap3A_28 = arith.constant 0 : index
    %swap3A_29 = vector.load %arg10[%swap3A, %swap3A_28] : memref<10240x64xf32, #tpu.memory_space<vmem>>, vector<10240x64xf32>
    tpu.vector_store %arg10[%swap3A, %swap3A_28], %div3A_27 {strides = array<i32>} : memref<10240x64xf32, #tpu.memory_space<vmem>>, vector<10240x64xf32>,
    %get3A_30 = arith.constant 0 : index
    %get3A_31 = arith.constant 0 : index
    %get3A_32 = vector.load %arg3[%get3A_30, %get3A_31] : memref<128x64xf32, #tpu.memory_space<vmem>>, vector<128x64xf32>
    %get3A_33 = arith.constant 0 : index
    %get3A_34 = arith.constant 0 : index
    %get3A_35 = vector.load %arg6[%get3A_33, %get3A_34] : memref<64x64xf32, #tpu.memory_space<vmem>>, vector<64x64xf32>
    %dot_general3A_36 = arith.constant dense<0.000000e+00> : vector<128x64xf32>
    %dot_general3A_37 = tpu.matmul %get3A_32, %get3A_35, %dot_general3A_36 {dimension_numbers = #tpu.dot_dimension_numbers<[1], [0], [0], [1], [0, 0, 1, 1], [], []>, transpose_lhs_hint = false} : vector<128x64xf32>, vector<64x64xf32>, vector<128x64xf32> -> vector<128x64xf32>
    %get3A_38 = arith.constant 0 : index
    %get3A_39 = arith.constant 0 : index
    %get3A_40 = vector.load %arg1[%get3A_38, %get3A_39] : memref<128x64xf32, #tpu.memory_space<vmem>>, vector<128x64xf32>
    %get3A_41 = arith.constant 0 : index
    %get3A_42 = arith.constant 0 : index
    %get3A_43 = vector.load %arg7[%get3A_41, %get3A_42] : memref<64x64xf32, #tpu.memory_space<vmem>>, vector<64x64xf32>
    %dot_general3A_44 = arith.constant dense<0.000000e+00> : vector<128x64xf32>
    %dot_general3A_45 = tpu.matmul %get3A_40, %get3A_43, %dot_general3A_44 {dimension_numbers = #tpu.dot_dimension_numbers<[1], [0], [0], [1], [0, 0, 1, 1], [], []>, transpose_lhs_hint = false} : vector<128x64xf32>, vector<64x64xf32>, vector<128x64xf32> -> vector<128x64xf32>
    %add3A_46 = arith.addf %dot_general3A_37, %dot_general3A_45 : vector<128x64xf32>
    %ge3A_47 = arith.constant 0.000000e+00 : f32
    %ge3A_48 = vector.broadcast %ge3A_47 : f32 to vector<128x64xf32>
    %ge3A_49 = arith.cmpf oge, %add3A_46, %ge3A_48 : vector<128x64xf32>
    %mul3A_50 = arith.constant 0.00999999977 : f32
    %mul3A_51 = vector.broadcast %mul3A_50 : f32 to vector<128x64xf32>
    %mul3A_52 = arith.mulf %mul3A_51, %add3A_46 : vector<128x64xf32>
    %select_n3A_53 = arith.select %ge3A_49, %add3A_46, %mul3A_52 : vector<128x64xi1>, vector<128x64xf32>
    %mul3A_54 = arith.mulf %select_n3A_53, %select_n3A_53 : vector<128x64xf32>
    %reduce_sum3A_55 = arith.constant dense<0.000000e+00> : vector<128xf32>
    %reduce_sum3A_56 = vector.multi_reduction <add>, %mul3A_54, %reduce_sum3A_55 [1] : vector<128x64xf32> to vector<128xf32>
    %broadcast_in_dim3A_57 = vector.shape_cast %reduce_sum3A_56 : vector<128xf32> to vector<128x1xf32>
    %sqrt3A_58 = math.sqrt %broadcast_in_dim3A_57 : vector<128x1xf32>
    %add3A_59 = arith.constant 9.99999996E-13 : f32
    %add3A_60 = vector.broadcast %add3A_59 : f32 to vector<128x1xf32>
    %add3A_61 = arith.addf %sqrt3A_58, %add3A_60 : vector<128x1xf32>
    %div3A_62 = vector.broadcast %add3A_61 : vector<128x1xf32> to vector<128x64xf32>
    %div3A_63 = arith.divf %select_n3A_53, %div3A_62 : vector<128x64xf32>
    %get3A_64 = arith.constant 0 : index
    %get3A_65 = arith.constant 0 : index
    %get3A_66 = vector.load %arg8[%get3A_64, %get3A_65] : memref<128x128xf32, #tpu.memory_space<vmem>>, vector<128x128xf32>
    %div3A_67 = arith.constant 1.000000e-01 : f32
    %div3A_68 = vector.broadcast %div3A_67 : f32 to vector<128x128xf32>
    %div3A_69 = arith.divf %get3A_66, %div3A_68 : vector<128x128xf32>
    %logistic3A = arith.negf %div3A_69 : vector<128x128xf32>
    %logistic3A_70 = math.exp %logistic3A : vector<128x128xf32>
    %logistic3A_71 = arith.constant 1.000000e+00 : f32
    %logistic3A_72 = vector.broadcast %logistic3A_71 : f32 to vector<128x128xf32>
    %logistic3A_73 = arith.addf %logistic3A_72, %logistic3A_70 : vector<128x128xf32>
    %logistic3A_74 = arith.divf %logistic3A_72, %logistic3A_73 : vector<128x128xf32>
    %swap3A_75 = arith.constant 0 : index
    %swap3A_76 = arith.constant 0 : index
    %swap3A_77 = vector.load %arg12[%swap3A_75, %swap3A_76] : memref<128x128xf32, #tpu.memory_space<vmem>>, vector<128x128xf32>
    tpu.vector_store %arg12[%swap3A_75, %swap3A_76], %logistic3A_74 {strides = array<i32>} : memref<128x128xf32, #tpu.memory_space<vmem>>, vector<128x128xf32>,
    %div3A_78 = arith.constant 5.000000e-01 : f32
    %div3A_79 = vector.broadcast %div3A_78 : f32 to vector<128x128xf32>
    %div3A_80 = arith.divf %logistic3A_74, %div3A_79 : vector<128x128xf32>
    %add3A_81 = arith.constant 9.99999996E-13 : f32
    %add3A_82 = vector.broadcast %add3A_81 : f32 to vector<128x128xf32>
    %add3A_83 = arith.addf %div3A_80, %add3A_82 : vector<128x128xf32>
    %log3A = math.log %add3A_83 : vector<128x128xf32>
    %mul3A_84 = arith.mulf %logistic3A_74, %log3A : vector<128x128xf32>
    %sub3A = arith.constant 1.000000e+00 : f32
    %sub3A_85 = vector.broadcast %sub3A : f32 to vector<128x128xf32>
    %sub3A_86 = arith.subf %sub3A_85, %logistic3A_74 : vector<128x128xf32>
    %sub3A_87 = arith.constant 1.000000e+00 : f32
    %sub3A_88 = vector.broadcast %sub3A_87 : f32 to vector<128x128xf32>
    %sub3A_89 = arith.subf %sub3A_88, %logistic3A_74 : vector<128x128xf32>
    %div3A_90 = arith.constant 5.000000e-01 : f32
    %div3A_91 = vector.broadcast %div3A_90 : f32 to vector<128x128xf32>
    %div3A_92 = arith.divf %sub3A_89, %div3A_91 : vector<128x128xf32>
    %add3A_93 = arith.constant 9.99999996E-13 : f32
    %add3A_94 = vector.broadcast %add3A_93 : f32 to vector<128x128xf32>
    %add3A_95 = arith.addf %div3A_92, %add3A_94 : vector<128x128xf32>
    %log3A_96 = math.log %add3A_95 : vector<128x128xf32>
    %mul3A_97 = arith.mulf %sub3A_86, %log3A_96 : vector<128x128xf32>
    %add3A_98 = arith.addf %mul3A_84, %mul3A_97 : vector<128x128xf32>
    %reduce_sum3A_99 = vector.shape_cast %add3A_98 : vector<128x128xf32> to vector<1x128x128xf32>
    %reduce_sum3A_100 = arith.constant dense<0.000000e+00> : vector<1xf32>
    %reduce_sum3A_101 = vector.multi_reduction <add>, %reduce_sum3A_99, %reduce_sum3A_100 [1, 2] : vector<1x128x128xf32> to vector<1xf32>
    %reduce_sum3A_102 = vector.shape_cast %reduce_sum3A_101 : vector<1xf32> to vector<1x1x1xf32>
    %reduce_sum3A_103 = vector.extract %reduce_sum3A_102[0, 0, 0] : f32 from vector<1x1x1xf32>
    %broadcast_in_dim3A_104 = vector.broadcast %reduce_sum3A_103 : f32 to vector<1x1xf32>
    %div3A_105 = arith.constant 1.638400e+04 : f32
    %div3A_106 = vector.broadcast %div3A_105 : f32 to vector<1x1xf32>
    %div3A_107 = arith.divf %broadcast_in_dim3A_104, %div3A_106 : vector<1x1xf32>
    %swap3A_108 = arith.constant 0 : index
    %swap3A_109 = arith.constant 0 : index
    %swap3A_110 = vector.load %arg13[%swap3A_108, %swap3A_109] : memref<1x1xf32, #tpu.memory_space<vmem>>, vector<1x1xf32>
    tpu.vector_store %arg13[%swap3A_108, %swap3A_109], %div3A_107 {strides = array<i32>} : memref<1x1xf32, #tpu.memory_space<vmem>>, vector<1x1xf32>,
    %dot_general3A_111 = arith.constant dense<0.000000e+00> : vector<128x64xf32>
    %dot_general3A_112 = tpu.matmul %logistic3A_74, %div3A_63, %dot_general3A_111 {dimension_numbers = #tpu.dot_dimension_numbers<[1], [0], [0], [1], [0, 0, 1, 1], [], []>, transpose_lhs_hint = false} : vector<128x128xf32>, vector<128x64xf32>, vector<128x64xf32> -> vector<128x64xf32>
    %get3A_113 = arith.constant 0 : index
    %get3A_114 = arith.constant 0 : index
    %get3A_115 = vector.load %arg9[%get3A_113, %get3A_114] : memref<64x64xf32, #tpu.memory_space<vmem>>, vector<64x64xf32>
    %dot_general3A_116 = arith.constant dense<0.000000e+00> : vector<128x64xf32>
    %dot_general3A_117 = tpu.matmul %dot_general3A_112, %get3A_115, %dot_general3A_116 {dimension_numbers = #tpu.dot_dimension_numbers<[1], [0], [0], [1], [0, 0, 1, 1], [], []>, transpose_lhs_hint = false} : vector<128x64xf32>, vector<64x64xf32>, vector<128x64xf32> -> vector<128x64xf32>
    %swap3A_118 = arith.constant 0 : index
    %swap3A_119 = arith.constant 0 : index
    %swap3A_120 = vector.load %arg11[%swap3A_118, %swap3A_119] : memref<128x64xf32, #tpu.memory_space<vmem>>, vector<128x64xf32>
    tpu.vector_store %arg11[%swap3A_118, %swap3A_119], %dot_general3A_117 {strides = array<i32>} : memref<128x64xf32, #tpu.memory_space<vmem>>, vector<128x64xf32>,
    return
  }
}

module attributes {stable_mosaic.version = 14 : i64} {
  func.func @_head_body(%arg0: i32, %arg1: memref<2000x64xf32, #tpu.memory_space<vmem>>, %arg2: memref<2000x128xf32, #tpu.memory_space<vmem>>, %arg3: memref<2000x128xf32, #tpu.memory_space<vmem>>, %arg4: memref<2000x128xi32, #tpu.memory_space<vmem>>, %arg5: memref<64x64xf32, #tpu.memory_space<vmem>>, %arg6: memref<128x64xf32, #tpu.memory_space<vmem>>, %arg7: memref<1x128xf32, #tpu.memory_space<vmem>>, %arg8: memref<128x10xf32, #tpu.memory_space<vmem>>, %arg9: memref<1x10xf32, #tpu.memory_space<vmem>>, %arg10: memref<2000x128xf32, #tpu.memory_space<vmem>>, %arg11: memref<2000x128xf32, #tpu.memory_space<vmem>>, %arg12: memref<2000x10xf32, #tpu.memory_space<vmem>>) attributes {dimension_semantics = [#tpu.dimension_semantics<arbitrary>], iteration_bounds = array<i64: 5>, scalar_prefetch = 0 : i64, scratch_operands = 0 : i64, tpu.core_type = #tpu.core_type<tc>, window_params = [{transform_indices = @transform_0, window_bounds = array<i64: 2000, 64>}, {transform_indices = @transform_1, window_bounds = array<i64: 2000, 128>}, {transform_indices = @transform_2, window_bounds = array<i64: 2000, 128>}, {transform_indices = @transform_3, window_bounds = array<i64: 2000, 128>}, {pipeline_mode = #tpu.pipeline_mode<synchronous>, transform_indices = @transform_4, window_bounds = array<i64: 64, 64>}, {pipeline_mode = #tpu.pipeline_mode<synchronous>, transform_indices = @transform_5, window_bounds = array<i64: 128, 64>}, {pipeline_mode = #tpu.pipeline_mode<synchronous>, transform_indices = @transform_6, window_bounds = array<i64: 1, 128>}, {pipeline_mode = #tpu.pipeline_mode<synchronous>, transform_indices = @transform_7, window_bounds = array<i64: 128, 10>}, {pipeline_mode = #tpu.pipeline_mode<synchronous>, transform_indices = @transform_8, window_bounds = array<i64: 1, 10>}, {transform_indices = @transform_9, window_bounds = array<i64: 2000, 128>}, {transform_indices = @transform_10, window_bounds = array<i64: 2000, 128>}, {transform_indices = @transform_11, window_bounds = array<i64: 2000, 10>}]} {
    %get3A = arith.constant 0 : index
    %get3A_0 = arith.constant 0 : index
    %get3A_1 = vector.load %arg1[%get3A, %get3A_0] : memref<2000x64xf32, #tpu.memory_space<vmem>>, vector<2000x64xf32>
    %get3A_2 = arith.constant 0 : index
    %get3A_3 = arith.constant 0 : index
    %get3A_4 = vector.load %arg5[%get3A_2, %get3A_3] : memref<64x64xf32, #tpu.memory_space<vmem>>, vector<64x64xf32>
    %dot_general3A = arith.constant dense<0.000000e+00> : vector<2000x64xf32>
    %dot_general3A_5 = tpu.matmul %get3A_1, %get3A_4, %dot_general3A {dimension_numbers = #tpu.dot_dimension_numbers<[1], [0], [0], [1], [0, 0, 1, 1], [], []>, transpose_lhs_hint = false} : vector<2000x64xf32>, vector<64x64xf32>, vector<2000x64xf32> -> vector<2000x64xf32>
    %sqrt3A = arith.constant 3.200000e+01 : f32
    %sqrt3A_6 = math.sqrt %sqrt3A : f32
    %mul3A = arith.constant 2.000000e+00 : f32
    %mul3A_7 = arith.mulf %mul3A, %sqrt3A_6 : f32
    %div3A = arith.constant 1.000000e+00 : f32
    %div3A_8 = arith.divf %div3A, %mul3A_7 : f32
    %get3A_9 = arith.constant 0 : index
    %get3A_10 = arith.constant 0 : index
    %get3A_11 = vector.load %arg6[%get3A_9, %get3A_10] : memref<128x64xf32, #tpu.memory_space<vmem>>, vector<128x64xf32>
    %dot_general3A_12 = arith.constant dense<0.000000e+00> : vector<2000x128xf32>
    %dot_general3A_13 = tpu.matmul %dot_general3A_5, %get3A_11, %dot_general3A_12 {dimension_numbers = #tpu.dot_dimension_numbers<[1], [1], [0], [0], [0, 0, 1, 0], [], []>, transpose_lhs_hint = false} : vector<2000x64xf32>, vector<128x64xf32>, vector<2000x128xf32> -> vector<2000x128xf32>
    %mul3A_14 = vector.broadcast %div3A_8 : f32 to vector<2000x128xf32>
    %mul3A_15 = arith.mulf %dot_general3A_13, %mul3A_14 : vector<2000x128xf32>
    %get3A_16 = arith.constant 0 : index
    %get3A_17 = arith.constant 0 : index
    %get3A_18 = vector.load %arg7[%get3A_16, %get3A_17] : memref<1x128xf32, #tpu.memory_space<vmem>>, vector<1x128xf32>
    %add3A = vector.broadcast %get3A_18 : vector<1x128xf32> to vector<2000x128xf32>
    %add3A_19 = arith.addf %mul3A_15, %add3A : vector<2000x128xf32>
    %swap3A = arith.constant 0 : index
    %swap3A_20 = arith.constant 0 : index
    %swap3A_21 = vector.load %arg10[%swap3A, %swap3A_20] : memref<2000x128xf32, #tpu.memory_space<vmem>>, vector<2000x128xf32>
    tpu.vector_store %arg10[%swap3A, %swap3A_20], %add3A_19 {strides = array<i32>} : memref<2000x128xf32, #tpu.memory_space<vmem>>, vector<2000x128xf32>,
    %get3A_22 = arith.constant 0 : index
    %get3A_23 = arith.constant 0 : index
    %get3A_24 = vector.load %arg4[%get3A_22, %get3A_23] : memref<2000x128xi32, #tpu.memory_space<vmem>>, vector<2000x128xi32>
    %eq3A = arith.constant 1 : i32
    %eq3A_25 = vector.broadcast %eq3A : i32 to vector<2000x128xi32>
    %eq3A_26 = arith.cmpi eq, %get3A_24, %eq3A_25 : vector<2000x128xi32>
    %get3A_27 = arith.constant 0 : index
    %get3A_28 = arith.constant 0 : index
    %get3A_29 = vector.load %arg2[%get3A_27, %get3A_28] : memref<2000x128xf32, #tpu.memory_space<vmem>>, vector<2000x128xf32>
    %select_n3A = arith.select %eq3A_26, %get3A_29, %add3A_19 : vector<2000x128xi1>, vector<2000x128xf32>
    %swap3A_30 = arith.constant 0 : index
    %swap3A_31 = arith.constant 0 : index
    %swap3A_32 = vector.load %arg11[%swap3A_30, %swap3A_31] : memref<2000x128xf32, #tpu.memory_space<vmem>>, vector<2000x128xf32>
    tpu.vector_store %arg11[%swap3A_30, %swap3A_31], %select_n3A {strides = array<i32>} : memref<2000x128xf32, #tpu.memory_space<vmem>>, vector<2000x128xf32>,
    %get3A_33 = arith.constant 0 : index
    %get3A_34 = arith.constant 0 : index
    %get3A_35 = vector.load %arg3[%get3A_33, %get3A_34] : memref<2000x128xf32, #tpu.memory_space<vmem>>, vector<2000x128xf32>
    %get3A_36 = arith.constant 0 : index
    %get3A_37 = arith.constant 0 : index
    %get3A_38 = vector.load %arg8[%get3A_36, %get3A_37] : memref<128x10xf32, #tpu.memory_space<vmem>>, vector<128x10xf32>
    %dot_general3A_39 = arith.constant dense<0.000000e+00> : vector<2000x10xf32>
    %dot_general3A_40 = tpu.matmul %get3A_35, %get3A_38, %dot_general3A_39 {dimension_numbers = #tpu.dot_dimension_numbers<[1], [0], [0], [1], [0, 0, 1, 1], [], []>, transpose_lhs_hint = false} : vector<2000x128xf32>, vector<128x10xf32>, vector<2000x10xf32> -> vector<2000x10xf32>
    %get3A_41 = arith.constant 0 : index
    %get3A_42 = arith.constant 0 : index
    %get3A_43 = vector.load %arg9[%get3A_41, %get3A_42] : memref<1x10xf32, #tpu.memory_space<vmem>>, vector<1x10xf32>
    %add3A_44 = vector.broadcast %get3A_43 : vector<1x10xf32> to vector<2000x10xf32>
    %add3A_45 = arith.addf %dot_general3A_40, %add3A_44 : vector<2000x10xf32>
    %swap3A_46 = arith.constant 0 : index
    %swap3A_47 = arith.constant 0 : index
    %swap3A_48 = vector.load %arg12[%swap3A_46, %swap3A_47] : memref<2000x10xf32, #tpu.memory_space<vmem>>, vector<2000x10xf32>
    tpu.vector_store %arg12[%swap3A_46, %swap3A_47], %add3A_45 {strides = array<i32>} : memref<2000x10xf32, #tpu.memory_space<vmem>>, vector<2000x10xf32>,
    return
  }
  func.func @transform_0(%arg0: i32) -> (i32, i32) {
    %c0_i32 = arith.constant 0 : i32
    %c0_i32_0 = arith.constant 0 : i32
    return %arg0, %c0_i32 : i32, i32
  }
  func.func @transform_1(%arg0: i32) -> (i32, i32) {
    %c0_i32 = arith.constant 0 : i32
    %c0_i32_0 = arith.constant 0 : i32
    return %arg0, %c0_i32 : i32, i32
  }
  func.func @transform_2(%arg0: i32) -> (i32, i32) {
    %c0_i32 = arith.constant 0 : i32
    %c0_i32_0 = arith.constant 0 : i32
    return %arg0, %c0_i32 : i32, i32
  }
  func.func @transform_3(%arg0: i32) -> (i32, i32) {
    %c0_i32 = arith.constant 0 : i32
    %c0_i32_0 = arith.constant 0 : i32
    return %arg0, %c0_i32 : i32, i32
  }
  func.func @transform_4(%arg0: i32) -> (i32, i32) {
    %c0_i32 = arith.constant 0 : i32
    %c0_i32_0 = arith.constant 0 : i32
    %c0_i32_1 = arith.constant 0 : i32
    return %c0_i32, %c0_i32_0 : i32, i32
  }
  func.func @transform_5(%arg0: i32) -> (i32, i32) {
    %c0_i32 = arith.constant 0 : i32
    %c0_i32_0 = arith.constant 0 : i32
    %c0_i32_1 = arith.constant 0 : i32
    return %c0_i32, %c0_i32_0 : i32, i32
  }
  func.func @transform_6(%arg0: i32) -> (i32, i32) {
    %c0_i32 = arith.constant 0 : i32
    %c0_i32_0 = arith.constant 0 : i32
    %c0_i32_1 = arith.constant 0 : i32
    return %c0_i32, %c0_i32_0 : i32, i32
  }
  func.func @transform_7(%arg0: i32) -> (i32, i32) {
    %c0_i32 = arith.constant 0 : i32
    %c0_i32_0 = arith.constant 0 : i32
    %c0_i32_1 = arith.constant 0 : i32
    return %c0_i32, %c0_i32_0 : i32, i32
  }
  func.func @transform_8(%arg0: i32) -> (i32, i32) {
    %c0_i32 = arith.constant 0 : i32
    %c0_i32_0 = arith.constant 0 : i32
    %c0_i32_1 = arith.constant 0 : i32
    return %c0_i32, %c0_i32_0 : i32, i32
  }
  func.func @transform_9(%arg0: i32) -> (i32, i32) {
    %c0_i32 = arith.constant 0 : i32
    %c0_i32_0 = arith.constant 0 : i32
    return %arg0, %c0_i32 : i32, i32
  }
  func.func @transform_10(%arg0: i32) -> (i32, i32) {
    %c0_i32 = arith.constant 0 : i32
    %c0_i32_0 = arith.constant 0 : i32
    return %arg0, %c0_i32 : i32, i32
  }
  func.func @transform_11(%arg0: i32) -> (i32, i32) {
    %c0_i32 = arith.constant 0 : i32
    %c0_i32_0 = arith.constant 0 : i32
    return %arg0, %c0_i32 : i32, i32
  }
}

</mosaic_0001>

<sc_bundles>
// kernel: kernel.14.cloned.1.call-start
scs
__scs_entry_jumppad:
0x0: {  	(pc) =	sbr.rel $0x88, $3  }
0x1: {  	(tag) =	ssettag $0x0;
	lr =	simm.s32 $0x1  }
0x2: {  	[smem:$0x3F87] =	sst lr;
	_ =	strace $0xD0000000  }
0x3: {  	_ = 	snop  }
0x4: {  	_ = 	snop  }
0x5: {  	_ = 	snop  }
0x6: {  	_ = 	snop  }
0x7: {  	_ = 	snop  }
__scs_overlays_trampoline_lowered:
0x8: {  	[smem:$0x3F96] =	sst s0  }
0x9: {  	[smem:$0x3F97] =	sst s1  }
0xa: {  	[smem:$0x3F98] =	sst s2  }
0xb: {  	[smem:$0x3F99] =	sst s3  }
0xc: {  	[smem:$0x3F9A] =	sst s4  }
0xd: {  	[smem:$0x3F9B] =	sst s5  }
0xe: {  	[smem:$0x3F9C] =	sst s6  }
0xf: {  	[smem:$0x3F9D] =	sst s7  }
0x10: {  	[smem:$0x3F9E] =	sst s8  }
0x11: {  	[smem:$0x3F9F] =	sst s9;
	s0 =	simm.s32 @!p0 $0x0  }
0x12: {  	s1 =	sld [smem:$0x3F85];
	s0 =	simm.s32 @p0 $0x1  }
0x13: {  	[smem:$0x3FA0] =	sst s0;
	s0 =	simm.s32 @!p1 $0x0  }
0x14: {  	s2 =	sld [smem:$0x3F84];
	s0 =	simm.s32 @p1 $0x1  }
0x15: {  	[smem:$0x3FA1] =	sst s0;
	s0 =	simm.s32 @!p2 $0x0  }
0x16: {  	s3 =	sld [smem:$0x3FDB];
	s0 =	simm.s32 @p2 $0x1  }
0x17: {  	s4 =	simm.s32 $0x1BF5;
	[smem:$0x3FA3] =	sst s0  }
0x18: {  	s0 =	sld [smem:$0x3F86];
	_ =	swait.ge [sflag:s4], $0x0  }
0x19: {  	s7 =	sld [smem:$0x3F87]  }
0x1a: {  	s8 =	sadd.s32 $0xFFFFE003, lr  }
0x1b: {  	s9 =	sadd.s32 $0xFFFFFEF7, lr;
	s5 =	simm.s32 $0xFFFFFFFF;
	p2 =	slt.u32 s8, $0xFFFFF086  }
0x1c: {  	p1 =	slt.u32 s9, $0xF7A;
	s5 =	simm.s32 @!p2 $0x0  }
0x1d: {  	s5 =	simm.s32 @p1 $0x1;
	p0 =	seq.s32 s7, s2  }
0x1e: {  	s7 =	smul.u32 @!p0 $0xF7A, s2;
	p2 =	seq.s32 @!p0 s5, $0x0  }
0x1f: {  	s9 =	smul.u32 $0xF7A, s1;
	s8 =	simm.s32 @!p0 $0x1BF5;
	p2 =	por !p2, p0  }
0x20: {  	[sflag:s8] =	ssyncset.s32 @!p0 $0xFFFFF086;
	s6 =	sadd.s32 @!p0 s3, s7;
	s7 =	simm.s32 @!p0 $0x108  }
0x21: {  	s3 =	sadd.s32 s3, s9;
	s6 =	sadd.s32 @!p0 $0x88, s6;
	s7 =	simm.s32 @p2 $0x1082  }
0x22: {  	[simem:s7], [sflag:s8] =	dma.local @!p0 [hbm:s6], $0xF7A  }
0x23: {  	s9 =	sor.u32 $0xD0000000, s2;
	s6 =	simm.s32 $0x108;
	_ =	swait.ge @!p0 [sflag:s8], $0x0  }
0x24: {  	s3 =	sadd.s32 $0x88, s3;
	s6 =	simm.s32 @!p1 $0x1082;
	[sflag:s4] =	ssyncset.s32 $0xFFFFF086  }
0x25: {  	[simem:s6], [sflag:s4] =	dma.local [hbm:s3], $0xF7A  }
0x26: {  	[smem:$0x3F87] =	sst s1;
	(tag) =	ssettag s2;
	_ =	strace s9  }
0x27: {  	s1 =	sld [smem:$0x3F97]  }
0x28: {  	s2 =	sld [smem:$0x3F98]  }
0x29: {  	s4 =	sld [smem:$0x3F9A]  }
0x2a: {  	p0 =	seq.s32 s5, $0x0;
	s5 =	sld [smem:$0x3F9B]  }
0x2b: {  	s6 =	sld [smem:$0x3F9C]  }
0x2c: {  	s7 =	sld [smem:$0x3F9D]  }
0x2d: {  	s3 =	simm.s32 $0x108;
	s8 =	sld [smem:$0x3F9E]  }
0x2e: {  	s3 =	simm.s32 @!p0 $0x1082;
	s9 =	sld [smem:$0x3F9F]  }
0x2f: {  	lr =	sadd.s32 s0, s3;
	s0 =	sld [smem:$0x3F96]  }
0x30: {  	s3 =	sld [smem:$0x3F99]  }
0x31: {  	[smem:$0x3FA2] =	sst s10  }
0x32: {  	s10 =	sld [smem:$0x3FA0];
	_ =	sdelay $0x3  }
0x33: {  	p0 =	seq.s32 s10, $0x1;
	s10 =	sld [smem:$0x3FA2];
	_ =	sdelay $0x3  }
0x34: {  	[smem:$0x3FA2] =	sst s10  }
0x35: {  	s10 =	sld [smem:$0x3FA1];
	_ =	sdelay $0x3  }
0x36: {  	p1 =	seq.s32 s10, $0x1;
	s10 =	sld [smem:$0x3FA2];
	_ =	sdelay $0x3  }
0x37: {  	[smem:$0x3FA2] =	sst s10  }
0x38: {  	s10 =	sld [smem:$0x3FA3]  }
0x39: {  	_ = 	snop;
	(pc) =	sbr.ind lr, $3  }
0x3a: {  	_ = 	snop  }
0x3b: {  	_ = 	snop  }
0x3c: {  	p2 =	seq.s32 s10, $0x1;
	s10 =	sld [smem:$0x3FA2]  }
0x3d: {  	_ =	shalt  }
0x3e: {  	_ =	shalt  }
0x3f: {  	_ =	shalt  }
0x40: {  	_ =	shalt  }
0x41: {  	_ =	shalt  }
0x42: {  	_ =	shalt  }
0x43: {  	_ =	shalt  }
0x44: {  	_ =	shalt  }
0x45: {  	_ =	shalt  }
0x46: {  	_ =	shalt  }
0x47: {  	_ =	shalt  }
0x48: {  	_ =	shalt  }
0x49: {  	_ =	shalt  }
0x4a: {  	_ =	shalt  }
0x4b: {  	_ =	shalt  }
0x4c: {  	_ =	shalt  }
0x4d: {  	_ =	shalt  }
0x4e: {  	_ =	shalt  }
0x4f: {  	_ =	shalt  }
0x50: {  	_ =	shalt  }
0x51: {  	_ =	shalt  }
0x52: {  	_ =	shalt  }
0x53: {  	_ =	shalt  }
0x54: {  	_ =	shalt  }
0x55: {  	_ =	shalt  }
0x56: {  	_ =	shalt  }
0x57: {  	_ =	shalt  }
0x58: {  	_ =	shalt  }
0x59: {  	_ =	shalt  }
0x5a: {  	_ =	shalt  }
0x5b: {  	_ =	shalt  }
0x5c: {  	_ =	shalt  }
0x5d: {  	_ =	shalt  }
0x5e: {  	_ =	shalt  }
0x5f: {  	_ =	shalt  }
0x60: {  	_ =	shalt  }
0x61: {  	_ =	shalt  }
0x62: {  	_ =	shalt  }
0x63: {  	_ =	shalt  }
0x64: {  	_ =	shalt  }
0x65: {  	_ =	shalt  }
0x66: {  	_ =	shalt  }
0x67: {  	_ =	shalt  }
0x68: {  	_ =	shalt  }
0x69: {  	_ =	shalt  }
0x6a: {  	_ =	shalt  }
0x6b: {  	_ =	shalt  }
0x6c: {  	_ =	shalt  }
0x6d: {  	_ =	shalt  }
0x6e: {  	_ =	shalt  }
0x6f: {  	_ =	shalt  }
0x70: {  	_ =	shalt  }
0x71: {  	_ =	shalt  }
0x72: {  	_ =	shalt  }
0x73: {  	_ =	shalt  }
0x74: {  	_ =	shalt  }
0x75: {  	_ =	shalt  }
0x76: {  	_ =	shalt  }
0x77: {  	_ =	shalt  }
0x78: {  	_ =	shalt  }
0x79: {  	_ =	shalt  }
0x7a: {  	_ =	shalt  }
0x7b: {  	_ =	shalt  }
0x7c: {  	_ =	shalt  }
0x7d: {  	_ =	shalt  }
0x7e: {  	_ =	shalt  }
0x7f: {  	_ =	shalt  }
0x80: {  	_ =	shalt  }
0x81: {  	_ =	shalt  }
0x82: {  	_ =	shalt  }
0x83: {  	_ =	shalt  }
0x84: {  	_ =	shalt  }
0x85: {  	_ =	shalt  }
0x86: {  	_ =	shalt  }
0x87: {  	_ =	shalt  }
.Lfunc_end0:
.L_simem_size_0:
called_computation_lowered:
.L_overlay_start_0:
0x88: {  	s2 =	sld [smem:$0x3FD9]  }
0x89: {  	s3 =	sld [smem:$0x3FFE];
	_ =	sdelay $0x1  }
0x8a: {  	s1 =	srdreg.scid  }
0x8b: {  	s0 =	sand.u32 $0x1, s1  }
0x8c: {  	s14 =	sshll.u32 s0, $0xA;
	s2 =	sadd.s32 s3, s2  }
0x8d: {  	s2 =	sadd.s32 s2, s14  }
0x8e: {  	[smem:$0x3FAE] =	sst s2  }
0x8f: {  	_ = 	snop  }
0x90: {  	s2 =	sld [smem:$0x3FD0];
	_ =	sdelay $0x2  }
0x91: {  	s15 =	simm.s32 $0xA;
	s4 =	simm.s32 $0x10  }
0x92: {  	[smem:s4], [sflag:s15] =	dma.local [hbm:s2], $0x1  }
0x93: {  	_ =	swait.eq [sflag:s15], $0x1  }
0x94: {  	[sflag:s15] =	ssyncset.done $0x0  }
0x95: {  	[sflag:s15] =	ssyncadd.s32 $0xFFFFFFFF  }
0x96: {  	s16 =	sld [smem:$0x11];
	(tm) =	ssettm $0x1  }
0x97: {  	s17 =	sld [smem:$0x3FFB];
	_ =	sdelay $0x3  }
0x98: {  	_ =	strace s17  }
0x99: {  	s3 =	sld [smem:$0x3FFC];
	_ =	sdelay $0x3  }
0x9a: {  	_ =	strace s3  }
0x9b: {  	s3 =	sld [smem:$0x3FFD];
	_ =	sdelay $0x3  }
0x9c: {  	_ =	strace s3  }
0x9d: {  	_ =	strace $0x8FFFFFFF  }
0x9e: {  	s18 =	sld [smem:$0x3FDB];
	_ =	sdelay $0x1  }
0x9f: {  	s19 =	simm.s32 $_scs_section_size  }
0xa0: {  	s5 =	simm.s32 $_size__tile_overlayer_lowered;
	s6 =	simm.s32 $_tile_overlayer_lowered  }
0xa1: {  	s22 =	simm.s32 $0x1BFF;
	s21 =	sshll.u32 s6, $0x1;
	s3 =	sadd.s32 s19, s18  }
0xa2: {  	s7 =	simm.s32 $0x0;
	s20 =	sshll.u32 s5, $0x1;
	s5 =	sadd.s32 s21, s3  }
0xa3: {  	[timem:s7], [sflag:s22] =	dma.local [hbm:s5], s20  }
0xa4: {  	_ =	swait.ge [sflag:s22], s20  }
0xa5: {  	s4 =	ssub.s32 $0x0, s20;
	[sflag:s22] =	ssyncset.done $0x0  }
0xa6: {  	[sflag:s22] =	ssyncadd.s32 s4;
	_ =	sdelay $0x1  }
0xa7: {  	s23 =	simm.s32 $0x1B8B  }
0xa8: {  	_ =	swait.ge [sflag:s23], $0x1  }
0xa9: {  	[sflag:s23] =	ssyncset.done $0x0  }
0xaa: {  	s25 =	simm.s32 $0x1B8E;
	s24 =	sld [smem:$0x3FFE];
	[sflag:s23] =	ssyncadd.s32 $0xFFFFFFFF  }
0xab: {  	s26 =	simm.s32 $execute0_lowered;
	[smem:$0x3FD2] =	sst s25  }
0xac: {  	s5 =	sshll.u32 s26, $0x1;
	_ =	strace $0x80000046;
	[dreg:$0x1] =	wrdreg $0xFFFFFFFF  }
0xad: {  	s28 =	simm.s32 $_size_execute0_lowered;
	s3 =	sadd.s32 s3, s5;
	[dreg:$0x0] =	wrdreg $0x0  }
0xae: {  	s5 =	sshll.u32 s28, $0x1;
	[dreg:$0x2] =	wrdreg s3  }
0xaf: {  	[dreg:$0x3] =	wrdreg s5  }
0xb0: {  	[dreg:$0x4] =	wrdreg $0xC0  }
0xb1: {  	_ =	task [dreg:s7], $0x5FFFF  }
0xb2: {  	[dreg:$0x1] =	wrdreg $0xFFFFFFFF  }
0xb3: {  	[dreg:$0x0] =	wrdreg $0x60  }
0xb4: {  	[dreg:$0x2] =	wrdreg s24  }
0xb5: {  	[dreg:$0x3] =	wrdreg s16  }
0xb6: {  	[dreg:$0x4] =	wrdreg $0x68000  }
0xb7: {  	[dreg:$0x5] =	wrdreg $0x9  }
0xb8: {  	_ =	task.clear_ibuf [dreg:s7], $0x6FFFF;
	_ =	strace $0x90000046  }
0xb9: {  	s29 =	simm.s32 $0x9;
	_ =	strace $0x80000048  }
0xba: {  	_ =	swait.ge [sflag:s29], $0x1  }
0xbb: {  	[sflag:s29] =	ssyncadd.s32 $0xFFFFFFFF  }
0xbc: {  	_ =	strace $0x90000048  }
0xbd: {  	_ =	sfence  }
0xbe: {  	s30 =	sld [smem:$0x0];
	_ =	sdelay $0x2  }
0xbf: {  	s31 =	sshll.u32 s1, $0xD;
	s1 =	sshrl.u32 s1, $0x2  }
0xc0: {  	s3 =	sand.u32 $0x4000, s31;
	s1 =	sadd.s32 s1, s30  }
0xc1: {  	s0 =	sor.u32 s3, s0;
	s1 =	sshll.u32 s1, $0x11  }
0xc2: {  	s0 =	sor.u32 s1, s0  }
0xc3: {  	s0 =	sadd.s32 $0x8F2B, s0  }
0xc4: {  	[sflag:s0] =	ssyncadd.remote.s32 $0x1  }
0xc5: {  	_ =	sfence.sel $0xFFFF  }
0xc6: {  	[dreg:$0x0] =	wrdreg $0xFFFFFFFF;
	(pc) =	sbr.abs _section_cstart, $3  }
0xc7: {  	[dreg:$0x1] =	wrdreg $0xFFFFFFFF  }
0xc8: {  	_ =	task.clear_ibuf [dreg:s7], $0x2FFFF;
	_ =	strace $0x9FFFFFFF  }
0xc9: {  	(tm) =	ssettm $0x7FFFFFFF  }
tec
execute0_lowered:
.L_overlay_start_1:
0x0: {  	(tag) =	ssettag $0x1  }
0x1: {  	s5 =	rddreg [dreg:$0x0]  }
0x2: {  	s6 =	rddreg [dreg:$0x1]  }
0x3: {  	s0 =	srdreg.scid;
	s2 =	rddreg [dreg:$0x2]  }
0x4: {  	s3 =	simm.s32 $0x0;
	s15 =	simm.s32 $0x4800;
	s16 =	simm.s32 $0x1  }
0x5: {  	s17 =	simm.s32 $0x80;
	s4 =	sand.u32 $0x1, s0;
	s0 =	stileid.u32  }
0x6: {  	s18 =	simm.s32 $0x2;
	s19 =	simm.s32 $0x2700;
	s9 =	smul.u32 $0x1400, s0  }
0x7: {  	s20 =	simm.s32 $0x2780;
	s21 =	simm.s32 $0x0;
	s10 =	smul.u32 $0x14000, s4  }
0x8: {  	[smem:$0x7FF] =	sst s3;
	s12 =	sadd.s32 $0x508400, s5;
	s11 =	smul.u32 $0xA000, s0  }
0x9: {  	s1 =	sshll.u32 s4, $0x4;
	s26 =	ssub.s32 $0x2, s4;
	s14 =	smul.u32 $0x140000, s4  }
0xa: {  	s30 =	sshll.u32 s0, $0x6;
	s31 =	smul.u32 $0x14000, s0;
	s7 =	sor.u32 s0, s1  }
0xb: {  	s1 =	rddreg [dreg:$0x3];
	_ =	strace $0x80000047;
	s28 =	sshrl.u32 s26, $0x1  }
0xc: {  	s8 =	smul.u32 $0x500, s7;
	s9 =	sadd.s32 s9, s10;
	s10 =	ssub.s32 s26, s28  }
0xd: {  	s13 =	sadd.s32 s11, s2;
	s7 =	smul.u32 $0x14000, s7;
	s29 =	sshrl.u32 s11, $0x3  }
0xe: {  	s9 =	sadd.s32 s9, s5;
	s8 =	sadd.s32 s8, s5;
	s5 =	sor.u32 $0x1C03, s30  }
0xf: {  	s7 =	sadd.s32 s12, s7;
	s12 =	sadd.s32 s14, s12;
	s14 =	simm.s32 $0x2800  }
0x10: {  	s4 =	sadd.s32 s6, s29;
	s6 =	sadd.s32 $0x788400, s8;
	s8 =	sadd.s32 $0x792400, s9  }
0x11: {  	s9 =	smax.u32 s10, $0x1;
	s11 =	sadd.s32 s31, s12;
	s10 =	sadd.s32 $0x13C00, s7  }
0x12: {  	s12 =	sshrl.u32 s13, $0x3;
	s13 =	simm.s32 $0x3;
	s11 =	sadd.s32 $0x800, s11  }
.LBB2_1:
0x13: {  	[spmem:s12], [sflag:s5] =	dma.local [hbm:s4], $0x1400  }
0x14: {  	_ =	swait.ge [sflag:s13], $0x1400  }
0x15: {  	[sflag:s13] =	ssyncset.done $0x0  }
0x16: {  	[sflag:s13] =	ssyncadd.s32 $0xFFFFEC00  }
0x17: {  	[bflag:$0x0] =	sbarrier.arrive $0xFFFF  }
0x18: {  	[tilespmem:s3], [sflag:$0x3] =	stream.linear.gather [hbm4b:s6+s3], $0x2800, $0x38;
	[tilespmem:$0x10800] =	vst v63  }
0x19: {  	_ =	swait.ge [sflag:s13], $0x2800  }
0x1a: {  	[sflag:s13] =	ssyncset.done $0x0  }
0x1b: {  	[sflag:s13] =	ssyncadd.s32 $0xFFFFD800  }
0x1c: {  	[tilespmem:s14], [sflag:$0x1] =	stream.linear.gather [hbm4b:s7+s3], $0x2000, $0x38;
	[tilespmem:$0x10800] =	vst v63  }
0x1d: {  	s22 =	sadd.s32 $0xFFFFFC00, s11  }
0x1e: {  	[tilespmem:s15], [sflag:$0x2] =	stream.linear.gather [hbm4b:s22+s3], $0x2000, $0x38;
	[tilespmem:$0x10800] =	vst v63  }
0x1f: {  	_ =	swait.ge [sflag:s16], $0x2000  }
0x20: {  	[sflag:s16] =	ssyncset.done $0x0  }
0x21: {  	s30 =	simm.s32 $0x0;
	[sflag:s16] =	ssyncadd.s32 $0xFFFFE000  }
0x22: {  	[spmem:s2] =	stream.indirect.scatter.add.f32 [tilespmem:s14], [sflag:$0x3], $0x40, s30, s17, $0xb8;
	[tilespmem:$0x10800] =	vst v63  }
0x23: {  	_ =	swait.ge [sflag:s13], $0x2000  }
0x24: {  	[sflag:s13] =	ssyncset.done $0x0  }
0x25: {  	[sflag:s13] =	ssyncadd.s32 $0xFFFFE000  }
0x26: {  	[tilespmem:s14], [sflag:$0x1] =	stream.linear.gather [hbm4b:s11+s3], $0x2000, $0x38;
	[tilespmem:$0x10800] =	vst v63  }
0x27: {  	_ =	swait.ge [sflag:s18], $0x2000  }
0x28: {  	[sflag:s18] =	ssyncset.done $0x0  }
0x29: {  	s31 =	simm.s32 $0x80;
	[sflag:s18] =	ssyncadd.s32 $0xFFFFE000  }
0x2a: {  	[spmem:s2] =	stream.indirect.scatter.add.f32 [tilespmem:s15], [sflag:$0x3], $0x40, s31, s17, $0xb8;
	[tilespmem:$0x10800] =	vst v63  }
0x2b: {  	s23 =	simm.s32 $0x400;
	_ =	swait.ge [sflag:s13], $0x2000  }
0x2c: {  	s24 =	simm.s32 $0x800;
	s22 =	sadd.s32 $0x800, s11;
	[sflag:s13] =	ssyncset.done $0x0  }
.LBB2_2:
0x2d: {  	p0 =	sne.s32 s24, $0x9800;
	s25 =	sadd.s32 $0xFFFFFC00, s22;
	[sflag:s13] =	ssyncadd.s32 $0xFFFFE000  }
0x2e: {  	[tilespmem:s15], [sflag:$0x2] =	stream.linear.gather [hbm4b:s25+s3], $0x2000, $0x38;
	[tilespmem:$0x10800] =	vst v63  }
0x2f: {  	s25 =	smov.u32 s24;
	s24 =	sadd.s32 $0x400, s24;
	_ =	swait.ge [sflag:s16], $0x2000  }
0x30: {  	[sflag:s16] =	ssyncset.done $0x0  }
0x31: {  	s26 =	sshra.s32 s23, $0x2;
	s23 =	smov.u32 s25;
	[sflag:s16] =	ssyncadd.s32 $0xFFFFE000  }
0x32: {  	[spmem:s2] =	stream.indirect.scatter.add.f32 [tilespmem:s14], [sflag:$0x3], $0x40, s26, s17, $0xb8;
	[tilespmem:$0x10800] =	vst v63  }
0x33: {  	_ =	swait.ge [sflag:s13], $0x2000  }
0x34: {  	[sflag:s13] =	ssyncset.done $0x0  }
0x35: {  	[sflag:s13] =	ssyncadd.s32 $0xFFFFE000  }
0x36: {  	[tilespmem:s14], [sflag:$0x1] =	stream.linear.gather [hbm4b:s22+s3], $0x2000, $0x38;
	[tilespmem:$0x10800] =	vst v63  }
0x37: {  	_ =	swait.ge [sflag:s18], $0x2000  }
.Ltmp0:
0x38: {  	[sflag:s18] =	ssyncset.done $0x0;
	(pc) =	sbr.rel @p0 .LBB2_2-.Ltmp0, $4  }
0x39: {  	s25 =	sadd.s32 $0x80, s26;
	[sflag:s18] =	ssyncadd.s32 $0xFFFFE000  }
0x3a: {  	[spmem:s2] =	stream.indirect.scatter.add.f32 [tilespmem:s15], [sflag:$0x3], $0x40, s25, s17, $0xb8;
	[tilespmem:$0x10800] =	vst v63  }
0x3b: {  	_ =	swait.ge [sflag:s13], $0x2000  }
0x3c: {  	s22 =	sadd.s32 $0x800, s22;
	[sflag:s13] =	ssyncset.done $0x0  }
0x3d: {  	s24 =	sadd.s32 $0xFFFFFC00, s22;
	[sflag:s13] =	ssyncadd.s32 $0xFFFFE000  }
0x3e: {  	[tilespmem:s15], [sflag:$0x2] =	stream.linear.gather [hbm4b:s24+s3], $0x2000, $0x38;
	[tilespmem:$0x10800] =	vst v63  }
0x3f: {  	_ =	swait.ge [sflag:s16], $0x2000  }
0x40: {  	[sflag:s16] =	ssyncset.done $0x0  }
0x41: {  	s23 =	sshra.s32 s23, $0x2;
	[sflag:s16] =	ssyncadd.s32 $0xFFFFE000  }
0x42: {  	[spmem:s2] =	stream.indirect.scatter.add.f32 [tilespmem:s14], [sflag:$0x3], $0x40, s23, s17, $0xb8;
	[tilespmem:$0x10800] =	vst v63  }
0x43: {  	_ =	swait.ge [sflag:s13], $0x2000  }
0x44: {  	[sflag:s13] =	ssyncset.done $0x0  }
0x45: {  	[sflag:s13] =	ssyncadd.s32 $0xFFFFE000  }
0x46: {  	[tilespmem:s14], [sflag:$0x1] =	stream.linear.gather [hbm4b:s22+s3], $0x2000, $0x38;
	[tilespmem:$0x10800] =	vst v63  }
0x47: {  	_ =	swait.ge [sflag:s18], $0x2000  }
0x48: {  	[sflag:s18] =	ssyncset.done $0x0  }
0x49: {  	s31 =	sadd.s32 $0x80, s23;
	[sflag:s18] =	ssyncadd.s32 $0xFFFFE000  }
0x4a: {  	[spmem:s2] =	stream.indirect.scatter.add.f32 [tilespmem:s15], [sflag:$0x3], $0x40, s31, s17, $0xb8;
	[tilespmem:$0x10800] =	vst v63  }
0x4b: {  	_ =	swait.ge [sflag:s13], $0x2000  }
0x4c: {  	[sflag:s13] =	ssyncset.done $0x0  }
0x4d: {  	[sflag:s13] =	ssyncadd.s32 $0xFFFFE000  }
0x4e: {  	[tilespmem:s15], [sflag:$0x2] =	stream.linear.gather [hbm4b:s10+s3], $0x2000, $0x38;
	[tilespmem:$0x10800] =	vst v63  }
0x4f: {  	_ =	swait.ge [sflag:s16], $0x2000  }
0x50: {  	[sflag:s16] =	ssyncset.done $0x0  }
0x51: {  	[sflag:s16] =	ssyncadd.s32 $0xFFFFE000  }
0x52: {  	[spmem:s2] =	stream.indirect.scatter.add.f32 [tilespmem:s14], [sflag:$0x3], $0x40, s19, s17, $0xb8;
	[tilespmem:$0x10800] =	vst v63  }
0x53: {  	_ =	swait.ge [sflag:s13], $0x2000  }
0x54: {  	[sflag:s13] =	ssyncset.done $0x0  }
0x55: {  	[sflag:s13] =	ssyncadd.s32 $0xFFFFE000  }
0x56: {  	_ =	swait.ge [sflag:s18], $0x2000  }
0x57: {  	[sflag:s18] =	ssyncset.done $0x0  }
0x58: {  	[sflag:s18] =	ssyncadd.s32 $0xFFFFE000  }
0x59: {  	[spmem:s2] =	stream.indirect.scatter.add.f32 [tilespmem:s15], [sflag:$0x3], $0x40, s20, s17, $0xb8;
	[tilespmem:$0x10800] =	vst v63  }
0x5a: {  	_ =	swait.ge [sflag:s13], $0x2000  }
0x5b: {  	s21 =	sadd.s32 $0x1, s21;
	[sflag:s13] =	ssyncset.done $0x0  }
0x5c: {  	p0 =	sne.s32 s21, s9;
	[sflag:s13] =	ssyncadd.s32 $0xFFFFE000  }
.Ltmp1:
0x5d: {  	[bflag:$0x0] =	sbarrier.arrive $0xFFFF;
	(pc) =	sbr.rel @p0 .LBB2_1-.Ltmp1, $4  }
0x5e: {  	[hbm:s8], [sflag:s5] =	dma.local [spmem:s12], $0x1400  }
0x5f: {  	_ =	swait.ge [sflag:s13], $0x1400  }
0x60: {  	[sflag:s13] =	ssyncset.done $0x0  }
0x61: {  	[sflag:s13] =	ssyncadd.s32 $0xFFFFEC00  }
0x62: {  	_ =	sfence.sel $0x180000  }
0x63: {  	[bflag:$0x0] =	sbarrier.arrive $0xFFFF  }
0x64: {  	p0 =	sne.s32 s0, $0x0;
	_ =	strace $0x90000047  }
0x65: {  	s0 =	sadd.s32 @!p0 $0x100000, s1;
	[bflag:$0x2] =	sbarrier.arrive $0xFFFF  }
0x66: {  	[sflag:s0] =	ssyncadd.tile.s32 @!p0 $0x1;
	_ =	shalt  }
.Lfunc_end2:
_tile_overlayer_lowered:
.L_overlay_start_2:
0x67: {  	(tag) =	ssettag $0x2  }
0x68: {  	s0 =	rddreg [dreg:$0x0];
	s2 =	stileid.u32  }
0x69: {  	s1 =	rddreg [dreg:$0x1];
	p0 =	sne.s32 s2, $0x0  }
0x6a: {  	s3 =	rddreg [dreg:$0x2];
	[bflag:$0x3] =	sbarrier.arrive $0xFFFF;
	s2 =	simm.s32 @!p0 $0x1C03  }
0x6b: {  	[timem:s3], [sflag:s2] =	dma.local @!p0 [hbm:s0], s1  }
0x6c: {  	s0 =	simm.s32 @!p0 $0x3  }
0x6d: {  	_ =	swait.ge @!p0 [sflag:s0], s1  }
0x6e: {  	s1 =	ssub.s32 @!p0 $0x0, s1;
	[sflag:s0] =	ssyncset.done @!p0 $0x0  }
0x6f: {  	[sflag:s0] =	ssyncadd.s32 @!p0 s1  }
0x70: {  	[bflag:$0x3] =	sbarrier.arrive $0xFFFF  }
0x71: {  	_ =	shalt  }

// kernel: kernel.17.cloned.1.call-start
scs
__scs_entry_jumppad:
0x0: {  	(pc) =	sbr.rel $0x88, $3  }
0x1: {  	(tag) =	ssettag $0x0;
	lr =	simm.s32 $0x1  }
0x2: {  	[smem:$0x3F87] =	sst lr;
	_ =	strace $0xD0000000  }
0x3: {  	_ = 	snop  }
0x4: {  	_ = 	snop  }
0x5: {  	_ = 	snop  }
0x6: {  	_ = 	snop  }
0x7: {  	_ = 	snop  }
__scs_overlays_trampoline_lowered:
0x8: {  	[smem:$0x3F96] =	sst s0  }
0x9: {  	[smem:$0x3F97] =	sst s1  }
0xa: {  	[smem:$0x3F98] =	sst s2  }
0xb: {  	[smem:$0x3F99] =	sst s3  }
0xc: {  	[smem:$0x3F9A] =	sst s4  }
0xd: {  	[smem:$0x3F9B] =	sst s5  }
0xe: {  	[smem:$0x3F9C] =	sst s6  }
0xf: {  	[smem:$0x3F9D] =	sst s7  }
0x10: {  	[smem:$0x3F9E] =	sst s8  }
0x11: {  	[smem:$0x3F9F] =	sst s9;
	s0 =	simm.s32 @!p0 $0x0  }
0x12: {  	s1 =	sld [smem:$0x3F85];
	s0 =	simm.s32 @p0 $0x1  }
0x13: {  	[smem:$0x3FA0] =	sst s0;
	s0 =	simm.s32 @!p1 $0x0  }
0x14: {  	s2 =	sld [smem:$0x3F84];
	s0 =	simm.s32 @p1 $0x1  }
0x15: {  	[smem:$0x3FA1] =	sst s0;
	s0 =	simm.s32 @!p2 $0x0  }
0x16: {  	s3 =	sld [smem:$0x3FDB];
	s0 =	simm.s32 @p2 $0x1  }
0x17: {  	s4 =	simm.s32 $0x1BF5;
	[smem:$0x3FA3] =	sst s0  }
0x18: {  	s0 =	sld [smem:$0x3F86];
	_ =	swait.ge [sflag:s4], $0x0  }
0x19: {  	s7 =	sld [smem:$0x3F87]  }
0x1a: {  	s8 =	sadd.s32 $0xFFFFE003, lr  }
0x1b: {  	s9 =	sadd.s32 $0xFFFFFEF7, lr;
	s5 =	simm.s32 $0xFFFFFFFF;
	p2 =	slt.u32 s8, $0xFFFFF086  }
0x1c: {  	p1 =	slt.u32 s9, $0xF7A;
	s5 =	simm.s32 @!p2 $0x0  }
0x1d: {  	s5 =	simm.s32 @p1 $0x1;
	p0 =	seq.s32 s7, s2  }
0x1e: {  	s7 =	smul.u32 @!p0 $0xF7A, s2;
	p2 =	seq.s32 @!p0 s5, $0x0  }
0x1f: {  	s9 =	smul.u32 $0xF7A, s1;
	s8 =	simm.s32 @!p0 $0x1BF5;
	p2 =	por !p2, p0  }
0x20: {  	[sflag:s8] =	ssyncset.s32 @!p0 $0xFFFFF086;
	s6 =	sadd.s32 @!p0 s3, s7;
	s7 =	simm.s32 @!p0 $0x108  }
0x21: {  	s3 =	sadd.s32 s3, s9;
	s6 =	sadd.s32 @!p0 $0x88, s6;
	s7 =	simm.s32 @p2 $0x1082  }
0x22: {  	[simem:s7], [sflag:s8] =	dma.local @!p0 [hbm:s6], $0xF7A  }
0x23: {  	s9 =	sor.u32 $0xD0000000, s2;
	s6 =	simm.s32 $0x108;
	_ =	swait.ge @!p0 [sflag:s8], $0x0  }
0x24: {  	s3 =	sadd.s32 $0x88, s3;
	s6 =	simm.s32 @!p1 $0x1082;
	[sflag:s4] =	ssyncset.s32 $0xFFFFF086  }
0x25: {  	[simem:s6], [sflag:s4] =	dma.local [hbm:s3], $0xF7A  }
0x26: {  	[smem:$0x3F87] =	sst s1;
	(tag) =	ssettag s2;
	_ =	strace s9  }
0x27: {  	s1 =	sld [smem:$0x3F97]  }
0x28: {  	s2 =	sld [smem:$0x3F98]  }
0x29: {  	s4 =	sld [smem:$0x3F9A]  }
0x2a: {  	p0 =	seq.s32 s5, $0x0;
	s5 =	sld [smem:$0x3F9B]  }
0x2b: {  	s6 =	sld [smem:$0x3F9C]  }
0x2c: {  	s7 =	sld [smem:$0x3F9D]  }
0x2d: {  	s3 =	simm.s32 $0x108;
	s8 =	sld [smem:$0x3F9E]  }
0x2e: {  	s3 =	simm.s32 @!p0 $0x1082;
	s9 =	sld [smem:$0x3F9F]  }
0x2f: {  	lr =	sadd.s32 s0, s3;
	s0 =	sld [smem:$0x3F96]  }
0x30: {  	s3 =	sld [smem:$0x3F99]  }
0x31: {  	[smem:$0x3FA2] =	sst s10  }
0x32: {  	s10 =	sld [smem:$0x3FA0];
	_ =	sdelay $0x3  }
0x33: {  	p0 =	seq.s32 s10, $0x1;
	s10 =	sld [smem:$0x3FA2];
	_ =	sdelay $0x3  }
0x34: {  	[smem:$0x3FA2] =	sst s10  }
0x35: {  	s10 =	sld [smem:$0x3FA1];
	_ =	sdelay $0x3  }
0x36: {  	p1 =	seq.s32 s10, $0x1;
	s10 =	sld [smem:$0x3FA2];
	_ =	sdelay $0x3  }
0x37: {  	[smem:$0x3FA2] =	sst s10  }
0x38: {  	s10 =	sld [smem:$0x3FA3]  }
0x39: {  	_ = 	snop;
	(pc) =	sbr.ind lr, $3  }
0x3a: {  	_ = 	snop  }
0x3b: {  	_ = 	snop  }
0x3c: {  	p2 =	seq.s32 s10, $0x1;
	s10 =	sld [smem:$0x3FA2]  }
0x3d: {  	_ =	shalt  }
0x3e: {  	_ =	shalt  }
0x3f: {  	_ =	shalt  }
0x40: {  	_ =	shalt  }
0x41: {  	_ =	shalt  }
0x42: {  	_ =	shalt  }
0x43: {  	_ =	shalt  }
0x44: {  	_ =	shalt  }
0x45: {  	_ =	shalt  }
0x46: {  	_ =	shalt  }
0x47: {  	_ =	shalt  }
0x48: {  	_ =	shalt  }
0x49: {  	_ =	shalt  }
0x4a: {  	_ =	shalt  }
0x4b: {  	_ =	shalt  }
0x4c: {  	_ =	shalt  }
0x4d: {  	_ =	shalt  }
0x4e: {  	_ =	shalt  }
0x4f: {  	_ =	shalt  }
0x50: {  	_ =	shalt  }
0x51: {  	_ =	shalt  }
0x52: {  	_ =	shalt  }
0x53: {  	_ =	shalt  }
0x54: {  	_ =	shalt  }
0x55: {  	_ =	shalt  }
0x56: {  	_ =	shalt  }
0x57: {  	_ =	shalt  }
0x58: {  	_ =	shalt  }
0x59: {  	_ =	shalt  }
0x5a: {  	_ =	shalt  }
0x5b: {  	_ =	shalt  }
0x5c: {  	_ =	shalt  }
0x5d: {  	_ =	shalt  }
0x5e: {  	_ =	shalt  }
0x5f: {  	_ =	shalt  }
0x60: {  	_ =	shalt  }
0x61: {  	_ =	shalt  }
0x62: {  	_ =	shalt  }
0x63: {  	_ =	shalt  }
0x64: {  	_ =	shalt  }
0x65: {  	_ =	shalt  }
0x66: {  	_ =	shalt  }
0x67: {  	_ =	shalt  }
0x68: {  	_ =	shalt  }
0x69: {  	_ =	shalt  }
0x6a: {  	_ =	shalt  }
0x6b: {  	_ =	shalt  }
0x6c: {  	_ =	shalt  }
0x6d: {  	_ =	shalt  }
0x6e: {  	_ =	shalt  }
0x6f: {  	_ =	shalt  }
0x70: {  	_ =	shalt  }
0x71: {  	_ =	shalt  }
0x72: {  	_ =	shalt  }
0x73: {  	_ =	shalt  }
0x74: {  	_ =	shalt  }
0x75: {  	_ =	shalt  }
0x76: {  	_ =	shalt  }
0x77: {  	_ =	shalt  }
0x78: {  	_ =	shalt  }
0x79: {  	_ =	shalt  }
0x7a: {  	_ =	shalt  }
0x7b: {  	_ =	shalt  }
0x7c: {  	_ =	shalt  }
0x7d: {  	_ =	shalt  }
0x7e: {  	_ =	shalt  }
0x7f: {  	_ =	shalt  }
0x80: {  	_ =	shalt  }
0x81: {  	_ =	shalt  }
0x82: {  	_ =	shalt  }
0x83: {  	_ =	shalt  }
0x84: {  	_ =	shalt  }
0x85: {  	_ =	shalt  }
0x86: {  	_ =	shalt  }
0x87: {  	_ =	shalt  }
.Lfunc_end0:
.L_simem_size_0:
called_computation.1_lowered:
.L_overlay_start_0:
0x88: {  	s2 =	sld [smem:$0x3FD9]  }
0x89: {  	s3 =	sld [smem:$0x3FFE];
	_ =	sdelay $0x1  }
0x8a: {  	s1 =	srdreg.scid  }
0x8b: {  	s0 =	sand.u32 $0x1, s1  }
0x8c: {  	s14 =	sshll.u32 s0, $0xA;
	s2 =	sadd.s32 s3, s2  }
0x8d: {  	s2 =	sadd.s32 s2, s14  }
0x8e: {  	[smem:$0x3FAE] =	sst s2  }
0x8f: {  	_ = 	snop  }
0x90: {  	s2 =	sld [smem:$0x3FD0];
	_ =	sdelay $0x2  }
0x91: {  	s15 =	simm.s32 $0xA;
	s4 =	simm.s32 $0x10  }
0x92: {  	[smem:s4], [sflag:s15] =	dma.local [hbm:s2], $0x1  }
0x93: {  	_ =	swait.eq [sflag:s15], $0x1  }
0x94: {  	[sflag:s15] =	ssyncset.done $0x0  }
0x95: {  	[sflag:s15] =	ssyncadd.s32 $0xFFFFFFFF  }
0x96: {  	s16 =	sld [smem:$0x10];
	(tm) =	ssettm $0x1  }
0x97: {  	s17 =	sld [smem:$0x3FFB];
	_ =	sdelay $0x3  }
0x98: {  	_ =	strace s17  }
0x99: {  	s3 =	sld [smem:$0x3FFC];
	_ =	sdelay $0x3  }
0x9a: {  	_ =	strace s3  }
0x9b: {  	s3 =	sld [smem:$0x3FFD];
	_ =	sdelay $0x3  }
0x9c: {  	_ =	strace s3  }
0x9d: {  	_ =	strace $0x8FFFFFFF  }
0x9e: {  	s18 =	sld [smem:$0x3FDB];
	_ =	sdelay $0x1  }
0x9f: {  	s19 =	simm.s32 $_scs_section_size  }
0xa0: {  	s5 =	simm.s32 $_size__tile_overlayer_lowered;
	s6 =	simm.s32 $_tile_overlayer_lowered  }
0xa1: {  	s22 =	simm.s32 $0x1BFF;
	s21 =	sshll.u32 s6, $0x1;
	s3 =	sadd.s32 s19, s18  }
0xa2: {  	s7 =	simm.s32 $0x0;
	s20 =	sshll.u32 s5, $0x1;
	s5 =	sadd.s32 s21, s3  }
0xa3: {  	[timem:s7], [sflag:s22] =	dma.local [hbm:s5], s20  }
0xa4: {  	_ =	swait.ge [sflag:s22], s20  }
0xa5: {  	s4 =	ssub.s32 $0x0, s20;
	[sflag:s22] =	ssyncset.done $0x0  }
0xa6: {  	[sflag:s22] =	ssyncadd.s32 s4;
	_ =	sdelay $0x1  }
0xa7: {  	s23 =	simm.s32 $0x1B8B  }
0xa8: {  	_ =	swait.ge [sflag:s23], $0x1  }
0xa9: {  	[sflag:s23] =	ssyncset.done $0x0  }
0xaa: {  	s25 =	simm.s32 $0x1B8E;
	s24 =	sld [smem:$0x3FFE];
	[sflag:s23] =	ssyncadd.s32 $0xFFFFFFFF  }
0xab: {  	s26 =	simm.s32 $execute0_lowered;
	[smem:$0x3FD2] =	sst s25  }
0xac: {  	s5 =	sshll.u32 s26, $0x1;
	_ =	strace $0x80000049;
	[dreg:$0x1] =	wrdreg $0xFFFFFFFF  }
0xad: {  	s28 =	simm.s32 $_size_execute0_lowered;
	s3 =	sadd.s32 s3, s5;
	[dreg:$0x0] =	wrdreg $0x0  }
0xae: {  	s5 =	sshll.u32 s28, $0x1;
	[dreg:$0x2] =	wrdreg s3  }
0xaf: {  	[dreg:$0x3] =	wrdreg s5  }
0xb0: {  	[dreg:$0x4] =	wrdreg $0xC0  }
0xb1: {  	_ =	task [dreg:s7], $0x5FFFF  }
0xb2: {  	[dreg:$0x1] =	wrdreg $0xFFFFFFFF  }
0xb3: {  	[dreg:$0x0] =	wrdreg $0x60  }
0xb4: {  	[dreg:$0x2] =	wrdreg s16  }
0xb5: {  	[dreg:$0x3] =	wrdreg s24  }
0xb6: {  	[dreg:$0x4] =	wrdreg $0x9  }
0xb7: {  	_ =	task.clear_ibuf [dreg:s7], $0x5FFFF;
	_ =	strace $0x90000049  }
0xb8: {  	s29 =	simm.s32 $0x9;
	_ =	strace $0x8000004B  }
0xb9: {  	_ =	swait.ge [sflag:s29], $0x1  }
0xba: {  	[sflag:s29] =	ssyncadd.s32 $0xFFFFFFFF  }
0xbb: {  	_ =	strace $0x9000004B  }
0xbc: {  	_ =	sfence  }
0xbd: {  	s30 =	sld [smem:$0x0];
	_ =	sdelay $0x2  }
0xbe: {  	s31 =	sshll.u32 s1, $0xD;
	s1 =	sshrl.u32 s1, $0x2  }
0xbf: {  	s3 =	sand.u32 $0x4000, s31;
	s1 =	sadd.s32 s1, s30  }
0xc0: {  	s0 =	sor.u32 s3, s0;
	s1 =	sshll.u32 s1, $0x11  }
0xc1: {  	s0 =	sor.u32 s1, s0  }
0xc2: {  	s0 =	sadd.s32 $0x8F2B, s0  }
0xc3: {  	[sflag:s0] =	ssyncadd.remote.s32 $0x1  }
0xc4: {  	_ =	sfence.sel $0xFFFF  }
0xc5: {  	[dreg:$0x0] =	wrdreg $0xFFFFFFFF;
	(pc) =	sbr.abs _section_cstart, $3  }
0xc6: {  	[dreg:$0x1] =	wrdreg $0xFFFFFFFF  }
0xc7: {  	_ =	task.clear_ibuf [dreg:s7], $0x2FFFF;
	_ =	strace $0x9FFFFFFF  }
0xc8: {  	(tm) =	ssettm $0x7FFFFFFF  }
0xc9: {  	_ =	shalt  }
tec
execute0_lowered:
.L_overlay_start_1:
0x0: {  	(tag) =	ssettag $0x1  }
0x1: {  	s0 =	srdreg.scid;
	s2 =	rddreg [dreg:$0x0]  }
0x2: {  	s4 =	rddreg [dreg:$0x1];
	s3 =	simm.s32 $0x0;
	s11 =	simm.s32 $0x2800  }
0x3: {  	s12 =	simm.s32 $0x4800;
	s13 =	simm.s32 $0x1;
	s14 =	simm.s32 $0x2  }
0x4: {  	s15 =	simm.s32 $0x2780;
	s16 =	simm.s32 $0x0;
	s5 =	sand.u32 $0x1, s0  }
0x5: {  	s0 =	stileid.u32;
	s1 =	sshll.u32 s5, $0x4;
	s10 =	smul.u32 $0x140000, s5  }
0x6: {  	s8 =	ssub.s32 $0x2, s5;
	s31 =	smul.u32 $0x14000, s0;
	s6 =	sor.u32 s0, s1  }
0x7: {  	[smem:$0x7FF] =	sst s3;
	s29 =	sshrl.u32 s8, $0x1;
	s7 =	smul.u32 $0x500, s6  }
0x8: {  	s9 =	sadd.s32 $0x792400, s4;
	s6 =	smul.u32 $0x14000, s6;
	s8 =	ssub.s32 s8, s29  }
0x9: {  	s1 =	rddreg [dreg:$0x2];
	_ =	strace $0x8000004A;
	s5 =	smax.u32 s8, $0x1  }
0xa: {  	s7 =	sadd.s32 s7, s4;
	s30 =	sadd.s32 s9, s6;
	s9 =	sadd.s32 s10, s9  }
0xb: {  	s10 =	simm.s32 $0x80;
	s4 =	sadd.s32 $0x788400, s7;
	s6 =	sadd.s32 $0x13800, s30  }
0xc: {  	s7 =	sadd.s32 $0x13C00, s30;
	s8 =	sadd.s32 s31, s9;
	s9 =	simm.s32 $0x3  }
.LBB2_1:
0xd: {  	[tilespmem:s3], [sflag:$0x3] =	stream.linear.gather [hbm4b:s4+s3], $0x2800, $0x38;
	[tilespmem:$0x6800] =	vst v63  }
0xe: {  	_ =	swait.ge [sflag:s9], $0x2800  }
0xf: {  	[sflag:s9] =	ssyncset.done $0x0  }
0x10: {  	[sflag:s9] =	ssyncadd.s32 $0xFFFFD800  }
0x11: {  	[tilespmem:s11], [sflag:$0x1] =	stream.indirect.gather [hbm4b:s2+s10], $0x40, s3, s10, $0xb8;
	[tilespmem:$0x6800] =	vst v63  }
0x12: {  	s17 =	simm.s32 $0x80  }
0x13: {  	[tilespmem:s12], [sflag:$0x2] =	stream.indirect.gather [hbm4b:s2+s10], $0x40, s17, s10, $0xb8;
	[tilespmem:$0x6800] =	vst v63  }
0x14: {  	_ =	swait.ge [sflag:s13], $0x2000  }
0x15: {  	[sflag:s13] =	ssyncset.done $0x0  }
0x16: {  	s31 =	sadd.s32 $0x0, s8;
	[sflag:s13] =	ssyncadd.s32 $0xFFFFE000  }
0x17: {  	[hbm4b:s31+s3] =	stream.linear.scatter [tilespmem:s11], [sflag:$0x3], $0x2000, $0x38;
	[tilespmem:$0x6800] =	vst v63  }
0x18: {  	_ =	swait.ge [sflag:s9], $0x2000  }
0x19: {  	[sflag:s9] =	ssyncset.done $0x0  }
0x1a: {  	s18 =	simm.s32 $0x100;
	[sflag:s9] =	ssyncadd.s32 $0xFFFFE000  }
0x1b: {  	[tilespmem:s11], [sflag:$0x1] =	stream.indirect.gather [hbm4b:s2+s10], $0x40, s18, s10, $0xb8;
	[tilespmem:$0x6800] =	vst v63  }
0x1c: {  	_ =	swait.ge [sflag:s14], $0x2000  }
0x1d: {  	[sflag:s14] =	ssyncset.done $0x0  }
0x1e: {  	s17 =	sadd.s32 $0x400, s31;
	[sflag:s14] =	ssyncadd.s32 $0xFFFFE000  }
0x1f: {  	[hbm4b:s17+s3] =	stream.linear.scatter [tilespmem:s12], [sflag:$0x3], $0x2000, $0x38;
	[tilespmem:$0x6800] =	vst v63  }
0x20: {  	s19 =	simm.s32 $0x1000;
	_ =	swait.ge [sflag:s9], $0x2000  }
0x21: {  	s18 =	simm.s32 $0x800;
	s17 =	simm.s32 $0x200;
	[sflag:s9] =	ssyncset.done $0x0  }
.LBB2_2:
0x22: {  	p0 =	sne.s32 s19, $0x13000;
	s20 =	sadd.s32 $0xFFFFFF80, s17;
	[sflag:s9] =	ssyncadd.s32 $0xFFFFE000  }
0x23: {  	[tilespmem:s12], [sflag:$0x2] =	stream.indirect.gather [hbm4b:s2+s10], $0x40, s20, s10, $0xb8;
	[tilespmem:$0x6800] =	vst v63  }
0x24: {  	s20 =	smov.u32 s19;
	s19 =	sadd.s32 $0x800, s19;
	_ =	swait.ge [sflag:s13], $0x2000  }
0x25: {  	[sflag:s13] =	ssyncset.done $0x0  }
0x26: {  	s21 =	sadd.s32 s18, s8;
	s18 =	smov.u32 s20;
	[sflag:s13] =	ssyncadd.s32 $0xFFFFE000  }
0x27: {  	[hbm4b:s21+s3] =	stream.linear.scatter [tilespmem:s11], [sflag:$0x3], $0x2000, $0x38;
	[tilespmem:$0x6800] =	vst v63  }
0x28: {  	_ =	swait.ge [sflag:s9], $0x2000  }
0x29: {  	[sflag:s9] =	ssyncset.done $0x0  }
0x2a: {  	[sflag:s9] =	ssyncadd.s32 $0xFFFFE000  }
0x2b: {  	[tilespmem:s11], [sflag:$0x1] =	stream.indirect.gather [hbm4b:s2+s10], $0x40, s17, s10, $0xb8;
	[tilespmem:$0x6800] =	vst v63  }
0x2c: {  	_ =	swait.ge [sflag:s14], $0x2000  }
.Ltmp0:
0x2d: {  	[sflag:s14] =	ssyncset.done $0x0;
	(pc) =	sbr.rel @p0 .LBB2_2-.Ltmp0, $4  }
0x2e: {  	s20 =	sadd.s32 $0x400, s21;
	[sflag:s14] =	ssyncadd.s32 $0xFFFFE000  }
0x2f: {  	[hbm4b:s20+s3] =	stream.linear.scatter [tilespmem:s12], [sflag:$0x3], $0x2000, $0x38;
	[tilespmem:$0x6800] =	vst v63  }
0x30: {  	_ =	swait.ge [sflag:s9], $0x2000  }
0x31: {  	s17 =	sadd.s32 $0x100, s17;
	[sflag:s9] =	ssyncset.done $0x0  }
0x32: {  	s19 =	sadd.s32 $0xFFFFFF80, s17;
	[sflag:s9] =	ssyncadd.s32 $0xFFFFE000  }
0x33: {  	[tilespmem:s12], [sflag:$0x2] =	stream.indirect.gather [hbm4b:s2+s10], $0x40, s19, s10, $0xb8;
	[tilespmem:$0x6800] =	vst v63  }
0x34: {  	_ =	swait.ge [sflag:s13], $0x2000  }
0x35: {  	[sflag:s13] =	ssyncset.done $0x0  }
0x36: {  	s18 =	sadd.s32 s18, s8;
	[sflag:s13] =	ssyncadd.s32 $0xFFFFE000  }
0x37: {  	[hbm4b:s18+s3] =	stream.linear.scatter [tilespmem:s11], [sflag:$0x3], $0x2000, $0x38;
	[tilespmem:$0x6800] =	vst v63  }
0x38: {  	_ =	swait.ge [sflag:s9], $0x2000  }
0x39: {  	[sflag:s9] =	ssyncset.done $0x0  }
0x3a: {  	[sflag:s9] =	ssyncadd.s32 $0xFFFFE000  }
0x3b: {  	[tilespmem:s11], [sflag:$0x1] =	stream.indirect.gather [hbm4b:s2+s10], $0x40, s17, s10, $0xb8;
	[tilespmem:$0x6800] =	vst v63  }
0x3c: {  	_ =	swait.ge [sflag:s14], $0x2000  }
0x3d: {  	[sflag:s14] =	ssyncset.done $0x0  }
0x3e: {  	s31 =	sadd.s32 $0x400, s18;
	[sflag:s14] =	ssyncadd.s32 $0xFFFFE000  }
0x3f: {  	[hbm4b:s31+s3] =	stream.linear.scatter [tilespmem:s12], [sflag:$0x3], $0x2000, $0x38;
	[tilespmem:$0x6800] =	vst v63  }
0x40: {  	_ =	swait.ge [sflag:s9], $0x2000  }
0x41: {  	[sflag:s9] =	ssyncset.done $0x0  }
0x42: {  	[sflag:s9] =	ssyncadd.s32 $0xFFFFE000  }
0x43: {  	[tilespmem:s12], [sflag:$0x2] =	stream.indirect.gather [hbm4b:s2+s10], $0x40, s15, s10, $0xb8;
	[tilespmem:$0x6800] =	vst v63  }
0x44: {  	_ =	swait.ge [sflag:s13], $0x2000  }
0x45: {  	[sflag:s13] =	ssyncset.done $0x0  }
0x46: {  	[sflag:s13] =	ssyncadd.s32 $0xFFFFE000  }
0x47: {  	[hbm4b:s6+s3] =	stream.linear.scatter [tilespmem:s11], [sflag:$0x3], $0x2000, $0x38;
	[tilespmem:$0x6800] =	vst v63  }
0x48: {  	_ =	swait.ge [sflag:s9], $0x2000  }
0x49: {  	[sflag:s9] =	ssyncset.done $0x0  }
0x4a: {  	[sflag:s9] =	ssyncadd.s32 $0xFFFFE000  }
0x4b: {  	s16 =	sadd.s32 $0x1, s16;
	_ =	swait.ge [sflag:s14], $0x2000  }
0x4c: {  	p0 =	sne.s32 s16, s5;
	[sflag:s14] =	ssyncset.done $0x0  }
.Ltmp1:
0x4d: {  	[sflag:s14] =	ssyncadd.s32 $0xFFFFE000;
	(pc) =	sbr.rel @p0 .LBB2_1-.Ltmp1, $4  }
0x4e: {  	[hbm4b:s7+s3] =	stream.linear.scatter [tilespmem:s12], [sflag:$0x3], $0x2000, $0x38;
	[tilespmem:$0x6800] =	vst v63  }
0x4f: {  	_ =	swait.ge [sflag:s9], $0x2000  }
0x50: {  	[sflag:s9] =	ssyncset.done $0x0  }
0x51: {  	[sflag:s9] =	ssyncadd.s32 $0xFFFFE000  }
0x52: {  	_ =	sfence.sel $0x180000  }
0x53: {  	[bflag:$0x0] =	sbarrier.arrive $0xFFFF  }
0x54: {  	p0 =	sne.s32 s0, $0x0;
	_ =	strace $0x9000004A  }
0x55: {  	s0 =	sadd.s32 @!p0 $0x100000, s1;
	[bflag:$0x2] =	sbarrier.arrive $0xFFFF  }
0x56: {  	[sflag:s0] =	ssyncadd.tile.s32 @!p0 $0x1;
	_ =	shalt  }
.Lfunc_end2:
_tile_overlayer_lowered:
.L_overlay_start_2:
0x57: {  	(tag) =	ssettag $0x2  }
0x58: {  	s0 =	rddreg [dreg:$0x0];
	s2 =	stileid.u32  }
0x59: {  	s1 =	rddreg [dreg:$0x1];
	p0 =	sne.s32 s2, $0x0  }
0x5a: {  	s3 =	rddreg [dreg:$0x2];
	[bflag:$0x3] =	sbarrier.arrive $0xFFFF;
	s2 =	simm.s32 @!p0 $0x1C03  }
0x5b: {  	[timem:s3], [sflag:s2] =	dma.local @!p0 [hbm:s0], s1  }
0x5c: {  	s0 =	simm.s32 @!p0 $0x3  }
0x5d: {  	_ =	swait.ge @!p0 [sflag:s0], s1  }
0x5e: {  	s1 =	ssub.s32 @!p0 $0x0, s1;
	[sflag:s0] =	ssyncset.done @!p0 $0x0  }
0x5f: {  	[sflag:s0] =	ssyncadd.s32 @!p0 s1  }
0x60: {  	[bflag:$0x3] =	sbarrier.arrive $0xFFFF  }
0x61: {  	_ =	shalt  }

// kernel: kernel.20.cloned.1.call-start
scs
__scs_entry_jumppad:
0x0: {  	(pc) =	sbr.rel $0x88, $3  }
0x1: {  	(tag) =	ssettag $0x0;
	lr =	simm.s32 $0x1  }
0x2: {  	[smem:$0x3F87] =	sst lr;
	_ =	strace $0xD0000000  }
0x3: {  	_ = 	snop  }
0x4: {  	_ = 	snop  }
0x5: {  	_ = 	snop  }
0x6: {  	_ = 	snop  }
0x7: {  	_ = 	snop  }
__scs_overlays_trampoline_lowered:
0x8: {  	[smem:$0x3F96] =	sst s0  }
0x9: {  	[smem:$0x3F97] =	sst s1  }
0xa: {  	[smem:$0x3F98] =	sst s2  }
0xb: {  	[smem:$0x3F99] =	sst s3  }
0xc: {  	[smem:$0x3F9A] =	sst s4  }
0xd: {  	[smem:$0x3F9B] =	sst s5  }
0xe: {  	[smem:$0x3F9C] =	sst s6  }
0xf: {  	[smem:$0x3F9D] =	sst s7  }
0x10: {  	[smem:$0x3F9E] =	sst s8  }
0x11: {  	[smem:$0x3F9F] =	sst s9;
	s0 =	simm.s32 @!p0 $0x0  }
0x12: {  	s1 =	sld [smem:$0x3F85];
	s0 =	simm.s32 @p0 $0x1  }
0x13: {  	[smem:$0x3FA0] =	sst s0;
	s0 =	simm.s32 @!p1 $0x0  }
0x14: {  	s2 =	sld [smem:$0x3F84];
	s0 =	simm.s32 @p1 $0x1  }
0x15: {  	[smem:$0x3FA1] =	sst s0;
	s0 =	simm.s32 @!p2 $0x0  }
0x16: {  	s3 =	sld [smem:$0x3FDB];
	s0 =	simm.s32 @p2 $0x1  }
0x17: {  	s4 =	simm.s32 $0x1BF5;
	[smem:$0x3FA3] =	sst s0  }
0x18: {  	s0 =	sld [smem:$0x3F86];
	_ =	swait.ge [sflag:s4], $0x0  }
0x19: {  	s7 =	sld [smem:$0x3F87]  }
0x1a: {  	s8 =	sadd.s32 $0xFFFFE003, lr  }
0x1b: {  	s9 =	sadd.s32 $0xFFFFFEF7, lr;
	s5 =	simm.s32 $0xFFFFFFFF;
	p2 =	slt.u32 s8, $0xFFFFF086  }
0x1c: {  	p1 =	slt.u32 s9, $0xF7A;
	s5 =	simm.s32 @!p2 $0x0  }
0x1d: {  	s5 =	simm.s32 @p1 $0x1;
	p0 =	seq.s32 s7, s2  }
0x1e: {  	s7 =	smul.u32 @!p0 $0xF7A, s2;
	p2 =	seq.s32 @!p0 s5, $0x0  }
0x1f: {  	s9 =	smul.u32 $0xF7A, s1;
	s8 =	simm.s32 @!p0 $0x1BF5;
	p2 =	por !p2, p0  }
0x20: {  	[sflag:s8] =	ssyncset.s32 @!p0 $0xFFFFF086;
	s6 =	sadd.s32 @!p0 s3, s7;
	s7 =	simm.s32 @!p0 $0x108  }
0x21: {  	s3 =	sadd.s32 s3, s9;
	s6 =	sadd.s32 @!p0 $0x88, s6;
	s7 =	simm.s32 @p2 $0x1082  }
0x22: {  	[simem:s7], [sflag:s8] =	dma.local @!p0 [hbm:s6], $0xF7A  }
0x23: {  	s9 =	sor.u32 $0xD0000000, s2;
	s6 =	simm.s32 $0x108;
	_ =	swait.ge @!p0 [sflag:s8], $0x0  }
0x24: {  	s3 =	sadd.s32 $0x88, s3;
	s6 =	simm.s32 @!p1 $0x1082;
	[sflag:s4] =	ssyncset.s32 $0xFFFFF086  }
0x25: {  	[simem:s6], [sflag:s4] =	dma.local [hbm:s3], $0xF7A  }
0x26: {  	[smem:$0x3F87] =	sst s1;
	(tag) =	ssettag s2;
	_ =	strace s9  }
0x27: {  	s1 =	sld [smem:$0x3F97]  }
0x28: {  	s2 =	sld [smem:$0x3F98]  }
0x29: {  	s4 =	sld [smem:$0x3F9A]  }
0x2a: {  	p0 =	seq.s32 s5, $0x0;
	s5 =	sld [smem:$0x3F9B]  }
0x2b: {  	s6 =	sld [smem:$0x3F9C]  }
0x2c: {  	s7 =	sld [smem:$0x3F9D]  }
0x2d: {  	s3 =	simm.s32 $0x108;
	s8 =	sld [smem:$0x3F9E]  }
0x2e: {  	s3 =	simm.s32 @!p0 $0x1082;
	s9 =	sld [smem:$0x3F9F]  }
0x2f: {  	lr =	sadd.s32 s0, s3;
	s0 =	sld [smem:$0x3F96]  }
0x30: {  	s3 =	sld [smem:$0x3F99]  }
0x31: {  	[smem:$0x3FA2] =	sst s10  }
0x32: {  	s10 =	sld [smem:$0x3FA0];
	_ =	sdelay $0x3  }
0x33: {  	p0 =	seq.s32 s10, $0x1;
	s10 =	sld [smem:$0x3FA2];
	_ =	sdelay $0x3  }
0x34: {  	[smem:$0x3FA2] =	sst s10  }
0x35: {  	s10 =	sld [smem:$0x3FA1];
	_ =	sdelay $0x3  }
0x36: {  	p1 =	seq.s32 s10, $0x1;
	s10 =	sld [smem:$0x3FA2];
	_ =	sdelay $0x3  }
0x37: {  	[smem:$0x3FA2] =	sst s10  }
0x38: {  	s10 =	sld [smem:$0x3FA3]  }
0x39: {  	_ = 	snop;
	(pc) =	sbr.ind lr, $3  }
0x3a: {  	_ = 	snop  }
0x3b: {  	_ = 	snop  }
0x3c: {  	p2 =	seq.s32 s10, $0x1;
	s10 =	sld [smem:$0x3FA2]  }
0x3d: {  	_ =	shalt  }
0x3e: {  	_ =	shalt  }
0x3f: {  	_ =	shalt  }
0x40: {  	_ =	shalt  }
0x41: {  	_ =	shalt  }
0x42: {  	_ =	shalt  }
0x43: {  	_ =	shalt  }
0x44: {  	_ =	shalt  }
0x45: {  	_ =	shalt  }
0x46: {  	_ =	shalt  }
0x47: {  	_ =	shalt  }
0x48: {  	_ =	shalt  }
0x49: {  	_ =	shalt  }
0x4a: {  	_ =	shalt  }
0x4b: {  	_ =	shalt  }
0x4c: {  	_ =	shalt  }
0x4d: {  	_ =	shalt  }
0x4e: {  	_ =	shalt  }
0x4f: {  	_ =	shalt  }
0x50: {  	_ =	shalt  }
0x51: {  	_ =	shalt  }
0x52: {  	_ =	shalt  }
0x53: {  	_ =	shalt  }
0x54: {  	_ =	shalt  }
0x55: {  	_ =	shalt  }
0x56: {  	_ =	shalt  }
0x57: {  	_ =	shalt  }
0x58: {  	_ =	shalt  }
0x59: {  	_ =	shalt  }
0x5a: {  	_ =	shalt  }
0x5b: {  	_ =	shalt  }
0x5c: {  	_ =	shalt  }
0x5d: {  	_ =	shalt  }
0x5e: {  	_ =	shalt  }
0x5f: {  	_ =	shalt  }
0x60: {  	_ =	shalt  }
0x61: {  	_ =	shalt  }
0x62: {  	_ =	shalt  }
0x63: {  	_ =	shalt  }
0x64: {  	_ =	shalt  }
0x65: {  	_ =	shalt  }
0x66: {  	_ =	shalt  }
0x67: {  	_ =	shalt  }
0x68: {  	_ =	shalt  }
0x69: {  	_ =	shalt  }
0x6a: {  	_ =	shalt  }
0x6b: {  	_ =	shalt  }
0x6c: {  	_ =	shalt  }
0x6d: {  	_ =	shalt  }
0x6e: {  	_ =	shalt  }
0x6f: {  	_ =	shalt  }
0x70: {  	_ =	shalt  }
0x71: {  	_ =	shalt  }
0x72: {  	_ =	shalt  }
0x73: {  	_ =	shalt  }
0x74: {  	_ =	shalt  }
0x75: {  	_ =	shalt  }
0x76: {  	_ =	shalt  }
0x77: {  	_ =	shalt  }
0x78: {  	_ =	shalt  }
0x79: {  	_ =	shalt  }
0x7a: {  	_ =	shalt  }
0x7b: {  	_ =	shalt  }
0x7c: {  	_ =	shalt  }
0x7d: {  	_ =	shalt  }
0x7e: {  	_ =	shalt  }
0x7f: {  	_ =	shalt  }
0x80: {  	_ =	shalt  }
0x81: {  	_ =	shalt  }
0x82: {  	_ =	shalt  }
0x83: {  	_ =	shalt  }
0x84: {  	_ =	shalt  }
0x85: {  	_ =	shalt  }
0x86: {  	_ =	shalt  }
0x87: {  	_ =	shalt  }
.Lfunc_end0:
.L_simem_size_0:
called_computation.2_lowered:
.L_overlay_start_0:
0x88: {  	s2 =	sld [smem:$0x3FD9]  }
0x89: {  	s3 =	sld [smem:$0x3FFE];
	_ =	sdelay $0x1  }
0x8a: {  	s1 =	srdreg.scid  }
0x8b: {  	s0 =	sand.u32 $0x1, s1  }
0x8c: {  	s14 =	sshll.u32 s0, $0xA;
	s2 =	sadd.s32 s3, s2  }
0x8d: {  	s2 =	sadd.s32 s2, s14  }
0x8e: {  	[smem:$0x3FAE] =	sst s2  }
0x8f: {  	_ = 	snop  }
0x90: {  	s2 =	sld [smem:$0x3FD0];
	_ =	sdelay $0x2  }
0x91: {  	s15 =	simm.s32 $0xA;
	s4 =	simm.s32 $0x10  }
0x92: {  	[smem:s4], [sflag:s15] =	dma.local [hbm:s2], $0x1  }
0x93: {  	_ =	swait.eq [sflag:s15], $0x1  }
0x94: {  	[sflag:s15] =	ssyncset.done $0x0  }
0x95: {  	[sflag:s15] =	ssyncadd.s32 $0xFFFFFFFF  }
0x96: {  	s16 =	sld [smem:$0x11];
	(tm) =	ssettm $0x1  }
0x97: {  	s17 =	sld [smem:$0x3FFB];
	_ =	sdelay $0x3  }
0x98: {  	_ =	strace s17  }
0x99: {  	s3 =	sld [smem:$0x3FFC];
	_ =	sdelay $0x3  }
0x9a: {  	_ =	strace s3  }
0x9b: {  	s3 =	sld [smem:$0x3FFD];
	_ =	sdelay $0x3  }
0x9c: {  	_ =	strace s3  }
0x9d: {  	_ =	strace $0x8FFFFFFF  }
0x9e: {  	s18 =	sld [smem:$0x3FDB];
	_ =	sdelay $0x1  }
0x9f: {  	s19 =	simm.s32 $_scs_section_size  }
0xa0: {  	s5 =	simm.s32 $_size__tile_overlayer_lowered;
	s6 =	simm.s32 $_tile_overlayer_lowered  }
0xa1: {  	s22 =	simm.s32 $0x1BFF;
	s21 =	sshll.u32 s6, $0x1;
	s3 =	sadd.s32 s19, s18  }
0xa2: {  	s7 =	simm.s32 $0x0;
	s20 =	sshll.u32 s5, $0x1;
	s5 =	sadd.s32 s21, s3  }
0xa3: {  	[timem:s7], [sflag:s22] =	dma.local [hbm:s5], s20  }
0xa4: {  	_ =	swait.ge [sflag:s22], s20  }
0xa5: {  	s4 =	ssub.s32 $0x0, s20;
	[sflag:s22] =	ssyncset.done $0x0  }
0xa6: {  	[sflag:s22] =	ssyncadd.s32 s4;
	_ =	sdelay $0x1  }
0xa7: {  	s23 =	simm.s32 $0x1B8B  }
0xa8: {  	_ =	swait.ge [sflag:s23], $0x1  }
0xa9: {  	[sflag:s23] =	ssyncset.done $0x0  }
0xaa: {  	s25 =	simm.s32 $0x1B8E;
	s24 =	sld [smem:$0x3FFE];
	[sflag:s23] =	ssyncadd.s32 $0xFFFFFFFF  }
0xab: {  	s26 =	simm.s32 $execute0_lowered;
	[smem:$0x3FD2] =	sst s25  }
0xac: {  	s5 =	sshll.u32 s26, $0x1;
	_ =	strace $0x8000004C;
	[dreg:$0x1] =	wrdreg $0xFFFFFFFF  }
0xad: {  	s28 =	simm.s32 $_size_execute0_lowered;
	s3 =	sadd.s32 s3, s5;
	[dreg:$0x0] =	wrdreg $0x0  }
0xae: {  	s5 =	sshll.u32 s28, $0x1;
	[dreg:$0x2] =	wrdreg s3  }
0xaf: {  	[dreg:$0x3] =	wrdreg s5  }
0xb0: {  	[dreg:$0x4] =	wrdreg $0xC0  }
0xb1: {  	_ =	task [dreg:s7], $0x5FFFF  }
0xb2: {  	[dreg:$0x1] =	wrdreg $0xFFFFFFFF  }
0xb3: {  	[dreg:$0x0] =	wrdreg $0x60  }
0xb4: {  	[dreg:$0x2] =	wrdreg s24  }
0xb5: {  	[dreg:$0x3] =	wrdreg s16  }
0xb6: {  	[dreg:$0x4] =	wrdreg $0x68000  }
0xb7: {  	[dreg:$0x5] =	wrdreg $0x9  }
0xb8: {  	_ =	task.clear_ibuf [dreg:s7], $0x6FFFF;
	_ =	strace $0x9000004C  }
0xb9: {  	s29 =	simm.s32 $0x9;
	_ =	strace $0x8000004E  }
0xba: {  	_ =	swait.ge [sflag:s29], $0x1  }
0xbb: {  	[sflag:s29] =	ssyncadd.s32 $0xFFFFFFFF  }
0xbc: {  	_ =	strace $0x9000004E  }
0xbd: {  	_ =	sfence  }
0xbe: {  	s30 =	sld [smem:$0x0];
	_ =	sdelay $0x2  }
0xbf: {  	s31 =	sshll.u32 s1, $0xD;
	s1 =	sshrl.u32 s1, $0x2  }
0xc0: {  	s3 =	sand.u32 $0x4000, s31;
	s1 =	sadd.s32 s1, s30  }
0xc1: {  	s0 =	sor.u32 s3, s0;
	s1 =	sshll.u32 s1, $0x11  }
0xc2: {  	s0 =	sor.u32 s1, s0  }
0xc3: {  	s0 =	sadd.s32 $0x8F2B, s0  }
0xc4: {  	[sflag:s0] =	ssyncadd.remote.s32 $0x1  }
0xc5: {  	_ =	sfence.sel $0xFFFF  }
0xc6: {  	[dreg:$0x0] =	wrdreg $0xFFFFFFFF;
	(pc) =	sbr.abs _section_cstart, $3  }
0xc7: {  	[dreg:$0x1] =	wrdreg $0xFFFFFFFF  }
0xc8: {  	_ =	task.clear_ibuf [dreg:s7], $0x2FFFF;
	_ =	strace $0x9FFFFFFF  }
0xc9: {  	(tm) =	ssettm $0x7FFFFFFF  }
tec
execute0_lowered:
.L_overlay_start_1:
0x0: {  	(tag) =	ssettag $0x1  }
0x1: {  	s5 =	rddreg [dreg:$0x0]  }
0x2: {  	s6 =	rddreg [dreg:$0x1]  }
0x3: {  	s0 =	srdreg.scid;
	s2 =	rddreg [dreg:$0x2]  }
0x4: {  	s3 =	simm.s32 $0x0;
	s15 =	simm.s32 $0x4800;
	s16 =	simm.s32 $0x1  }
0x5: {  	s17 =	simm.s32 $0x80;
	s4 =	sand.u32 $0x1, s0;
	s0 =	stileid.u32  }
0x6: {  	s18 =	simm.s32 $0x2;
	s19 =	simm.s32 $0x2700;
	s9 =	smul.u32 $0x1400, s0  }
0x7: {  	s20 =	simm.s32 $0x2780;
	s21 =	simm.s32 $0x0;
	s10 =	smul.u32 $0x14000, s4  }
0x8: {  	[smem:$0x7FF] =	sst s3;
	s12 =	sadd.s32 $0xC92400, s5;
	s11 =	smul.u32 $0xA000, s0  }
0x9: {  	s1 =	sshll.u32 s4, $0x4;
	s26 =	ssub.s32 $0x2, s4;
	s14 =	smul.u32 $0x140000, s4  }
0xa: {  	s30 =	sshll.u32 s0, $0x6;
	s31 =	smul.u32 $0x14000, s0;
	s7 =	sor.u32 s0, s1  }
0xb: {  	s1 =	rddreg [dreg:$0x3];
	_ =	strace $0x8000004D;
	s28 =	sshrl.u32 s26, $0x1  }
0xc: {  	s8 =	smul.u32 $0x500, s7;
	s9 =	sadd.s32 s9, s10;
	s10 =	ssub.s32 s26, s28  }
0xd: {  	s13 =	sadd.s32 s11, s2;
	s7 =	smul.u32 $0x14000, s7;
	s29 =	sshrl.u32 s11, $0x3  }
0xe: {  	s9 =	sadd.s32 s9, s5;
	s8 =	sadd.s32 s8, s5;
	s5 =	sor.u32 $0x1C03, s30  }
0xf: {  	s7 =	sadd.s32 s12, s7;
	s12 =	sadd.s32 s14, s12;
	s14 =	simm.s32 $0x2800  }
0x10: {  	s4 =	sadd.s32 s6, s29;
	s6 =	sadd.s32 $0x788400, s8;
	s8 =	sadd.s32 $0x530400, s9  }
0x11: {  	s9 =	smax.u32 s10, $0x1;
	s11 =	sadd.s32 s31, s12;
	s10 =	sadd.s32 $0x13C00, s7  }
0x12: {  	s12 =	sshrl.u32 s13, $0x3;
	s13 =	simm.s32 $0x3;
	s11 =	sadd.s32 $0x800, s11  }
.LBB2_1:
0x13: {  	[spmem:s12], [sflag:s5] =	dma.local [hbm:s4], $0x1400  }
0x14: {  	_ =	swait.ge [sflag:s13], $0x1400  }
0x15: {  	[sflag:s13] =	ssyncset.done $0x0  }
0x16: {  	[sflag:s13] =	ssyncadd.s32 $0xFFFFEC00  }
0x17: {  	[bflag:$0x0] =	sbarrier.arrive $0xFFFF  }
0x18: {  	[tilespmem:s3], [sflag:$0x3] =	stream.linear.gather [hbm4b:s6+s3], $0x2800, $0x38;
	[tilespmem:$0x10800] =	vst v63  }
0x19: {  	_ =	swait.ge [sflag:s13], $0x2800  }
0x1a: {  	[sflag:s13] =	ssyncset.done $0x0  }
0x1b: {  	[sflag:s13] =	ssyncadd.s32 $0xFFFFD800  }
0x1c: {  	[tilespmem:s14], [sflag:$0x1] =	stream.linear.gather [hbm4b:s7+s3], $0x2000, $0x38;
	[tilespmem:$0x10800] =	vst v63  }
0x1d: {  	s22 =	sadd.s32 $0xFFFFFC00, s11  }
0x1e: {  	[tilespmem:s15], [sflag:$0x2] =	stream.linear.gather [hbm4b:s22+s3], $0x2000, $0x38;
	[tilespmem:$0x10800] =	vst v63  }
0x1f: {  	_ =	swait.ge [sflag:s16], $0x2000  }
0x20: {  	[sflag:s16] =	ssyncset.done $0x0  }
0x21: {  	s30 =	simm.s32 $0x0;
	[sflag:s16] =	ssyncadd.s32 $0xFFFFE000  }
0x22: {  	[spmem:s2] =	stream.indirect.scatter.add.f32 [tilespmem:s14], [sflag:$0x3], $0x40, s30, s17, $0xb8;
	[tilespmem:$0x10800] =	vst v63  }
0x23: {  	_ =	swait.ge [sflag:s13], $0x2000  }
0x24: {  	[sflag:s13] =	ssyncset.done $0x0  }
0x25: {  	[sflag:s13] =	ssyncadd.s32 $0xFFFFE000  }
0x26: {  	[tilespmem:s14], [sflag:$0x1] =	stream.linear.gather [hbm4b:s11+s3], $0x2000, $0x38;
	[tilespmem:$0x10800] =	vst v63  }
0x27: {  	_ =	swait.ge [sflag:s18], $0x2000  }
0x28: {  	[sflag:s18] =	ssyncset.done $0x0  }
0x29: {  	s31 =	simm.s32 $0x80;
	[sflag:s18] =	ssyncadd.s32 $0xFFFFE000  }
0x2a: {  	[spmem:s2] =	stream.indirect.scatter.add.f32 [tilespmem:s15], [sflag:$0x3], $0x40, s31, s17, $0xb8;
	[tilespmem:$0x10800] =	vst v63  }
0x2b: {  	s23 =	simm.s32 $0x400;
	_ =	swait.ge [sflag:s13], $0x2000  }
0x2c: {  	s24 =	simm.s32 $0x800;
	s22 =	sadd.s32 $0x800, s11;
	[sflag:s13] =	ssyncset.done $0x0  }
.LBB2_2:
0x2d: {  	p0 =	sne.s32 s24, $0x9800;
	s25 =	sadd.s32 $0xFFFFFC00, s22;
	[sflag:s13] =	ssyncadd.s32 $0xFFFFE000  }
0x2e: {  	[tilespmem:s15], [sflag:$0x2] =	stream.linear.gather [hbm4b:s25+s3], $0x2000, $0x38;
	[tilespmem:$0x10800] =	vst v63  }
0x2f: {  	s25 =	smov.u32 s24;
	s24 =	sadd.s32 $0x400, s24;
	_ =	swait.ge [sflag:s16], $0x2000  }
0x30: {  	[sflag:s16] =	ssyncset.done $0x0  }
0x31: {  	s26 =	sshra.s32 s23, $0x2;
	s23 =	smov.u32 s25;
	[sflag:s16] =	ssyncadd.s32 $0xFFFFE000  }
0x32: {  	[spmem:s2] =	stream.indirect.scatter.add.f32 [tilespmem:s14], [sflag:$0x3], $0x40, s26, s17, $0xb8;
	[tilespmem:$0x10800] =	vst v63  }
0x33: {  	_ =	swait.ge [sflag:s13], $0x2000  }
0x34: {  	[sflag:s13] =	ssyncset.done $0x0  }
0x35: {  	[sflag:s13] =	ssyncadd.s32 $0xFFFFE000  }
0x36: {  	[tilespmem:s14], [sflag:$0x1] =	stream.linear.gather [hbm4b:s22+s3], $0x2000, $0x38;
	[tilespmem:$0x10800] =	vst v63  }
0x37: {  	_ =	swait.ge [sflag:s18], $0x2000  }
.Ltmp0:
0x38: {  	[sflag:s18] =	ssyncset.done $0x0;
	(pc) =	sbr.rel @p0 .LBB2_2-.Ltmp0, $4  }
0x39: {  	s25 =	sadd.s32 $0x80, s26;
	[sflag:s18] =	ssyncadd.s32 $0xFFFFE000  }
0x3a: {  	[spmem:s2] =	stream.indirect.scatter.add.f32 [tilespmem:s15], [sflag:$0x3], $0x40, s25, s17, $0xb8;
	[tilespmem:$0x10800] =	vst v63  }
0x3b: {  	_ =	swait.ge [sflag:s13], $0x2000  }
0x3c: {  	s22 =	sadd.s32 $0x800, s22;
	[sflag:s13] =	ssyncset.done $0x0  }
0x3d: {  	s24 =	sadd.s32 $0xFFFFFC00, s22;
	[sflag:s13] =	ssyncadd.s32 $0xFFFFE000  }
0x3e: {  	[tilespmem:s15], [sflag:$0x2] =	stream.linear.gather [hbm4b:s24+s3], $0x2000, $0x38;
	[tilespmem:$0x10800] =	vst v63  }
0x3f: {  	_ =	swait.ge [sflag:s16], $0x2000  }
0x40: {  	[sflag:s16] =	ssyncset.done $0x0  }
0x41: {  	s23 =	sshra.s32 s23, $0x2;
	[sflag:s16] =	ssyncadd.s32 $0xFFFFE000  }
0x42: {  	[spmem:s2] =	stream.indirect.scatter.add.f32 [tilespmem:s14], [sflag:$0x3], $0x40, s23, s17, $0xb8;
	[tilespmem:$0x10800] =	vst v63  }
0x43: {  	_ =	swait.ge [sflag:s13], $0x2000  }
0x44: {  	[sflag:s13] =	ssyncset.done $0x0  }
0x45: {  	[sflag:s13] =	ssyncadd.s32 $0xFFFFE000  }
0x46: {  	[tilespmem:s14], [sflag:$0x1] =	stream.linear.gather [hbm4b:s22+s3], $0x2000, $0x38;
	[tilespmem:$0x10800] =	vst v63  }
0x47: {  	_ =	swait.ge [sflag:s18], $0x2000  }
0x48: {  	[sflag:s18] =	ssyncset.done $0x0  }
0x49: {  	s31 =	sadd.s32 $0x80, s23;
	[sflag:s18] =	ssyncadd.s32 $0xFFFFE000  }
0x4a: {  	[spmem:s2] =	stream.indirect.scatter.add.f32 [tilespmem:s15], [sflag:$0x3], $0x40, s31, s17, $0xb8;
	[tilespmem:$0x10800] =	vst v63  }
0x4b: {  	_ =	swait.ge [sflag:s13], $0x2000  }
0x4c: {  	[sflag:s13] =	ssyncset.done $0x0  }
0x4d: {  	[sflag:s13] =	ssyncadd.s32 $0xFFFFE000  }
0x4e: {  	[tilespmem:s15], [sflag:$0x2] =	stream.linear.gather [hbm4b:s10+s3], $0x2000, $0x38;
	[tilespmem:$0x10800] =	vst v63  }
0x4f: {  	_ =	swait.ge [sflag:s16], $0x2000  }
0x50: {  	[sflag:s16] =	ssyncset.done $0x0  }
0x51: {  	[sflag:s16] =	ssyncadd.s32 $0xFFFFE000  }
0x52: {  	[spmem:s2] =	stream.indirect.scatter.add.f32 [tilespmem:s14], [sflag:$0x3], $0x40, s19, s17, $0xb8;
	[tilespmem:$0x10800] =	vst v63  }
0x53: {  	_ =	swait.ge [sflag:s13], $0x2000  }
0x54: {  	[sflag:s13] =	ssyncset.done $0x0  }
0x55: {  	[sflag:s13] =	ssyncadd.s32 $0xFFFFE000  }
0x56: {  	_ =	swait.ge [sflag:s18], $0x2000  }
0x57: {  	[sflag:s18] =	ssyncset.done $0x0  }
0x58: {  	[sflag:s18] =	ssyncadd.s32 $0xFFFFE000  }
0x59: {  	[spmem:s2] =	stream.indirect.scatter.add.f32 [tilespmem:s15], [sflag:$0x3], $0x40, s20, s17, $0xb8;
	[tilespmem:$0x10800] =	vst v63  }
0x5a: {  	_ =	swait.ge [sflag:s13], $0x2000  }
0x5b: {  	s21 =	sadd.s32 $0x1, s21;
	[sflag:s13] =	ssyncset.done $0x0  }
0x5c: {  	p0 =	sne.s32 s21, s9;
	[sflag:s13] =	ssyncadd.s32 $0xFFFFE000  }
.Ltmp1:
0x5d: {  	[bflag:$0x0] =	sbarrier.arrive $0xFFFF;
	(pc) =	sbr.rel @p0 .LBB2_1-.Ltmp1, $4  }
0x5e: {  	[hbm:s8], [sflag:s5] =	dma.local [spmem:s12], $0x1400  }
0x5f: {  	_ =	swait.ge [sflag:s13], $0x1400  }
0x60: {  	[sflag:s13] =	ssyncset.done $0x0  }
0x61: {  	[sflag:s13] =	ssyncadd.s32 $0xFFFFEC00  }
0x62: {  	_ =	sfence.sel $0x180000  }
0x63: {  	[bflag:$0x0] =	sbarrier.arrive $0xFFFF  }
0x64: {  	p0 =	sne.s32 s0, $0x0;
	_ =	strace $0x9000004D  }
0x65: {  	s0 =	sadd.s32 @!p0 $0x100000, s1;
	[bflag:$0x2] =	sbarrier.arrive $0xFFFF  }
0x66: {  	[sflag:s0] =	ssyncadd.tile.s32 @!p0 $0x1;
	_ =	shalt  }
.Lfunc_end2:
_tile_overlayer_lowered:
.L_overlay_start_2:
0x67: {  	(tag) =	ssettag $0x2  }
0x68: {  	s0 =	rddreg [dreg:$0x0];
	s2 =	stileid.u32  }
0x69: {  	s1 =	rddreg [dreg:$0x1];
	p0 =	sne.s32 s2, $0x0  }
0x6a: {  	s3 =	rddreg [dreg:$0x2];
	[bflag:$0x3] =	sbarrier.arrive $0xFFFF;
	s2 =	simm.s32 @!p0 $0x1C03  }
0x6b: {  	[timem:s3], [sflag:s2] =	dma.local @!p0 [hbm:s0], s1  }
0x6c: {  	s0 =	simm.s32 @!p0 $0x3  }
0x6d: {  	_ =	swait.ge @!p0 [sflag:s0], s1  }
0x6e: {  	s1 =	ssub.s32 @!p0 $0x0, s1;
	[sflag:s0] =	ssyncset.done @!p0 $0x0  }
0x6f: {  	[sflag:s0] =	ssyncadd.s32 @!p0 s1  }
0x70: {  	[bflag:$0x3] =	sbarrier.arrive $0xFFFF  }
0x71: {  	_ =	shalt  }

// kernel: kernel.23.cloned.1.call-start
scs
__scs_entry_jumppad:
0x0: {  	(pc) =	sbr.rel $0x88, $3  }
0x1: {  	(tag) =	ssettag $0x0;
	lr =	simm.s32 $0x1  }
0x2: {  	[smem:$0x3F87] =	sst lr;
	_ =	strace $0xD0000000  }
0x3: {  	_ = 	snop  }
0x4: {  	_ = 	snop  }
0x5: {  	_ = 	snop  }
0x6: {  	_ = 	snop  }
0x7: {  	_ = 	snop  }
__scs_overlays_trampoline_lowered:
0x8: {  	[smem:$0x3F96] =	sst s0  }
0x9: {  	[smem:$0x3F97] =	sst s1  }
0xa: {  	[smem:$0x3F98] =	sst s2  }
0xb: {  	[smem:$0x3F99] =	sst s3  }
0xc: {  	[smem:$0x3F9A] =	sst s4  }
0xd: {  	[smem:$0x3F9B] =	sst s5  }
0xe: {  	[smem:$0x3F9C] =	sst s6  }
0xf: {  	[smem:$0x3F9D] =	sst s7  }
0x10: {  	[smem:$0x3F9E] =	sst s8  }
0x11: {  	[smem:$0x3F9F] =	sst s9;
	s0 =	simm.s32 @!p0 $0x0  }
0x12: {  	s1 =	sld [smem:$0x3F85];
	s0 =	simm.s32 @p0 $0x1  }
0x13: {  	[smem:$0x3FA0] =	sst s0;
	s0 =	simm.s32 @!p1 $0x0  }
0x14: {  	s2 =	sld [smem:$0x3F84];
	s0 =	simm.s32 @p1 $0x1  }
0x15: {  	[smem:$0x3FA1] =	sst s0;
	s0 =	simm.s32 @!p2 $0x0  }
0x16: {  	s3 =	sld [smem:$0x3FDB];
	s0 =	simm.s32 @p2 $0x1  }
0x17: {  	s4 =	simm.s32 $0x1BF5;
	[smem:$0x3FA3] =	sst s0  }
0x18: {  	s0 =	sld [smem:$0x3F86];
	_ =	swait.ge [sflag:s4], $0x0  }
0x19: {  	s7 =	sld [smem:$0x3F87]  }
0x1a: {  	s8 =	sadd.s32 $0xFFFFE003, lr  }
0x1b: {  	s9 =	sadd.s32 $0xFFFFFEF7, lr;
	s5 =	simm.s32 $0xFFFFFFFF;
	p2 =	slt.u32 s8, $0xFFFFF086  }
0x1c: {  	p1 =	slt.u32 s9, $0xF7A;
	s5 =	simm.s32 @!p2 $0x0  }
0x1d: {  	s5 =	simm.s32 @p1 $0x1;
	p0 =	seq.s32 s7, s2  }
0x1e: {  	s7 =	smul.u32 @!p0 $0xF7A, s2;
	p2 =	seq.s32 @!p0 s5, $0x0  }
0x1f: {  	s9 =	smul.u32 $0xF7A, s1;
	s8 =	simm.s32 @!p0 $0x1BF5;
	p2 =	por !p2, p0  }
0x20: {  	[sflag:s8] =	ssyncset.s32 @!p0 $0xFFFFF086;
	s6 =	sadd.s32 @!p0 s3, s7;
	s7 =	simm.s32 @!p0 $0x108  }
0x21: {  	s3 =	sadd.s32 s3, s9;
	s6 =	sadd.s32 @!p0 $0x88, s6;
	s7 =	simm.s32 @p2 $0x1082  }
0x22: {  	[simem:s7], [sflag:s8] =	dma.local @!p0 [hbm:s6], $0xF7A  }
0x23: {  	s9 =	sor.u32 $0xD0000000, s2;
	s6 =	simm.s32 $0x108;
	_ =	swait.ge @!p0 [sflag:s8], $0x0  }
0x24: {  	s3 =	sadd.s32 $0x88, s3;
	s6 =	simm.s32 @!p1 $0x1082;
	[sflag:s4] =	ssyncset.s32 $0xFFFFF086  }
0x25: {  	[simem:s6], [sflag:s4] =	dma.local [hbm:s3], $0xF7A  }
0x26: {  	[smem:$0x3F87] =	sst s1;
	(tag) =	ssettag s2;
	_ =	strace s9  }
0x27: {  	s1 =	sld [smem:$0x3F97]  }
0x28: {  	s2 =	sld [smem:$0x3F98]  }
0x29: {  	s4 =	sld [smem:$0x3F9A]  }
0x2a: {  	p0 =	seq.s32 s5, $0x0;
	s5 =	sld [smem:$0x3F9B]  }
0x2b: {  	s6 =	sld [smem:$0x3F9C]  }
0x2c: {  	s7 =	sld [smem:$0x3F9D]  }
0x2d: {  	s3 =	simm.s32 $0x108;
	s8 =	sld [smem:$0x3F9E]  }
0x2e: {  	s3 =	simm.s32 @!p0 $0x1082;
	s9 =	sld [smem:$0x3F9F]  }
0x2f: {  	lr =	sadd.s32 s0, s3;
	s0 =	sld [smem:$0x3F96]  }
0x30: {  	s3 =	sld [smem:$0x3F99]  }
0x31: {  	[smem:$0x3FA2] =	sst s10  }
0x32: {  	s10 =	sld [smem:$0x3FA0];
	_ =	sdelay $0x3  }
0x33: {  	p0 =	seq.s32 s10, $0x1;
	s10 =	sld [smem:$0x3FA2];
	_ =	sdelay $0x3  }
0x34: {  	[smem:$0x3FA2] =	sst s10  }
0x35: {  	s10 =	sld [smem:$0x3FA1];
	_ =	sdelay $0x3  }
0x36: {  	p1 =	seq.s32 s10, $0x1;
	s10 =	sld [smem:$0x3FA2];
	_ =	sdelay $0x3  }
0x37: {  	[smem:$0x3FA2] =	sst s10  }
0x38: {  	s10 =	sld [smem:$0x3FA3]  }
0x39: {  	_ = 	snop;
	(pc) =	sbr.ind lr, $3  }
0x3a: {  	_ = 	snop  }
0x3b: {  	_ = 	snop  }
0x3c: {  	p2 =	seq.s32 s10, $0x1;
	s10 =	sld [smem:$0x3FA2]  }
0x3d: {  	_ =	shalt  }
0x3e: {  	_ =	shalt  }
0x3f: {  	_ =	shalt  }
0x40: {  	_ =	shalt  }
0x41: {  	_ =	shalt  }
0x42: {  	_ =	shalt  }
0x43: {  	_ =	shalt  }
0x44: {  	_ =	shalt  }
0x45: {  	_ =	shalt  }
0x46: {  	_ =	shalt  }
0x47: {  	_ =	shalt  }
0x48: {  	_ =	shalt  }
0x49: {  	_ =	shalt  }
0x4a: {  	_ =	shalt  }
0x4b: {  	_ =	shalt  }
0x4c: {  	_ =	shalt  }
0x4d: {  	_ =	shalt  }
0x4e: {  	_ =	shalt  }
0x4f: {  	_ =	shalt  }
0x50: {  	_ =	shalt  }
0x51: {  	_ =	shalt  }
0x52: {  	_ =	shalt  }
0x53: {  	_ =	shalt  }
0x54: {  	_ =	shalt  }
0x55: {  	_ =	shalt  }
0x56: {  	_ =	shalt  }
0x57: {  	_ =	shalt  }
0x58: {  	_ =	shalt  }
0x59: {  	_ =	shalt  }
0x5a: {  	_ =	shalt  }
0x5b: {  	_ =	shalt  }
0x5c: {  	_ =	shalt  }
0x5d: {  	_ =	shalt  }
0x5e: {  	_ =	shalt  }
0x5f: {  	_ =	shalt  }
0x60: {  	_ =	shalt  }
0x61: {  	_ =	shalt  }
0x62: {  	_ =	shalt  }
0x63: {  	_ =	shalt  }
0x64: {  	_ =	shalt  }
0x65: {  	_ =	shalt  }
0x66: {  	_ =	shalt  }
0x67: {  	_ =	shalt  }
0x68: {  	_ =	shalt  }
0x69: {  	_ =	shalt  }
0x6a: {  	_ =	shalt  }
0x6b: {  	_ =	shalt  }
0x6c: {  	_ =	shalt  }
0x6d: {  	_ =	shalt  }
0x6e: {  	_ =	shalt  }
0x6f: {  	_ =	shalt  }
0x70: {  	_ =	shalt  }
0x71: {  	_ =	shalt  }
0x72: {  	_ =	shalt  }
0x73: {  	_ =	shalt  }
0x74: {  	_ =	shalt  }
0x75: {  	_ =	shalt  }
0x76: {  	_ =	shalt  }
0x77: {  	_ =	shalt  }
0x78: {  	_ =	shalt  }
0x79: {  	_ =	shalt  }
0x7a: {  	_ =	shalt  }
0x7b: {  	_ =	shalt  }
0x7c: {  	_ =	shalt  }
0x7d: {  	_ =	shalt  }
0x7e: {  	_ =	shalt  }
0x7f: {  	_ =	shalt  }
0x80: {  	_ =	shalt  }
0x81: {  	_ =	shalt  }
0x82: {  	_ =	shalt  }
0x83: {  	_ =	shalt  }
0x84: {  	_ =	shalt  }
0x85: {  	_ =	shalt  }
0x86: {  	_ =	shalt  }
0x87: {  	_ =	shalt  }
.Lfunc_end0:
.L_simem_size_0:
called_computation.3_lowered:
.L_overlay_start_0:
0x88: {  	s2 =	sld [smem:$0x3FD9]  }
0x89: {  	s3 =	sld [smem:$0x3FFE];
	_ =	sdelay $0x1  }
0x8a: {  	s1 =	srdreg.scid  }
0x8b: {  	s0 =	sand.u32 $0x1, s1  }
0x8c: {  	s14 =	sshll.u32 s0, $0xA;
	s2 =	sadd.s32 s3, s2  }
0x8d: {  	s2 =	sadd.s32 s2, s14  }
0x8e: {  	[smem:$0x3FAE] =	sst s2  }
0x8f: {  	_ = 	snop  }
0x90: {  	s2 =	sld [smem:$0x3FD0];
	_ =	sdelay $0x2  }
0x91: {  	s15 =	simm.s32 $0xA;
	s4 =	simm.s32 $0x10  }
0x92: {  	[smem:s4], [sflag:s15] =	dma.local [hbm:s2], $0x1  }
0x93: {  	_ =	swait.eq [sflag:s15], $0x1  }
0x94: {  	[sflag:s15] =	ssyncset.done $0x0  }
0x95: {  	[sflag:s15] =	ssyncadd.s32 $0xFFFFFFFF  }
0x96: {  	s16 =	sld [smem:$0x10];
	(tm) =	ssettm $0x1  }
0x97: {  	s17 =	sld [smem:$0x3FFB];
	_ =	sdelay $0x3  }
0x98: {  	_ =	strace s17  }
0x99: {  	s3 =	sld [smem:$0x3FFC];
	_ =	sdelay $0x3  }
0x9a: {  	_ =	strace s3  }
0x9b: {  	s3 =	sld [smem:$0x3FFD];
	_ =	sdelay $0x3  }
0x9c: {  	_ =	strace s3  }
0x9d: {  	_ =	strace $0x8FFFFFFF  }
0x9e: {  	s18 =	sld [smem:$0x3FDB];
	_ =	sdelay $0x1  }
0x9f: {  	s19 =	simm.s32 $_scs_section_size  }
0xa0: {  	s5 =	simm.s32 $_size__tile_overlayer_lowered;
	s6 =	simm.s32 $_tile_overlayer_lowered  }
0xa1: {  	s22 =	simm.s32 $0x1BFF;
	s21 =	sshll.u32 s6, $0x1;
	s3 =	sadd.s32 s19, s18  }
0xa2: {  	s7 =	simm.s32 $0x0;
	s20 =	sshll.u32 s5, $0x1;
	s5 =	sadd.s32 s21, s3  }
0xa3: {  	[timem:s7], [sflag:s22] =	dma.local [hbm:s5], s20  }
0xa4: {  	_ =	swait.ge [sflag:s22], s20  }
0xa5: {  	s4 =	ssub.s32 $0x0, s20;
	[sflag:s22] =	ssyncset.done $0x0  }
0xa6: {  	[sflag:s22] =	ssyncadd.s32 s4;
	_ =	sdelay $0x1  }
0xa7: {  	s23 =	simm.s32 $0x1B8B  }
0xa8: {  	_ =	swait.ge [sflag:s23], $0x1  }
0xa9: {  	[sflag:s23] =	ssyncset.done $0x0  }
0xaa: {  	s25 =	simm.s32 $0x1B8E;
	s24 =	sld [smem:$0x3FFE];
	[sflag:s23] =	ssyncadd.s32 $0xFFFFFFFF  }
0xab: {  	s26 =	simm.s32 $execute0_lowered;
	[smem:$0x3FD2] =	sst s25  }
0xac: {  	s5 =	sshll.u32 s26, $0x1;
	_ =	strace $0x8000004F;
	[dreg:$0x1] =	wrdreg $0xFFFFFFFF  }
0xad: {  	s28 =	simm.s32 $_size_execute0_lowered;
	s3 =	sadd.s32 s3, s5;
	[dreg:$0x0] =	wrdreg $0x0  }
0xae: {  	s5 =	sshll.u32 s28, $0x1;
	[dreg:$0x2] =	wrdreg s3  }
0xaf: {  	[dreg:$0x3] =	wrdreg s5  }
0xb0: {  	[dreg:$0x4] =	wrdreg $0xC0  }
0xb1: {  	_ =	task [dreg:s7], $0x5FFFF  }
0xb2: {  	[dreg:$0x1] =	wrdreg $0xFFFFFFFF  }
0xb3: {  	[dreg:$0x0] =	wrdreg $0x60  }
0xb4: {  	[dreg:$0x2] =	wrdreg s16  }
0xb5: {  	[dreg:$0x3] =	wrdreg s24  }
0xb6: {  	[dreg:$0x4] =	wrdreg $0x9  }
0xb7: {  	_ =	task.clear_ibuf [dreg:s7], $0x5FFFF;
	_ =	strace $0x9000004F  }
0xb8: {  	s29 =	simm.s32 $0x9;
	_ =	strace $0x80000051  }
0xb9: {  	_ =	swait.ge [sflag:s29], $0x1  }
0xba: {  	[sflag:s29] =	ssyncadd.s32 $0xFFFFFFFF  }
0xbb: {  	_ =	strace $0x90000051  }
0xbc: {  	_ =	sfence  }
0xbd: {  	s30 =	sld [smem:$0x0];
	_ =	sdelay $0x2  }
0xbe: {  	s31 =	sshll.u32 s1, $0xD;
	s1 =	sshrl.u32 s1, $0x2  }
0xbf: {  	s3 =	sand.u32 $0x4000, s31;
	s1 =	sadd.s32 s1, s30  }
0xc0: {  	s0 =	sor.u32 s3, s0;
	s1 =	sshll.u32 s1, $0x11  }
0xc1: {  	s0 =	sor.u32 s1, s0  }
0xc2: {  	s0 =	sadd.s32 $0x8F2B, s0  }
0xc3: {  	[sflag:s0] =	ssyncadd.remote.s32 $0x1  }
0xc4: {  	_ =	sfence.sel $0xFFFF  }
0xc5: {  	[dreg:$0x0] =	wrdreg $0xFFFFFFFF;
	(pc) =	sbr.abs _section_cstart, $3  }
0xc6: {  	[dreg:$0x1] =	wrdreg $0xFFFFFFFF  }
0xc7: {  	_ =	task.clear_ibuf [dreg:s7], $0x2FFFF;
	_ =	strace $0x9FFFFFFF  }
0xc8: {  	(tm) =	ssettm $0x7FFFFFFF  }
0xc9: {  	_ =	shalt  }
tec
execute0_lowered:
.L_overlay_start_1:
0x0: {  	(tag) =	ssettag $0x1  }
0x1: {  	s0 =	srdreg.scid;
	s2 =	rddreg [dreg:$0x0]  }
0x2: {  	s4 =	rddreg [dreg:$0x1];
	s3 =	simm.s32 $0x0;
	s11 =	simm.s32 $0x2800  }
0x3: {  	s12 =	simm.s32 $0x4800;
	s13 =	simm.s32 $0x1;
	s14 =	simm.s32 $0x2  }
0x4: {  	s15 =	simm.s32 $0x2780;
	s16 =	simm.s32 $0x0;
	s5 =	sand.u32 $0x1, s0  }
0x5: {  	s0 =	stileid.u32;
	s1 =	sshll.u32 s5, $0x4;
	s10 =	smul.u32 $0x140000, s5  }
0x6: {  	s8 =	ssub.s32 $0x2, s5;
	s31 =	smul.u32 $0x14000, s0;
	s6 =	sor.u32 s0, s1  }
0x7: {  	[smem:$0x7FF] =	sst s3;
	s29 =	sshrl.u32 s8, $0x1;
	s7 =	smul.u32 $0x500, s6  }
0x8: {  	s9 =	sadd.s32 $0x792400, s4;
	s6 =	smul.u32 $0x14000, s6;
	s8 =	ssub.s32 s8, s29  }
0x9: {  	s1 =	rddreg [dreg:$0x2];
	_ =	strace $0x80000050;
	s5 =	smax.u32 s8, $0x1  }
0xa: {  	s7 =	sadd.s32 s7, s4;
	s30 =	sadd.s32 s9, s6;
	s9 =	sadd.s32 s10, s9  }
0xb: {  	s10 =	simm.s32 $0x80;
	s4 =	sadd.s32 $0x788400, s7;
	s6 =	sadd.s32 $0x13800, s30  }
0xc: {  	s7 =	sadd.s32 $0x13C00, s30;
	s8 =	sadd.s32 s31, s9;
	s9 =	simm.s32 $0x3  }
.LBB2_1:
0xd: {  	[tilespmem:s3], [sflag:$0x3] =	stream.linear.gather [hbm4b:s4+s3], $0x2800, $0x38;
	[tilespmem:$0x6800] =	vst v63  }
0xe: {  	_ =	swait.ge [sflag:s9], $0x2800  }
0xf: {  	[sflag:s9] =	ssyncset.done $0x0  }
0x10: {  	[sflag:s9] =	ssyncadd.s32 $0xFFFFD800  }
0x11: {  	[tilespmem:s11], [sflag:$0x1] =	stream.indirect.gather [hbm4b:s2+s10], $0x40, s3, s10, $0xb8;
	[tilespmem:$0x6800] =	vst v63  }
0x12: {  	s17 =	simm.s32 $0x80  }
0x13: {  	[tilespmem:s12], [sflag:$0x2] =	stream.indirect.gather [hbm4b:s2+s10], $0x40, s17, s10, $0xb8;
	[tilespmem:$0x6800] =	vst v63  }
0x14: {  	_ =	swait.ge [sflag:s13], $0x2000  }
0x15: {  	[sflag:s13] =	ssyncset.done $0x0  }
0x16: {  	s31 =	sadd.s32 $0x0, s8;
	[sflag:s13] =	ssyncadd.s32 $0xFFFFE000  }
0x17: {  	[hbm4b:s31+s3] =	stream.linear.scatter [tilespmem:s11], [sflag:$0x3], $0x2000, $0x38;
	[tilespmem:$0x6800] =	vst v63  }
0x18: {  	_ =	swait.ge [sflag:s9], $0x2000  }
0x19: {  	[sflag:s9] =	ssyncset.done $0x0  }
0x1a: {  	s18 =	simm.s32 $0x100;
	[sflag:s9] =	ssyncadd.s32 $0xFFFFE000  }
0x1b: {  	[tilespmem:s11], [sflag:$0x1] =	stream.indirect.gather [hbm4b:s2+s10], $0x40, s18, s10, $0xb8;
	[tilespmem:$0x6800] =	vst v63  }
0x1c: {  	_ =	swait.ge [sflag:s14], $0x2000  }
0x1d: {  	[sflag:s14] =	ssyncset.done $0x0  }
0x1e: {  	s17 =	sadd.s32 $0x400, s31;
	[sflag:s14] =	ssyncadd.s32 $0xFFFFE000  }
0x1f: {  	[hbm4b:s17+s3] =	stream.linear.scatter [tilespmem:s12], [sflag:$0x3], $0x2000, $0x38;
	[tilespmem:$0x6800] =	vst v63  }
0x20: {  	s19 =	simm.s32 $0x1000;
	_ =	swait.ge [sflag:s9], $0x2000  }
0x21: {  	s18 =	simm.s32 $0x800;
	s17 =	simm.s32 $0x200;
	[sflag:s9] =	ssyncset.done $0x0  }
.LBB2_2:
0x22: {  	p0 =	sne.s32 s19, $0x13000;
	s20 =	sadd.s32 $0xFFFFFF80, s17;
	[sflag:s9] =	ssyncadd.s32 $0xFFFFE000  }
0x23: {  	[tilespmem:s12], [sflag:$0x2] =	stream.indirect.gather [hbm4b:s2+s10], $0x40, s20, s10, $0xb8;
	[tilespmem:$0x6800] =	vst v63  }
0x24: {  	s20 =	smov.u32 s19;
	s19 =	sadd.s32 $0x800, s19;
	_ =	swait.ge [sflag:s13], $0x2000  }
0x25: {  	[sflag:s13] =	ssyncset.done $0x0  }
0x26: {  	s21 =	sadd.s32 s18, s8;
	s18 =	smov.u32 s20;
	[sflag:s13] =	ssyncadd.s32 $0xFFFFE000  }
0x27: {  	[hbm4b:s21+s3] =	stream.linear.scatter [tilespmem:s11], [sflag:$0x3], $0x2000, $0x38;
	[tilespmem:$0x6800] =	vst v63  }
0x28: {  	_ =	swait.ge [sflag:s9], $0x2000  }
0x29: {  	[sflag:s9] =	ssyncset.done $0x0  }
0x2a: {  	[sflag:s9] =	ssyncadd.s32 $0xFFFFE000  }
0x2b: {  	[tilespmem:s11], [sflag:$0x1] =	stream.indirect.gather [hbm4b:s2+s10], $0x40, s17, s10, $0xb8;
	[tilespmem:$0x6800] =	vst v63  }
0x2c: {  	_ =	swait.ge [sflag:s14], $0x2000  }
.Ltmp0:
0x2d: {  	[sflag:s14] =	ssyncset.done $0x0;
	(pc) =	sbr.rel @p0 .LBB2_2-.Ltmp0, $4  }
0x2e: {  	s20 =	sadd.s32 $0x400, s21;
	[sflag:s14] =	ssyncadd.s32 $0xFFFFE000  }
0x2f: {  	[hbm4b:s20+s3] =	stream.linear.scatter [tilespmem:s12], [sflag:$0x3], $0x2000, $0x38;
	[tilespmem:$0x6800] =	vst v63  }
0x30: {  	_ =	swait.ge [sflag:s9], $0x2000  }
0x31: {  	s17 =	sadd.s32 $0x100, s17;
	[sflag:s9] =	ssyncset.done $0x0  }
0x32: {  	s19 =	sadd.s32 $0xFFFFFF80, s17;
	[sflag:s9] =	ssyncadd.s32 $0xFFFFE000  }
0x33: {  	[tilespmem:s12], [sflag:$0x2] =	stream.indirect.gather [hbm4b:s2+s10], $0x40, s19, s10, $0xb8;
	[tilespmem:$0x6800] =	vst v63  }
0x34: {  	_ =	swait.ge [sflag:s13], $0x2000  }
0x35: {  	[sflag:s13] =	ssyncset.done $0x0  }
0x36: {  	s18 =	sadd.s32 s18, s8;
	[sflag:s13] =	ssyncadd.s32 $0xFFFFE000  }
0x37: {  	[hbm4b:s18+s3] =	stream.linear.scatter [tilespmem:s11], [sflag:$0x3], $0x2000, $0x38;
	[tilespmem:$0x6800] =	vst v63  }
0x38: {  	_ =	swait.ge [sflag:s9], $0x2000  }
0x39: {  	[sflag:s9] =	ssyncset.done $0x0  }
0x3a: {  	[sflag:s9] =	ssyncadd.s32 $0xFFFFE000  }
0x3b: {  	[tilespmem:s11], [sflag:$0x1] =	stream.indirect.gather [hbm4b:s2+s10], $0x40, s17, s10, $0xb8;
	[tilespmem:$0x6800] =	vst v63  }
0x3c: {  	_ =	swait.ge [sflag:s14], $0x2000  }
0x3d: {  	[sflag:s14] =	ssyncset.done $0x0  }
0x3e: {  	s31 =	sadd.s32 $0x400, s18;
	[sflag:s14] =	ssyncadd.s32 $0xFFFFE000  }
0x3f: {  	[hbm4b:s31+s3] =	stream.linear.scatter [tilespmem:s12], [sflag:$0x3], $0x2000, $0x38;
	[tilespmem:$0x6800] =	vst v63  }
0x40: {  	_ =	swait.ge [sflag:s9], $0x2000  }
0x41: {  	[sflag:s9] =	ssyncset.done $0x0  }
0x42: {  	[sflag:s9] =	ssyncadd.s32 $0xFFFFE000  }
0x43: {  	[tilespmem:s12], [sflag:$0x2] =	stream.indirect.gather [hbm4b:s2+s10], $0x40, s15, s10, $0xb8;
	[tilespmem:$0x6800] =	vst v63  }
0x44: {  	_ =	swait.ge [sflag:s13], $0x2000  }
0x45: {  	[sflag:s13] =	ssyncset.done $0x0  }
0x46: {  	[sflag:s13] =	ssyncadd.s32 $0xFFFFE000  }
0x47: {  	[hbm4b:s6+s3] =	stream.linear.scatter [tilespmem:s11], [sflag:$0x3], $0x2000, $0x38;
	[tilespmem:$0x6800] =	vst v63  }
0x48: {  	_ =	swait.ge [sflag:s9], $0x2000  }
0x49: {  	[sflag:s9] =	ssyncset.done $0x0  }
0x4a: {  	[sflag:s9] =	ssyncadd.s32 $0xFFFFE000  }
0x4b: {  	s16 =	sadd.s32 $0x1, s16;
	_ =	swait.ge [sflag:s14], $0x2000  }
0x4c: {  	p0 =	sne.s32 s16, s5;
	[sflag:s14] =	ssyncset.done $0x0  }
.Ltmp1:
0x4d: {  	[sflag:s14] =	ssyncadd.s32 $0xFFFFE000;
	(pc) =	sbr.rel @p0 .LBB2_1-.Ltmp1, $4  }
0x4e: {  	[hbm4b:s7+s3] =	stream.linear.scatter [tilespmem:s12], [sflag:$0x3], $0x2000, $0x38;
	[tilespmem:$0x6800] =	vst v63  }
0x4f: {  	_ =	swait.ge [sflag:s9], $0x2000  }
0x50: {  	[sflag:s9] =	ssyncset.done $0x0  }
0x51: {  	[sflag:s9] =	ssyncadd.s32 $0xFFFFE000  }
0x52: {  	_ =	sfence.sel $0x180000  }
0x53: {  	[bflag:$0x0] =	sbarrier.arrive $0xFFFF  }
0x54: {  	p0 =	sne.s32 s0, $0x0;
	_ =	strace $0x90000050  }
0x55: {  	s0 =	sadd.s32 @!p0 $0x100000, s1;
	[bflag:$0x2] =	sbarrier.arrive $0xFFFF  }
0x56: {  	[sflag:s0] =	ssyncadd.tile.s32 @!p0 $0x1;
	_ =	shalt  }
.Lfunc_end2:
_tile_overlayer_lowered:
.L_overlay_start_2:
0x57: {  	(tag) =	ssettag $0x2  }
0x58: {  	s0 =	rddreg [dreg:$0x0];
	s2 =	stileid.u32  }
0x59: {  	s1 =	rddreg [dreg:$0x1];
	p0 =	sne.s32 s2, $0x0  }
0x5a: {  	s3 =	rddreg [dreg:$0x2];
	[bflag:$0x3] =	sbarrier.arrive $0xFFFF;
	s2 =	simm.s32 @!p0 $0x1C03  }
0x5b: {  	[timem:s3], [sflag:s2] =	dma.local @!p0 [hbm:s0], s1  }
0x5c: {  	s0 =	simm.s32 @!p0 $0x3  }
0x5d: {  	_ =	swait.ge @!p0 [sflag:s0], s1  }
0x5e: {  	s1 =	ssub.s32 @!p0 $0x0, s1;
	[sflag:s0] =	ssyncset.done @!p0 $0x0  }
0x5f: {  	[sflag:s0] =	ssyncadd.s32 @!p0 s1  }
0x60: {  	[bflag:$0x3] =	sbarrier.arrive $0xFFFF  }
0x61: {  	_ =	shalt  }

// kernel: kernel.26.cloned.1.call-start
scs
__scs_entry_jumppad:
0x0: {  	(pc) =	sbr.rel $0x88, $3  }
0x1: {  	(tag) =	ssettag $0x0;
	lr =	simm.s32 $0x1  }
0x2: {  	[smem:$0x3F87] =	sst lr;
	_ =	strace $0xD0000000  }
0x3: {  	_ = 	snop  }
0x4: {  	_ = 	snop  }
0x5: {  	_ = 	snop  }
0x6: {  	_ = 	snop  }
0x7: {  	_ = 	snop  }
__scs_overlays_trampoline_lowered:
0x8: {  	[smem:$0x3F96] =	sst s0  }
0x9: {  	[smem:$0x3F97] =	sst s1  }
0xa: {  	[smem:$0x3F98] =	sst s2  }
0xb: {  	[smem:$0x3F99] =	sst s3  }
0xc: {  	[smem:$0x3F9A] =	sst s4  }
0xd: {  	[smem:$0x3F9B] =	sst s5  }
0xe: {  	[smem:$0x3F9C] =	sst s6  }
0xf: {  	[smem:$0x3F9D] =	sst s7  }
0x10: {  	[smem:$0x3F9E] =	sst s8  }
0x11: {  	[smem:$0x3F9F] =	sst s9;
	s0 =	simm.s32 @!p0 $0x0  }
0x12: {  	s1 =	sld [smem:$0x3F85];
	s0 =	simm.s32 @p0 $0x1  }
0x13: {  	[smem:$0x3FA0] =	sst s0;
	s0 =	simm.s32 @!p1 $0x0  }
0x14: {  	s2 =	sld [smem:$0x3F84];
	s0 =	simm.s32 @p1 $0x1  }
0x15: {  	[smem:$0x3FA1] =	sst s0;
	s0 =	simm.s32 @!p2 $0x0  }
0x16: {  	s3 =	sld [smem:$0x3FDB];
	s0 =	simm.s32 @p2 $0x1  }
0x17: {  	s4 =	simm.s32 $0x1BF5;
	[smem:$0x3FA3] =	sst s0  }
0x18: {  	s0 =	sld [smem:$0x3F86];
	_ =	swait.ge [sflag:s4], $0x0  }
0x19: {  	s7 =	sld [smem:$0x3F87]  }
0x1a: {  	s8 =	sadd.s32 $0xFFFFE003, lr  }
0x1b: {  	s9 =	sadd.s32 $0xFFFFFEF7, lr;
	s5 =	simm.s32 $0xFFFFFFFF;
	p2 =	slt.u32 s8, $0xFFFFF086  }
0x1c: {  	p1 =	slt.u32 s9, $0xF7A;
	s5 =	simm.s32 @!p2 $0x0  }
0x1d: {  	s5 =	simm.s32 @p1 $0x1;
	p0 =	seq.s32 s7, s2  }
0x1e: {  	s7 =	smul.u32 @!p0 $0xF7A, s2;
	p2 =	seq.s32 @!p0 s5, $0x0  }
0x1f: {  	s9 =	smul.u32 $0xF7A, s1;
	s8 =	simm.s32 @!p0 $0x1BF5;
	p2 =	por !p2, p0  }
0x20: {  	[sflag:s8] =	ssyncset.s32 @!p0 $0xFFFFF086;
	s6 =	sadd.s32 @!p0 s3, s7;
	s7 =	simm.s32 @!p0 $0x108  }
0x21: {  	s3 =	sadd.s32 s3, s9;
	s6 =	sadd.s32 @!p0 $0x88, s6;
	s7 =	simm.s32 @p2 $0x1082  }
0x22: {  	[simem:s7], [sflag:s8] =	dma.local @!p0 [hbm:s6], $0xF7A  }
0x23: {  	s9 =	sor.u32 $0xD0000000, s2;
	s6 =	simm.s32 $0x108;
	_ =	swait.ge @!p0 [sflag:s8], $0x0  }
0x24: {  	s3 =	sadd.s32 $0x88, s3;
	s6 =	simm.s32 @!p1 $0x1082;
	[sflag:s4] =	ssyncset.s32 $0xFFFFF086  }
0x25: {  	[simem:s6], [sflag:s4] =	dma.local [hbm:s3], $0xF7A  }
0x26: {  	[smem:$0x3F87] =	sst s1;
	(tag) =	ssettag s2;
	_ =	strace s9  }
0x27: {  	s1 =	sld [smem:$0x3F97]  }
0x28: {  	s2 =	sld [smem:$0x3F98]  }
0x29: {  	s4 =	sld [smem:$0x3F9A]  }
0x2a: {  	p0 =	seq.s32 s5, $0x0;
	s5 =	sld [smem:$0x3F9B]  }
0x2b: {  	s6 =	sld [smem:$0x3F9C]  }
0x2c: {  	s7 =	sld [smem:$0x3F9D]  }
0x2d: {  	s3 =	simm.s32 $0x108;
	s8 =	sld [smem:$0x3F9E]  }
0x2e: {  	s3 =	simm.s32 @!p0 $0x1082;
	s9 =	sld [smem:$0x3F9F]  }
0x2f: {  	lr =	sadd.s32 s0, s3;
	s0 =	sld [smem:$0x3F96]  }
0x30: {  	s3 =	sld [smem:$0x3F99]  }
0x31: {  	[smem:$0x3FA2] =	sst s10  }
0x32: {  	s10 =	sld [smem:$0x3FA0];
	_ =	sdelay $0x3  }
0x33: {  	p0 =	seq.s32 s10, $0x1;
	s10 =	sld [smem:$0x3FA2];
	_ =	sdelay $0x3  }
0x34: {  	[smem:$0x3FA2] =	sst s10  }
0x35: {  	s10 =	sld [smem:$0x3FA1];
	_ =	sdelay $0x3  }
0x36: {  	p1 =	seq.s32 s10, $0x1;
	s10 =	sld [smem:$0x3FA2];
	_ =	sdelay $0x3  }
0x37: {  	[smem:$0x3FA2] =	sst s10  }
0x38: {  	s10 =	sld [smem:$0x3FA3]  }
0x39: {  	_ = 	snop;
	(pc) =	sbr.ind lr, $3  }
0x3a: {  	_ = 	snop  }
0x3b: {  	_ = 	snop  }
0x3c: {  	p2 =	seq.s32 s10, $0x1;
	s10 =	sld [smem:$0x3FA2]  }
0x3d: {  	_ =	shalt  }
0x3e: {  	_ =	shalt  }
0x3f: {  	_ =	shalt  }
0x40: {  	_ =	shalt  }
0x41: {  	_ =	shalt  }
0x42: {  	_ =	shalt  }
0x43: {  	_ =	shalt  }
0x44: {  	_ =	shalt  }
0x45: {  	_ =	shalt  }
0x46: {  	_ =	shalt  }
0x47: {  	_ =	shalt  }
0x48: {  	_ =	shalt  }
0x49: {  	_ =	shalt  }
0x4a: {  	_ =	shalt  }
0x4b: {  	_ =	shalt  }
0x4c: {  	_ =	shalt  }
0x4d: {  	_ =	shalt  }
0x4e: {  	_ =	shalt  }
0x4f: {  	_ =	shalt  }
0x50: {  	_ =	shalt  }
0x51: {  	_ =	shalt  }
0x52: {  	_ =	shalt  }
0x53: {  	_ =	shalt  }
0x54: {  	_ =	shalt  }
0x55: {  	_ =	shalt  }
0x56: {  	_ =	shalt  }
0x57: {  	_ =	shalt  }
0x58: {  	_ =	shalt  }
0x59: {  	_ =	shalt  }
0x5a: {  	_ =	shalt  }
0x5b: {  	_ =	shalt  }
0x5c: {  	_ =	shalt  }
0x5d: {  	_ =	shalt  }
0x5e: {  	_ =	shalt  }
0x5f: {  	_ =	shalt  }
0x60: {  	_ =	shalt  }
0x61: {  	_ =	shalt  }
0x62: {  	_ =	shalt  }
0x63: {  	_ =	shalt  }
0x64: {  	_ =	shalt  }
0x65: {  	_ =	shalt  }
0x66: {  	_ =	shalt  }
0x67: {  	_ =	shalt  }
0x68: {  	_ =	shalt  }
0x69: {  	_ =	shalt  }
0x6a: {  	_ =	shalt  }
0x6b: {  	_ =	shalt  }
0x6c: {  	_ =	shalt  }
0x6d: {  	_ =	shalt  }
0x6e: {  	_ =	shalt  }
0x6f: {  	_ =	shalt  }
0x70: {  	_ =	shalt  }
0x71: {  	_ =	shalt  }
0x72: {  	_ =	shalt  }
0x73: {  	_ =	shalt  }
0x74: {  	_ =	shalt  }
0x75: {  	_ =	shalt  }
0x76: {  	_ =	shalt  }
0x77: {  	_ =	shalt  }
0x78: {  	_ =	shalt  }
0x79: {  	_ =	shalt  }
0x7a: {  	_ =	shalt  }
0x7b: {  	_ =	shalt  }
0x7c: {  	_ =	shalt  }
0x7d: {  	_ =	shalt  }
0x7e: {  	_ =	shalt  }
0x7f: {  	_ =	shalt  }
0x80: {  	_ =	shalt  }
0x81: {  	_ =	shalt  }
0x82: {  	_ =	shalt  }
0x83: {  	_ =	shalt  }
0x84: {  	_ =	shalt  }
0x85: {  	_ =	shalt  }
0x86: {  	_ =	shalt  }
0x87: {  	_ =	shalt  }
.Lfunc_end0:
.L_simem_size_0:
called_computation.4_lowered:
.L_overlay_start_0:
0x88: {  	s2 =	sld [smem:$0x3FD9]  }
0x89: {  	s3 =	sld [smem:$0x3FFE];
	_ =	sdelay $0x1  }
0x8a: {  	s1 =	srdreg.scid  }
0x8b: {  	s0 =	sand.u32 $0x1, s1  }
0x8c: {  	s14 =	sshll.u32 s0, $0xA;
	s2 =	sadd.s32 s3, s2  }
0x8d: {  	s2 =	sadd.s32 s2, s14  }
0x8e: {  	[smem:$0x3FAE] =	sst s2  }
0x8f: {  	_ = 	snop  }
0x90: {  	s2 =	sld [smem:$0x3FD0];
	_ =	sdelay $0x2  }
0x91: {  	s15 =	simm.s32 $0xA;
	s4 =	simm.s32 $0x10  }
0x92: {  	[smem:s4], [sflag:s15] =	dma.local [hbm:s2], $0x1  }
0x93: {  	_ =	swait.eq [sflag:s15], $0x1  }
0x94: {  	[sflag:s15] =	ssyncset.done $0x0  }
0x95: {  	[sflag:s15] =	ssyncadd.s32 $0xFFFFFFFF  }
0x96: {  	s16 =	sld [smem:$0x11];
	(tm) =	ssettm $0x1  }
0x97: {  	s17 =	sld [smem:$0x3FFB];
	_ =	sdelay $0x3  }
0x98: {  	_ =	strace s17  }
0x99: {  	s3 =	sld [smem:$0x3FFC];
	_ =	sdelay $0x3  }
0x9a: {  	_ =	strace s3  }
0x9b: {  	s3 =	sld [smem:$0x3FFD];
	_ =	sdelay $0x3  }
0x9c: {  	_ =	strace s3  }
0x9d: {  	_ =	strace $0x8FFFFFFF  }
0x9e: {  	s18 =	sld [smem:$0x3FDB];
	_ =	sdelay $0x1  }
0x9f: {  	s19 =	simm.s32 $_scs_section_size  }
0xa0: {  	s5 =	simm.s32 $_size__tile_overlayer_lowered;
	s6 =	simm.s32 $_tile_overlayer_lowered  }
0xa1: {  	s22 =	simm.s32 $0x1BFF;
	s21 =	sshll.u32 s6, $0x1;
	s3 =	sadd.s32 s19, s18  }
0xa2: {  	s7 =	simm.s32 $0x0;
	s20 =	sshll.u32 s5, $0x1;
	s5 =	sadd.s32 s21, s3  }
0xa3: {  	[timem:s7], [sflag:s22] =	dma.local [hbm:s5], s20  }
0xa4: {  	_ =	swait.ge [sflag:s22], s20  }
0xa5: {  	s4 =	ssub.s32 $0x0, s20;
	[sflag:s22] =	ssyncset.done $0x0  }
0xa6: {  	[sflag:s22] =	ssyncadd.s32 s4;
	_ =	sdelay $0x1  }
0xa7: {  	s23 =	simm.s32 $0x1B8B  }
0xa8: {  	_ =	swait.ge [sflag:s23], $0x1  }
0xa9: {  	[sflag:s23] =	ssyncset.done $0x0  }
0xaa: {  	s25 =	simm.s32 $0x1B8E;
	s24 =	sld [smem:$0x3FFE];
	[sflag:s23] =	ssyncadd.s32 $0xFFFFFFFF  }
0xab: {  	s26 =	simm.s32 $execute0_lowered;
	[smem:$0x3FD2] =	sst s25  }
0xac: {  	s5 =	sshll.u32 s26, $0x1;
	_ =	strace $0x80000052;
	[dreg:$0x1] =	wrdreg $0xFFFFFFFF  }
0xad: {  	s28 =	simm.s32 $_size_execute0_lowered;
	s3 =	sadd.s32 s3, s5;
	[dreg:$0x0] =	wrdreg $0x0  }
0xae: {  	s5 =	sshll.u32 s28, $0x1;
	[dreg:$0x2] =	wrdreg s3  }
0xaf: {  	[dreg:$0x3] =	wrdreg s5  }
0xb0: {  	[dreg:$0x4] =	wrdreg $0xC0  }
0xb1: {  	_ =	task [dreg:s7], $0x5FFFF  }
0xb2: {  	[dreg:$0x1] =	wrdreg $0xFFFFFFFF  }
0xb3: {  	[dreg:$0x0] =	wrdreg $0x60  }
0xb4: {  	[dreg:$0x2] =	wrdreg s24  }
0xb5: {  	[dreg:$0x3] =	wrdreg s16  }
0xb6: {  	[dreg:$0x4] =	wrdreg $0x68000  }
0xb7: {  	[dreg:$0x5] =	wrdreg $0x9  }
0xb8: {  	_ =	task.clear_ibuf [dreg:s7], $0x6FFFF;
	_ =	strace $0x90000052  }
0xb9: {  	s29 =	simm.s32 $0x9;
	_ =	strace $0x80000054  }
0xba: {  	_ =	swait.ge [sflag:s29], $0x1  }
0xbb: {  	[sflag:s29] =	ssyncadd.s32 $0xFFFFFFFF  }
0xbc: {  	_ =	strace $0x90000054  }
0xbd: {  	_ =	sfence  }
0xbe: {  	s30 =	sld [smem:$0x0];
	_ =	sdelay $0x2  }
0xbf: {  	s31 =	sshll.u32 s1, $0xD;
	s1 =	sshrl.u32 s1, $0x2  }
0xc0: {  	s3 =	sand.u32 $0x4000, s31;
	s1 =	sadd.s32 s1, s30  }
0xc1: {  	s0 =	sor.u32 s3, s0;
	s1 =	sshll.u32 s1, $0x11  }
0xc2: {  	s0 =	sor.u32 s1, s0  }
0xc3: {  	s0 =	sadd.s32 $0x8F2B, s0  }
0xc4: {  	[sflag:s0] =	ssyncadd.remote.s32 $0x1  }
0xc5: {  	_ =	sfence.sel $0xFFFF  }
0xc6: {  	[dreg:$0x0] =	wrdreg $0xFFFFFFFF;
	(pc) =	sbr.abs _section_cstart, $3  }
0xc7: {  	[dreg:$0x1] =	wrdreg $0xFFFFFFFF  }
0xc8: {  	_ =	task.clear_ibuf [dreg:s7], $0x2FFFF;
	_ =	strace $0x9FFFFFFF  }
0xc9: {  	(tm) =	ssettm $0x7FFFFFFF  }
tec
execute0_lowered:
.L_overlay_start_1:
0x0: {  	(tag) =	ssettag $0x1  }
0x1: {  	s5 =	rddreg [dreg:$0x0]  }
0x2: {  	s6 =	rddreg [dreg:$0x1]  }
0x3: {  	s0 =	srdreg.scid;
	s2 =	rddreg [dreg:$0x2]  }
0x4: {  	s3 =	simm.s32 $0x0;
	s15 =	simm.s32 $0x4800;
	s16 =	simm.s32 $0x1  }
0x5: {  	s17 =	simm.s32 $0x80;
	s4 =	sand.u32 $0x1, s0;
	s0 =	stileid.u32  }
0x6: {  	s18 =	simm.s32 $0x2;
	s19 =	simm.s32 $0x2700;
	s9 =	smul.u32 $0x1400, s0  }
0x7: {  	s20 =	simm.s32 $0x2780;
	s21 =	simm.s32 $0x0;
	s10 =	smul.u32 $0x14000, s4  }
0x8: {  	[smem:$0x7FF] =	sst s3;
	s12 =	sadd.s32 $0x8400, s5;
	s11 =	smul.u32 $0xA000, s0  }
0x9: {  	s1 =	sshll.u32 s4, $0x4;
	s26 =	ssub.s32 $0x2, s4;
	s14 =	smul.u32 $0x140000, s4  }
0xa: {  	s30 =	sshll.u32 s0, $0x6;
	s31 =	smul.u32 $0x14000, s0;
	s7 =	sor.u32 s0, s1  }
0xb: {  	s1 =	rddreg [dreg:$0x3];
	_ =	strace $0x80000053;
	s28 =	sshrl.u32 s26, $0x1  }
0xc: {  	s8 =	smul.u32 $0x500, s7;
	s9 =	sadd.s32 s9, s10;
	s10 =	ssub.s32 s26, s28  }
0xd: {  	s13 =	sadd.s32 s11, s2;
	s7 =	smul.u32 $0x14000, s7;
	s29 =	sshrl.u32 s11, $0x3  }
0xe: {  	s9 =	sadd.s32 s9, s5;
	s8 =	sadd.s32 s8, s5;
	s5 =	sor.u32 $0x1C03, s30  }
0xf: {  	s7 =	sadd.s32 s12, s7;
	s12 =	sadd.s32 s14, s12;
	s14 =	simm.s32 $0x2800  }
0x10: {  	s4 =	sadd.s32 s6, s29;
	s6 =	sadd.s32 $0x788400, s8;
	s8 =	sadd.s32 $0x530400, s9  }
0x11: {  	s9 =	smax.u32 s10, $0x1;
	s11 =	sadd.s32 s31, s12;
	s10 =	sadd.s32 $0x13C00, s7  }
0x12: {  	s12 =	sshrl.u32 s13, $0x3;
	s13 =	simm.s32 $0x3;
	s11 =	sadd.s32 $0x800, s11  }
.LBB2_1:
0x13: {  	[spmem:s12], [sflag:s5] =	dma.local [hbm:s4], $0x1400  }
0x14: {  	_ =	swait.ge [sflag:s13], $0x1400  }
0x15: {  	[sflag:s13] =	ssyncset.done $0x0  }
0x16: {  	[sflag:s13] =	ssyncadd.s32 $0xFFFFEC00  }
0x17: {  	[bflag:$0x0] =	sbarrier.arrive $0xFFFF  }
0x18: {  	[tilespmem:s3], [sflag:$0x3] =	stream.linear.gather [hbm4b:s6+s3], $0x2800, $0x38;
	[tilespmem:$0x10800] =	vst v63  }
0x19: {  	_ =	swait.ge [sflag:s13], $0x2800  }
0x1a: {  	[sflag:s13] =	ssyncset.done $0x0  }
0x1b: {  	[sflag:s13] =	ssyncadd.s32 $0xFFFFD800  }
0x1c: {  	[tilespmem:s14], [sflag:$0x1] =	stream.linear.gather [hbm4b:s7+s3], $0x2000, $0x38;
	[tilespmem:$0x10800] =	vst v63  }
0x1d: {  	s22 =	sadd.s32 $0xFFFFFC00, s11  }
0x1e: {  	[tilespmem:s15], [sflag:$0x2] =	stream.linear.gather [hbm4b:s22+s3], $0x2000, $0x38;
	[tilespmem:$0x10800] =	vst v63  }
0x1f: {  	_ =	swait.ge [sflag:s16], $0x2000  }
0x20: {  	[sflag:s16] =	ssyncset.done $0x0  }
0x21: {  	s30 =	simm.s32 $0x0;
	[sflag:s16] =	ssyncadd.s32 $0xFFFFE000  }
0x22: {  	[spmem:s2] =	stream.indirect.scatter.add.f32 [tilespmem:s14], [sflag:$0x3], $0x40, s30, s17, $0xb8;
	[tilespmem:$0x10800] =	vst v63  }
0x23: {  	_ =	swait.ge [sflag:s13], $0x2000  }
0x24: {  	[sflag:s13] =	ssyncset.done $0x0  }
0x25: {  	[sflag:s13] =	ssyncadd.s32 $0xFFFFE000  }
0x26: {  	[tilespmem:s14], [sflag:$0x1] =	stream.linear.gather [hbm4b:s11+s3], $0x2000, $0x38;
	[tilespmem:$0x10800] =	vst v63  }
0x27: {  	_ =	swait.ge [sflag:s18], $0x2000  }
0x28: {  	[sflag:s18] =	ssyncset.done $0x0  }
0x29: {  	s31 =	simm.s32 $0x80;
	[sflag:s18] =	ssyncadd.s32 $0xFFFFE000  }
0x2a: {  	[spmem:s2] =	stream.indirect.scatter.add.f32 [tilespmem:s15], [sflag:$0x3], $0x40, s31, s17, $0xb8;
	[tilespmem:$0x10800] =	vst v63  }
0x2b: {  	s23 =	simm.s32 $0x400;
	_ =	swait.ge [sflag:s13], $0x2000  }
0x2c: {  	s24 =	simm.s32 $0x800;
	s22 =	sadd.s32 $0x800, s11;
	[sflag:s13] =	ssyncset.done $0x0  }
.LBB2_2:
0x2d: {  	p0 =	sne.s32 s24, $0x9800;
	s25 =	sadd.s32 $0xFFFFFC00, s22;
	[sflag:s13] =	ssyncadd.s32 $0xFFFFE000  }
0x2e: {  	[tilespmem:s15], [sflag:$0x2] =	stream.linear.gather [hbm4b:s25+s3], $0x2000, $0x38;
	[tilespmem:$0x10800] =	vst v63  }
0x2f: {  	s25 =	smov.u32 s24;
	s24 =	sadd.s32 $0x400, s24;
	_ =	swait.ge [sflag:s16], $0x2000  }
0x30: {  	[sflag:s16] =	ssyncset.done $0x0  }
0x31: {  	s26 =	sshra.s32 s23, $0x2;
	s23 =	smov.u32 s25;
	[sflag:s16] =	ssyncadd.s32 $0xFFFFE000  }
0x32: {  	[spmem:s2] =	stream.indirect.scatter.add.f32 [tilespmem:s14], [sflag:$0x3], $0x40, s26, s17, $0xb8;
	[tilespmem:$0x10800] =	vst v63  }
0x33: {  	_ =	swait.ge [sflag:s13], $0x2000  }
0x34: {  	[sflag:s13] =	ssyncset.done $0x0  }
0x35: {  	[sflag:s13] =	ssyncadd.s32 $0xFFFFE000  }
0x36: {  	[tilespmem:s14], [sflag:$0x1] =	stream.linear.gather [hbm4b:s22+s3], $0x2000, $0x38;
	[tilespmem:$0x10800] =	vst v63  }
0x37: {  	_ =	swait.ge [sflag:s18], $0x2000  }
.Ltmp0:
0x38: {  	[sflag:s18] =	ssyncset.done $0x0;
	(pc) =	sbr.rel @p0 .LBB2_2-.Ltmp0, $4  }
0x39: {  	s25 =	sadd.s32 $0x80, s26;
	[sflag:s18] =	ssyncadd.s32 $0xFFFFE000  }
0x3a: {  	[spmem:s2] =	stream.indirect.scatter.add.f32 [tilespmem:s15], [sflag:$0x3], $0x40, s25, s17, $0xb8;
	[tilespmem:$0x10800] =	vst v63  }
0x3b: {  	_ =	swait.ge [sflag:s13], $0x2000  }
0x3c: {  	s22 =	sadd.s32 $0x800, s22;
	[sflag:s13] =	ssyncset.done $0x0  }
0x3d: {  	s24 =	sadd.s32 $0xFFFFFC00, s22;
	[sflag:s13] =	ssyncadd.s32 $0xFFFFE000  }
0x3e: {  	[tilespmem:s15], [sflag:$0x2] =	stream.linear.gather [hbm4b:s24+s3], $0x2000, $0x38;
	[tilespmem:$0x10800] =	vst v63  }
0x3f: {  	_ =	swait.ge [sflag:s16], $0x2000  }
0x40: {  	[sflag:s16] =	ssyncset.done $0x0  }
0x41: {  	s23 =	sshra.s32 s23, $0x2;
	[sflag:s16] =	ssyncadd.s32 $0xFFFFE000  }
0x42: {  	[spmem:s2] =	stream.indirect.scatter.add.f32 [tilespmem:s14], [sflag:$0x3], $0x40, s23, s17, $0xb8;
	[tilespmem:$0x10800] =	vst v63  }
0x43: {  	_ =	swait.ge [sflag:s13], $0x2000  }
0x44: {  	[sflag:s13] =	ssyncset.done $0x0  }
0x45: {  	[sflag:s13] =	ssyncadd.s32 $0xFFFFE000  }
0x46: {  	[tilespmem:s14], [sflag:$0x1] =	stream.linear.gather [hbm4b:s22+s3], $0x2000, $0x38;
	[tilespmem:$0x10800] =	vst v63  }
0x47: {  	_ =	swait.ge [sflag:s18], $0x2000  }
0x48: {  	[sflag:s18] =	ssyncset.done $0x0  }
0x49: {  	s31 =	sadd.s32 $0x80, s23;
	[sflag:s18] =	ssyncadd.s32 $0xFFFFE000  }
0x4a: {  	[spmem:s2] =	stream.indirect.scatter.add.f32 [tilespmem:s15], [sflag:$0x3], $0x40, s31, s17, $0xb8;
	[tilespmem:$0x10800] =	vst v63  }
0x4b: {  	_ =	swait.ge [sflag:s13], $0x2000  }
0x4c: {  	[sflag:s13] =	ssyncset.done $0x0  }
0x4d: {  	[sflag:s13] =	ssyncadd.s32 $0xFFFFE000  }
0x4e: {  	[tilespmem:s15], [sflag:$0x2] =	stream.linear.gather [hbm4b:s10+s3], $0x2000, $0x38;
	[tilespmem:$0x10800] =	vst v63  }
0x4f: {  	_ =	swait.ge [sflag:s16], $0x2000  }
0x50: {  	[sflag:s16] =	ssyncset.done $0x0  }
0x51: {  	[sflag:s16] =	ssyncadd.s32 $0xFFFFE000  }
0x52: {  	[spmem:s2] =	stream.indirect.scatter.add.f32 [tilespmem:s14], [sflag:$0x3], $0x40, s19, s17, $0xb8;
	[tilespmem:$0x10800] =	vst v63  }
0x53: {  	_ =	swait.ge [sflag:s13], $0x2000  }
0x54: {  	[sflag:s13] =	ssyncset.done $0x0  }
0x55: {  	[sflag:s13] =	ssyncadd.s32 $0xFFFFE000  }
0x56: {  	_ =	swait.ge [sflag:s18], $0x2000  }
0x57: {  	[sflag:s18] =	ssyncset.done $0x0  }
0x58: {  	[sflag:s18] =	ssyncadd.s32 $0xFFFFE000  }
0x59: {  	[spmem:s2] =	stream.indirect.scatter.add.f32 [tilespmem:s15], [sflag:$0x3], $0x40, s20, s17, $0xb8;
	[tilespmem:$0x10800] =	vst v63  }
0x5a: {  	_ =	swait.ge [sflag:s13], $0x2000  }
0x5b: {  	s21 =	sadd.s32 $0x1, s21;
	[sflag:s13] =	ssyncset.done $0x0  }
0x5c: {  	p0 =	sne.s32 s21, s9;
	[sflag:s13] =	ssyncadd.s32 $0xFFFFE000  }
.Ltmp1:
0x5d: {  	[bflag:$0x0] =	sbarrier.arrive $0xFFFF;
	(pc) =	sbr.rel @p0 .LBB2_1-.Ltmp1, $4  }
0x5e: {  	[hbm:s8], [sflag:s5] =	dma.local [spmem:s12], $0x1400  }
0x5f: {  	_ =	swait.ge [sflag:s13], $0x1400  }
0x60: {  	[sflag:s13] =	ssyncset.done $0x0  }
0x61: {  	[sflag:s13] =	ssyncadd.s32 $0xFFFFEC00  }
0x62: {  	_ =	sfence.sel $0x180000  }
0x63: {  	[bflag:$0x0] =	sbarrier.arrive $0xFFFF  }
0x64: {  	p0 =	sne.s32 s0, $0x0;
	_ =	strace $0x90000053  }
0x65: {  	s0 =	sadd.s32 @!p0 $0x100000, s1;
	[bflag:$0x2] =	sbarrier.arrive $0xFFFF  }
0x66: {  	[sflag:s0] =	ssyncadd.tile.s32 @!p0 $0x1;
	_ =	shalt  }
.Lfunc_end2:
_tile_overlayer_lowered:
.L_overlay_start_2:
0x67: {  	(tag) =	ssettag $0x2  }
0x68: {  	s0 =	rddreg [dreg:$0x0];
	s2 =	stileid.u32  }
0x69: {  	s1 =	rddreg [dreg:$0x1];
	p0 =	sne.s32 s2, $0x0  }
0x6a: {  	s3 =	rddreg [dreg:$0x2];
	[bflag:$0x3] =	sbarrier.arrive $0xFFFF;
	s2 =	simm.s32 @!p0 $0x1C03  }
0x6b: {  	[timem:s3], [sflag:s2] =	dma.local @!p0 [hbm:s0], s1  }
0x6c: {  	s0 =	simm.s32 @!p0 $0x3  }
0x6d: {  	_ =	swait.ge @!p0 [sflag:s0], s1  }
0x6e: {  	s1 =	ssub.s32 @!p0 $0x0, s1;
	[sflag:s0] =	ssyncset.done @!p0 $0x0  }
0x6f: {  	[sflag:s0] =	ssyncadd.s32 @!p0 s1  }
0x70: {  	[bflag:$0x3] =	sbarrier.arrive $0xFFFF  }
0x71: {  	_ =	shalt  }

</sc_bundles>
